<compile_context>
chip_gen: v7x
topology: tpu7x:2x2x1
jax: 0.10.2.dev20260603
libtpu: 0.0.44.dev20260713+nightly
codegen_flags: <defaults>
</compile_context>

<pallas_src>
import functools

import jax
import jax.numpy as jnp
from jax import lax
from jax.experimental import pallas as pl
from jax.experimental.pallas import tpu as pltpu
from jax.experimental.pallas import tpu_sc as plsc

N_NODES = 100000
N_EDGES = 1600000
WIDTH = 32

NC = 2
NS = 16
NW = NC * NS

CHUNK = 128
SB = 8
BLKE = SB * CHUNK
NPW = 3136
NPAD = NW * NPW
NZS = NPAD // NS
EPW = 50176
EPAD = NW * EPW
NBLOCKS = EPW // BLKE

_mesh = lambda: plsc.VectorSubcoreMesh(core_axis_name="c", subcore_axis_name="s")


def _wid():
    return lax.axis_index("c") * NS + lax.axis_index("s")


def _zero_spmem(zbuf, accs):
    sid = lax.axis_index("s")

    def zb(i, _):
        zbuf[pl.ds(i * 16, 16)] = jnp.zeros((16,), jnp.float32)
        return 0

    lax.fori_loop(0, NZS // 16, zb, 0)
    for acc in accs:
        pltpu.sync_copy(zbuf, acc.at[pl.ds(sid * NZS, NZS)])
    plsc.subcore_barrier()


def _dump_spmem(out_hbm, kind, acc):
    cid = lax.axis_index("c")
    sid = lax.axis_index("s")
    base = (kind * NC + cid) * NPAD + sid * NZS
    pltpu.sync_copy(acc.at[pl.ds(sid * NZS, NZS)], out_hbm.at[pl.ds(base, NZS)])


@functools.partial(
    pl.kernel,
    out_type=jax.ShapeDtypeStruct((2 * NC * NPAD,), jnp.float32),
    mesh=_mesh(),
    scratch_types=[
        [pltpu.VMEM((CHUNK,), jnp.int32)] * SB,
        [pltpu.VMEM((CHUNK,), jnp.int32)] * SB,
        pltpu.VMEM((CHUNK,), jnp.float32),
        pltpu.VMEM((NZS,), jnp.float32),
        pltpu.VMEM_SHARED((NPAD,), jnp.float32),
        pltpu.VMEM_SHARED((NPAD,), jnp.float32),
        pltpu.SemaphoreType.DMA,
        pltpu.SemaphoreType.DMA,
    ],
)
def _k_degrees(src_hbm, dst_hbm, out_hbm, sidx, didx, ones_v, zbuf, acc_o, acc_i,
               sem_i, sem_s):
    def fill(i, _):
        ones_v[pl.ds(i * 16, 16)] = jnp.ones((16,), jnp.float32)
        return 0

    lax.fori_loop(0, CHUNK // 16, fill, 0)
    _zero_spmem(zbuf, (acc_o, acc_i))

    eb = _wid() * EPW

    def body(t, _):
        o = eb + t * BLKE
        ld = []
        for j in range(SB):
            ld.append(pltpu.async_copy(
                src_hbm.at[pl.ds(o + j * CHUNK, CHUNK)], sidx[j], sem_i))
            ld.append(pltpu.async_copy(
                dst_hbm.at[pl.ds(o + j * CHUNK, CHUNK)], didx[j], sem_i))
        for d in ld:
            d.wait()
        sc = []
        for j in range(SB):
            sc.append(pltpu.async_copy(ones_v, acc_o.at[sidx[j]], sem_s, add=True))
            sc.append(pltpu.async_copy(ones_v, acc_i.at[didx[j]], sem_s, add=True))
        for d in sc:
            d.wait()
        return 0

    lax.fori_loop(0, NBLOCKS, body, 0)
    plsc.subcore_barrier()
    _dump_spmem(out_hbm, 0, acc_o)
    _dump_spmem(out_hbm, 1, acc_i)


NROW = NPAD // 128


def _refined_rsqrt(d):
    y = jax.lax.rsqrt(d)
    return y * (1.5 - 0.5 * d * y * y)


def _k_norms_body(xp_ref, degs_ref, p_ref, q_ref, r_ref):
    do = degs_ref[0] + degs_ref[1]
    di = degs_ref[2] + degs_ref[3]
    r = _refined_rsqrt(jnp.where(do > 0.0, do, 1.0))
    q_ref[...] = _refined_rsqrt(jnp.where(di > 0.0, di, 1.0))
    r_ref[...] = r
    p_ref[...] = r * xp_ref[...]


def _k_norms(xp, degs):
    return pl.pallas_call(
        _k_norms_body,
        out_shape=(
            jax.ShapeDtypeStruct((NROW, 128), jnp.float32),
            jax.ShapeDtypeStruct((NROW, 128), jnp.float32),
            jax.ShapeDtypeStruct((NROW, 128), jnp.float32),
        ),
    )(xp.reshape(NROW, 128), degs.reshape(4, NROW, 128))


@functools.partial(
    pl.kernel,
    out_type=jax.ShapeDtypeStruct((2 * NC * NPAD,), jnp.float32),
    mesh=_mesh(),
    scratch_types=[
        [pltpu.VMEM((CHUNK,), jnp.int32)] * SB,
        [pltpu.VMEM((CHUNK,), jnp.int32)] * SB,
        [pltpu.VMEM((CHUNK,), jnp.float32)] * SB,
        [pltpu.VMEM((CHUNK,), jnp.float32)] * SB,
        pltpu.VMEM((NZS,), jnp.float32),
        pltpu.VMEM_SHARED((NPAD,), jnp.float32),
        pltpu.VMEM_SHARED((NPAD,), jnp.float32),
        pltpu.VMEM_SHARED((NPAD,), jnp.float32),
        pltpu.VMEM_SHARED((NPAD,), jnp.float32),
        pltpu.SemaphoreType.DMA,
        pltpu.SemaphoreType.DMA,
        pltpu.SemaphoreType.DMA,
    ],
)
def _k_edges(src_hbm, dst_hbm, p_hbm, q_hbm, out_hbm,
             sidx, didx, pv, qv, zbuf, acc_s, acc_v, p_sp, q_sp, sem_i, sem_g, sem_s):
    sid = lax.axis_index("s")
    sl16 = pl.ds(sid * NZS, NZS)
    pltpu.sync_copy(p_hbm.at[sl16], zbuf)
    pltpu.sync_copy(zbuf, p_sp.at[sl16])
    pltpu.sync_copy(q_hbm.at[sl16], zbuf)
    pltpu.sync_copy(zbuf, q_sp.at[sl16])
    _zero_spmem(zbuf, (acc_s, acc_v))

    eb = _wid() * EPW

    def body(t, _):
        o = eb + t * BLKE
        ld = []
        for j in range(SB):
            ld.append(pltpu.async_copy(
                src_hbm.at[pl.ds(o + j * CHUNK, CHUNK)], sidx[j], sem_i))
            ld.append(pltpu.async_copy(
                dst_hbm.at[pl.ds(o + j * CHUNK, CHUNK)], didx[j], sem_i))
        for d in ld:
            d.wait()
        gp = [pltpu.async_copy(p_sp.at[sidx[j]], pv[j], sem_g) for j in range(SB)]
        for d in gp:
            d.wait()
        sp = [pltpu.async_copy(pv[j], acc_s.at[didx[j]], sem_s, add=True)
              for j in range(SB)]
        gq = [pltpu.async_copy(q_sp.at[didx[j]], qv[j], sem_g) for j in range(SB)]
        for d in gq:
            d.wait()
        sq = [pltpu.async_copy(qv[j], acc_v.at[sidx[j]], sem_s, add=True)
              for j in range(SB)]
        for d in sp + sq:
            d.wait()
        return 0

    lax.fori_loop(0, NBLOCKS, body, 0)
    plsc.subcore_barrier()
    _dump_spmem(out_hbm, 0, acc_s)
    _dump_spmem(out_hbm, 1, acc_v)


def _k_reduce_body(sv_ref, q_ref, r_ref, w1_ref, b1_ref, w2_ref, b2_ref, out_ref):
    s = q_ref[...] * (sv_ref[0] + sv_ref[1])
    v = r_ref[...] * (sv_ref[2] + sv_ref[3])
    g = (jax.lax.broadcasted_iota(jnp.int32, (NROW, 128), 0) * 128
         + jax.lax.broadcasted_iota(jnp.int32, (NROW, 128), 1))
    v = jnp.where(g < N_NODES, v, 0.0)
    t = jnp.zeros((NROW, 128), jnp.float32)
    for j in range(WIDTH):
        t = t + jnp.maximum(s * w1_ref[j] + b1_ref[j], 0.0) * w2_ref[j]
    out_ref[0, 0] = jnp.sum(v * t) / N_NODES + b2_ref[0]


def _k_reduce(sv, q, r, w1, b1, w2, b2):
    return pl.pallas_call(
        _k_reduce_body,
        in_specs=[
            pl.BlockSpec(memory_space=pltpu.MemorySpace.VMEM),
            pl.BlockSpec(memory_space=pltpu.MemorySpace.VMEM),
            pl.BlockSpec(memory_space=pltpu.MemorySpace.VMEM),
            pl.BlockSpec(memory_space=pltpu.MemorySpace.SMEM),
            pl.BlockSpec(memory_space=pltpu.MemorySpace.SMEM),
            pl.BlockSpec(memory_space=pltpu.MemorySpace.SMEM),
            pl.BlockSpec(memory_space=pltpu.MemorySpace.SMEM),
        ],
        out_specs=pl.BlockSpec(memory_space=pltpu.MemorySpace.SMEM),
        out_shape=jax.ShapeDtypeStruct((1, 1), jnp.float32),
    )(sv.reshape(4, NROW, 128), q, r, w1, b1, w2, b2)


def kernel(x, edge_index, W1, b1, W2, b2):
    src = edge_index[0].astype(jnp.int32)
    dst = edge_index[1].astype(jnp.int32)
    fill = jnp.full((EPAD - N_EDGES,), NPAD - 1, jnp.int32)
    srcp = jnp.concatenate([src, fill])
    dstp = jnp.concatenate([dst, fill])
    xp = jnp.pad(x[:, 0], (0, NPAD - N_NODES))

    degs = _k_degrees(srcp, dstp)
    p, q, r = _k_norms(xp, degs)
    sv = _k_edges(srcp, dstp, p.reshape(NPAD), q.reshape(NPAD))
    out = _k_reduce(sv, q, r, W1.reshape(WIDTH), b1, W2.reshape(WIDTH), b2)
    return out[0, 0]

# --- scband reference (transcript-rebuilt; emitter-appended) ---
"""Pipeline reference for scband-simple-gcn-86981677679168 (READ-ONLY COPY).

The authoritative reference and input builder live on the scoring server;
editing this copy changes nothing except your own understanding.
"""

import jax, jax.numpy as jnp
import numpy as np

N_NODES = 100000
N_EDGES = 1600000
IN_FEAT = 1
WIDTH = 32


def setup_inputs(seed: int = 0) -> dict:
    key = jax.random.key(seed)
    k1, k2, k3, k4 = jax.random.split(key, 4)
    x = jax.random.normal(k1, (N_NODES, IN_FEAT), dtype=jnp.float32)
    edge_index = jax.random.randint(k2, (2, N_EDGES), 0, N_NODES)
    # learned parameters for the two GraphConv layers (glorot-ish init)
    W1 = jax.random.normal(k3, (IN_FEAT, WIDTH), dtype=jnp.float32) * (1.0 / np.sqrt(IN_FEAT))
    b1 = jnp.zeros((WIDTH,), dtype=jnp.float32)
    W2 = jax.random.normal(k4, (WIDTH, 1), dtype=jnp.float32) * (1.0 / np.sqrt(WIDTH))
    b2 = jnp.zeros((1,), dtype=jnp.float32)
    return {"x": x, "edge_index": edge_index, "W1": W1, "b1": b1, "W2": W2, "b2": b2}


def _graph_conv(x, W, b, src, dst, n):
    # DGL GraphConv with norm='both': D_out^{-1/2} A D_in^{-1/2} X W + b
    ones = jnp.ones((src.shape[0],), dtype=x.dtype)
    deg_out = jax.ops.segment_sum(ones, src, num_segments=n)
    deg_in = jax.ops.segment_sum(ones, dst, num_segments=n)
    norm_src = jnp.where(deg_out > 0, deg_out, 1.0) ** -0.5
    norm_dst = jnp.where(deg_in > 0, deg_in, 1.0) ** -0.5
    h = x * norm_src[:, None]
    msgs = jnp.take(h, src, axis=0)
    agg = jax.ops.segment_sum(msgs, dst, num_segments=n)
    agg = agg * norm_dst[:, None]
    return agg @ W + b


def reference(x, edge_index, W1, b1, W2, b2):
    src = edge_index[0]
    dst = edge_index[1]
    n = x.shape[0]
    h = jax.nn.relu(_graph_conv(x, W1, b1, src, dst, n))
    h = _graph_conv(h, W2, b2, src, dst, n)
    # AvgPooling readout over the single graph -> [1] -> squeeze to scalar
    out = jnp.mean(h, axis=0)
    return jnp.squeeze(out)

if __name__ == "__main__":
    import jax
    _d = setup_inputs()
    print(jax.jit(kernel)(*tuple(_d.values())))

</pallas_src>

<mosaic_0001>
#map = affine_map<(d0, d1) -> (0)>
module attributes {stable_mosaic.version = 14 : i64} {
  func.func @_k_edges(%arg0: i32, %arg1: i32, %arg2: memref<1605632xi32, #tpu.memory_space<hbm>>, %arg3: memref<1605632xi32, #tpu.memory_space<hbm>>, %arg4: memref<100352xf32, #tpu.memory_space<hbm>>, %arg5: memref<100352xf32, #tpu.memory_space<hbm>>, %arg6: memref<401408xf32, #tpu.memory_space<hbm>>, %arg7: memref<128xi32, #tpu.memory_space<vmem>>, %arg8: memref<128xi32, #tpu.memory_space<vmem>>, %arg9: memref<128xi32, #tpu.memory_space<vmem>>, %arg10: memref<128xi32, #tpu.memory_space<vmem>>, %arg11: memref<128xi32, #tpu.memory_space<vmem>>, %arg12: memref<128xi32, #tpu.memory_space<vmem>>, %arg13: memref<128xi32, #tpu.memory_space<vmem>>, %arg14: memref<128xi32, #tpu.memory_space<vmem>>, %arg15: memref<128xi32, #tpu.memory_space<vmem>>, %arg16: memref<128xi32, #tpu.memory_space<vmem>>, %arg17: memref<128xi32, #tpu.memory_space<vmem>>, %arg18: memref<128xi32, #tpu.memory_space<vmem>>, %arg19: memref<128xi32, #tpu.memory_space<vmem>>, %arg20: memref<128xi32, #tpu.memory_space<vmem>>, %arg21: memref<128xi32, #tpu.memory_space<vmem>>, %arg22: memref<128xi32, #tpu.memory_space<vmem>>, %arg23: memref<128xf32, #tpu.memory_space<vmem>>, %arg24: memref<128xf32, #tpu.memory_space<vmem>>, %arg25: memref<128xf32, #tpu.memory_space<vmem>>, %arg26: memref<128xf32, #tpu.memory_space<vmem>>, %arg27: memref<128xf32, #tpu.memory_space<vmem>>, %arg28: memref<128xf32, #tpu.memory_space<vmem>>, %arg29: memref<128xf32, #tpu.memory_space<vmem>>, %arg30: memref<128xf32, #tpu.memory_space<vmem>>, %arg31: memref<128xf32, #tpu.memory_space<vmem>>, %arg32: memref<128xf32, #tpu.memory_space<vmem>>, %arg33: memref<128xf32, #tpu.memory_space<vmem>>, %arg34: memref<128xf32, #tpu.memory_space<vmem>>, %arg35: memref<128xf32, #tpu.memory_space<vmem>>, %arg36: memref<128xf32, #tpu.memory_space<vmem>>, %arg37: memref<128xf32, #tpu.memory_space<vmem>>, %arg38: memref<128xf32, #tpu.memory_space<vmem>>, %arg39: memref<6272xf32, #tpu.memory_space<vmem>>, %arg40: memref<100352xf32, #tpu.memory_space<vmem_shared>>, %arg41: memref<100352xf32, #tpu.memory_space<vmem_shared>>, %arg42: memref<100352xf32, #tpu.memory_space<vmem_shared>>, %arg43: memref<100352xf32, #tpu.memory_space<vmem_shared>>, %arg44: memref<!tpu.dma_semaphore, #tpu.memory_space<semaphore_mem>>, %arg45: memref<!tpu.dma_semaphore, #tpu.memory_space<semaphore_mem>>, %arg46: memref<!tpu.dma_semaphore, #tpu.memory_space<semaphore_mem>>) attributes {dimension_semantics = [#tpu.dimension_semantics<core_parallel>, #tpu.dimension_semantics<subcore_parallel>], iteration_bounds = array<i64: 2, 16>, scalar_prefetch = 0 : i64, scratch_operands = 40 : i64, tpu.core_type = #tpu.core_type<sc_vector_subcore>, window_params = [{transform_indices = #map}, {transform_indices = #map}, {transform_indices = #map}, {transform_indices = #map}, {transform_indices = #map}]} {
    %mul3A = arith.constant 6272 : i32
    %mul3A_0 = arith.muli %arg1, %mul3A : i32
    "tpu.region"() ({
      %run_scoped3A = tpu.sem_alloc : memref<!tpu.dma_semaphore, #tpu.memory_space<semaphore_mem>>
      %dma_start3A = tpu.memref_slice %arg4[%mul3A_0] : memref<100352xf32, #tpu.memory_space<hbm>> -> memref<6272xf32, #tpu.memory_space<hbm>>
      %dma_start3A_41 = tpu.memref_slice %arg4[%mul3A_0] : memref<100352xf32, #tpu.memory_space<hbm>> -> memref<6272xf32, #tpu.memory_space<hbm>>
      tpu.enqueue_dma source(%dma_start3A_41 : memref<6272xf32, #tpu.memory_space<hbm>>) target(%arg39 : memref<6272xf32, #tpu.memory_space<vmem>>) target_semaphore(%run_scoped3A : memref<!tpu.dma_semaphore, #tpu.memory_space<semaphore_mem>>)
      %dma_wait3A = tpu.memref_slice %arg4[%mul3A_0] : memref<100352xf32, #tpu.memory_space<hbm>> -> memref<6272xf32, #tpu.memory_space<hbm>>
      %dma_wait3A_42 = tpu.memref_slice %arg4[%mul3A_0] : memref<100352xf32, #tpu.memory_space<hbm>> -> memref<6272xf32, #tpu.memory_space<hbm>>
      tpu.wait_dma2 semaphore(%run_scoped3A : memref<!tpu.dma_semaphore, #tpu.memory_space<semaphore_mem>>) src(%dma_wait3A_42 : memref<6272xf32, #tpu.memory_space<hbm>>) dst(%arg39 : memref<6272xf32, #tpu.memory_space<vmem>>)
      tpu.yield
    }) : () -> ()
    "tpu.region"() ({
      %run_scoped3A = tpu.sem_alloc : memref<!tpu.dma_semaphore, #tpu.memory_space<semaphore_mem>>
      %dma_start3A = tpu.memref_slice %arg42[%mul3A_0] : memref<100352xf32, #tpu.memory_space<vmem_shared>> -> memref<6272xf32, #tpu.memory_space<vmem_shared>>
      %dma_start3A_41 = tpu.memref_slice %arg42[%mul3A_0] : memref<100352xf32, #tpu.memory_space<vmem_shared>> -> memref<6272xf32, #tpu.memory_space<vmem_shared>>
      tpu.enqueue_dma source(%arg39 : memref<6272xf32, #tpu.memory_space<vmem>>) target(%dma_start3A_41 : memref<6272xf32, #tpu.memory_space<vmem_shared>>) target_semaphore(%run_scoped3A : memref<!tpu.dma_semaphore, #tpu.memory_space<semaphore_mem>>)
      %dma_wait3A = tpu.memref_slice %arg42[%mul3A_0] : memref<100352xf32, #tpu.memory_space<vmem_shared>> -> memref<6272xf32, #tpu.memory_space<vmem_shared>>
      %dma_wait3A_42 = tpu.memref_slice %arg42[%mul3A_0] : memref<100352xf32, #tpu.memory_space<vmem_shared>> -> memref<6272xf32, #tpu.memory_space<vmem_shared>>
      tpu.wait_dma2 semaphore(%run_scoped3A : memref<!tpu.dma_semaphore, #tpu.memory_space<semaphore_mem>>) src(%arg39 : memref<6272xf32, #tpu.memory_space<vmem>>) dst(%dma_wait3A_42 : memref<6272xf32, #tpu.memory_space<vmem_shared>>)
      tpu.yield
    }) : () -> ()
    "tpu.region"() ({
      %run_scoped3A = tpu.sem_alloc : memref<!tpu.dma_semaphore, #tpu.memory_space<semaphore_mem>>
      %dma_start3A = tpu.memref_slice %arg5[%mul3A_0] : memref<100352xf32, #tpu.memory_space<hbm>> -> memref<6272xf32, #tpu.memory_space<hbm>>
      %dma_start3A_41 = tpu.memref_slice %arg5[%mul3A_0] : memref<100352xf32, #tpu.memory_space<hbm>> -> memref<6272xf32, #tpu.memory_space<hbm>>
      tpu.enqueue_dma source(%dma_start3A_41 : memref<6272xf32, #tpu.memory_space<hbm>>) target(%arg39 : memref<6272xf32, #tpu.memory_space<vmem>>) target_semaphore(%run_scoped3A : memref<!tpu.dma_semaphore, #tpu.memory_space<semaphore_mem>>)
      %dma_wait3A = tpu.memref_slice %arg5[%mul3A_0] : memref<100352xf32, #tpu.memory_space<hbm>> -> memref<6272xf32, #tpu.memory_space<hbm>>
      %dma_wait3A_42 = tpu.memref_slice %arg5[%mul3A_0] : memref<100352xf32, #tpu.memory_space<hbm>> -> memref<6272xf32, #tpu.memory_space<hbm>>
      tpu.wait_dma2 semaphore(%run_scoped3A : memref<!tpu.dma_semaphore, #tpu.memory_space<semaphore_mem>>) src(%dma_wait3A_42 : memref<6272xf32, #tpu.memory_space<hbm>>) dst(%arg39 : memref<6272xf32, #tpu.memory_space<vmem>>)
      tpu.yield
    }) : () -> ()
    "tpu.region"() ({
      %run_scoped3A = tpu.sem_alloc : memref<!tpu.dma_semaphore, #tpu.memory_space<semaphore_mem>>
      %dma_start3A = tpu.memref_slice %arg43[%mul3A_0] : memref<100352xf32, #tpu.memory_space<vmem_shared>> -> memref<6272xf32, #tpu.memory_space<vmem_shared>>
      %dma_start3A_41 = tpu.memref_slice %arg43[%mul3A_0] : memref<100352xf32, #tpu.memory_space<vmem_shared>> -> memref<6272xf32, #tpu.memory_space<vmem_shared>>
      tpu.enqueue_dma source(%arg39 : memref<6272xf32, #tpu.memory_space<vmem>>) target(%dma_start3A_41 : memref<6272xf32, #tpu.memory_space<vmem_shared>>) target_semaphore(%run_scoped3A : memref<!tpu.dma_semaphore, #tpu.memory_space<semaphore_mem>>)
      %dma_wait3A = tpu.memref_slice %arg43[%mul3A_0] : memref<100352xf32, #tpu.memory_space<vmem_shared>> -> memref<6272xf32, #tpu.memory_space<vmem_shared>>
      %dma_wait3A_42 = tpu.memref_slice %arg43[%mul3A_0] : memref<100352xf32, #tpu.memory_space<vmem_shared>> -> memref<6272xf32, #tpu.memory_space<vmem_shared>>
      tpu.wait_dma2 semaphore(%run_scoped3A : memref<!tpu.dma_semaphore, #tpu.memory_space<semaphore_mem>>) src(%arg39 : memref<6272xf32, #tpu.memory_space<vmem>>) dst(%dma_wait3A_42 : memref<6272xf32, #tpu.memory_space<vmem_shared>>)
      tpu.yield
    }) : () -> ()
    %scan3A = arith.constant 0 : i32
    %scan3A_1 = arith.constant 0 : i32
    %scan3A_2 = arith.constant 392 : i32
    %scan3A_3 = arith.addi %scan3A_1, %scan3A_2 : i32
    %scan3A_4 = arith.constant 1 : i32
    %scan3A_5 = scf.for %scan3A_41 = %scan3A_1 to %scan3A_3 step %scan3A_4 iter_args(%scan3A_42 = %scan3A) -> (i32)  : i32 {
      %broadcast_in_dim3A = arith.constant 0.000000e+00 : f32
      %broadcast_in_dim3A_43 = vector.broadcast %broadcast_in_dim3A : f32 to vector<16xf32>
      %mul3A_44 = arith.constant 16 : i32
      %mul3A_45 = arith.muli %scan3A_41, %mul3A_44 : i32
      %swap3A = arith.index_cast %mul3A_45 : i32 to index
      %swap3A_46 = tpu.vector_load %arg39[%swap3A] {strides = array<i32>} : memref<6272xf32, #tpu.memory_space<vmem>>, vector<16xf32>,
      %swap3A_47 = vector.shape_cast %swap3A_46 : vector<16xf32> to vector<16xf32>
      %swap3A_48 = vector.shape_cast %broadcast_in_dim3A_43 : vector<16xf32> to vector<16xf32>
      tpu.vector_store %arg39[%swap3A], %swap3A_48 {strides = array<i32>} : memref<6272xf32, #tpu.memory_space<vmem>>, vector<16xf32>,
      %scan3A_49 = arith.constant 0 : i32
      scf.yield %scan3A_49 : i32
    }
    %scan3A_6 = arith.constant 392 : i32
    %mul3A_7 = arith.constant 6272 : i32
    %mul3A_8 = arith.muli %arg1, %mul3A_7 : i32
    "tpu.region"() ({
      %run_scoped3A = tpu.sem_alloc : memref<!tpu.dma_semaphore, #tpu.memory_space<semaphore_mem>>
      %dma_start3A = tpu.memref_slice %arg40[%mul3A_8] : memref<100352xf32, #tpu.memory_space<vmem_shared>> -> memref<6272xf32, #tpu.memory_space<vmem_shared>>
      %dma_start3A_41 = tpu.memref_slice %arg40[%mul3A_8] : memref<100352xf32, #tpu.memory_space<vmem_shared>> -> memref<6272xf32, #tpu.memory_space<vmem_shared>>
      tpu.enqueue_dma source(%arg39 : memref<6272xf32, #tpu.memory_space<vmem>>) target(%dma_start3A_41 : memref<6272xf32, #tpu.memory_space<vmem_shared>>) target_semaphore(%run_scoped3A : memref<!tpu.dma_semaphore, #tpu.memory_space<semaphore_mem>>)
      %dma_wait3A = tpu.memref_slice %arg40[%mul3A_8] : memref<100352xf32, #tpu.memory_space<vmem_shared>> -> memref<6272xf32, #tpu.memory_space<vmem_shared>>
      %dma_wait3A_42 = tpu.memref_slice %arg40[%mul3A_8] : memref<100352xf32, #tpu.memory_space<vmem_shared>> -> memref<6272xf32, #tpu.memory_space<vmem_shared>>
      tpu.wait_dma2 semaphore(%run_scoped3A : memref<!tpu.dma_semaphore, #tpu.memory_space<semaphore_mem>>) src(%arg39 : memref<6272xf32, #tpu.memory_space<vmem>>) dst(%dma_wait3A_42 : memref<6272xf32, #tpu.memory_space<vmem_shared>>)
      tpu.yield
    }) : () -> ()
    %mul3A_9 = arith.constant 6272 : i32
    %mul3A_10 = arith.muli %arg1, %mul3A_9 : i32
    "tpu.region"() ({
      %run_scoped3A = tpu.sem_alloc : memref<!tpu.dma_semaphore, #tpu.memory_space<semaphore_mem>>
      %dma_start3A = tpu.memref_slice %arg41[%mul3A_10] : memref<100352xf32, #tpu.memory_space<vmem_shared>> -> memref<6272xf32, #tpu.memory_space<vmem_shared>>
      %dma_start3A_41 = tpu.memref_slice %arg41[%mul3A_10] : memref<100352xf32, #tpu.memory_space<vmem_shared>> -> memref<6272xf32, #tpu.memory_space<vmem_shared>>
      tpu.enqueue_dma source(%arg39 : memref<6272xf32, #tpu.memory_space<vmem>>) target(%dma_start3A_41 : memref<6272xf32, #tpu.memory_space<vmem_shared>>) target_semaphore(%run_scoped3A : memref<!tpu.dma_semaphore, #tpu.memory_space<semaphore_mem>>)
      %dma_wait3A = tpu.memref_slice %arg41[%mul3A_10] : memref<100352xf32, #tpu.memory_space<vmem_shared>> -> memref<6272xf32, #tpu.memory_space<vmem_shared>>
      %dma_wait3A_42 = tpu.memref_slice %arg41[%mul3A_10] : memref<100352xf32, #tpu.memory_space<vmem_shared>> -> memref<6272xf32, #tpu.memory_space<vmem_shared>>
      tpu.wait_dma2 semaphore(%run_scoped3A : memref<!tpu.dma_semaphore, #tpu.memory_space<semaphore_mem>>) src(%arg39 : memref<6272xf32, #tpu.memory_space<vmem>>) dst(%dma_wait3A_42 : memref<6272xf32, #tpu.memory_space<vmem_shared>>)
      tpu.yield
    }) : () -> ()
    %barrier3A = arith.constant 0 : index
    tpu.barrier barrier_id(%barrier3A)
    %mul3A_11 = arith.constant 16 : i32
    %mul3A_12 = arith.muli %arg0, %mul3A_11 : i32
    %add3A = arith.addi %mul3A_12, %arg1 : i32
    %mul3A_13 = arith.constant 50176 : i32
    %mul3A_14 = arith.muli %add3A, %mul3A_13 : i32
    %scan3A_15 = arith.constant 0 : i32
    %scan3A_16 = arith.constant 0 : i32
    %scan3A_17 = arith.constant 49 : i32
    %scan3A_18 = arith.addi %scan3A_16, %scan3A_17 : i32
    %scan3A_19 = arith.constant 1 : i32
    %scan3A_20 = scf.for %scan3A_41 = %scan3A_16 to %scan3A_18 step %scan3A_19 iter_args(%scan3A_42 = %scan3A_15) -> (i32)  : i32 {
      %mul3A_43 = arith.constant 1024 : i32
      %mul3A_44 = arith.muli %scan3A_41, %mul3A_43 : i32
      %add3A_45 = arith.addi %mul3A_14, %mul3A_44 : i32
      %add3A_46 = arith.constant 0 : i32
      %add3A_47 = arith.addi %add3A_45, %add3A_46 : i32
      %dma_start3A = tpu.memref_slice %arg2[%add3A_47] : memref<1605632xi32, #tpu.memory_space<hbm>> -> memref<128xi32, #tpu.memory_space<hbm>>
      %dma_start3A_48 = tpu.memref_slice %arg2[%add3A_47] : memref<1605632xi32, #tpu.memory_space<hbm>> -> memref<128xi32, #tpu.memory_space<hbm>>
      tpu.enqueue_dma source(%dma_start3A_48 : memref<128xi32, #tpu.memory_space<hbm>>) target(%arg7 : memref<128xi32, #tpu.memory_space<vmem>>) target_semaphore(%arg44 : memref<!tpu.dma_semaphore, #tpu.memory_space<semaphore_mem>>)
      %add3A_49 = arith.constant 0 : i32
      %add3A_50 = arith.addi %add3A_45, %add3A_49 : i32
      %dma_start3A_51 = tpu.memref_slice %arg3[%add3A_50] : memref<1605632xi32, #tpu.memory_space<hbm>> -> memref<128xi32, #tpu.memory_space<hbm>>
      %dma_start3A_52 = tpu.memref_slice %arg3[%add3A_50] : memref<1605632xi32, #tpu.memory_space<hbm>> -> memref<128xi32, #tpu.memory_space<hbm>>
      tpu.enqueue_dma source(%dma_start3A_52 : memref<128xi32, #tpu.memory_space<hbm>>) target(%arg15 : memref<128xi32, #tpu.memory_space<vmem>>) target_semaphore(%arg44 : memref<!tpu.dma_semaphore, #tpu.memory_space<semaphore_mem>>)
      %add3A_53 = arith.constant 128 : i32
      %add3A_54 = arith.addi %add3A_45, %add3A_53 : i32
      %dma_start3A_55 = tpu.memref_slice %arg2[%add3A_54] : memref<1605632xi32, #tpu.memory_space<hbm>> -> memref<128xi32, #tpu.memory_space<hbm>>
      %dma_start3A_56 = tpu.memref_slice %arg2[%add3A_54] : memref<1605632xi32, #tpu.memory_space<hbm>> -> memref<128xi32, #tpu.memory_space<hbm>>
      tpu.enqueue_dma source(%dma_start3A_56 : memref<128xi32, #tpu.memory_space<hbm>>) target(%arg8 : memref<128xi32, #tpu.memory_space<vmem>>) target_semaphore(%arg44 : memref<!tpu.dma_semaphore, #tpu.memory_space<semaphore_mem>>)
      %add3A_57 = arith.constant 128 : i32
      %add3A_58 = arith.addi %add3A_45, %add3A_57 : i32
      %dma_start3A_59 = tpu.memref_slice %arg3[%add3A_58] : memref<1605632xi32, #tpu.memory_space<hbm>> -> memref<128xi32, #tpu.memory_space<hbm>>
      %dma_start3A_60 = tpu.memref_slice %arg3[%add3A_58] : memref<1605632xi32, #tpu.memory_space<hbm>> -> memref<128xi32, #tpu.memory_space<hbm>>
      tpu.enqueue_dma source(%dma_start3A_60 : memref<128xi32, #tpu.memory_space<hbm>>) target(%arg16 : memref<128xi32, #tpu.memory_space<vmem>>) target_semaphore(%arg44 : memref<!tpu.dma_semaphore, #tpu.memory_space<semaphore_mem>>)
      %add3A_61 = arith.constant 256 : i32
      %add3A_62 = arith.addi %add3A_45, %add3A_61 : i32
      %dma_start3A_63 = tpu.memref_slice %arg2[%add3A_62] : memref<1605632xi32, #tpu.memory_space<hbm>> -> memref<128xi32, #tpu.memory_space<hbm>>
      %dma_start3A_64 = tpu.memref_slice %arg2[%add3A_62] : memref<1605632xi32, #tpu.memory_space<hbm>> -> memref<128xi32, #tpu.memory_space<hbm>>
      tpu.enqueue_dma source(%dma_start3A_64 : memref<128xi32, #tpu.memory_space<hbm>>) target(%arg9 : memref<128xi32, #tpu.memory_space<vmem>>) target_semaphore(%arg44 : memref<!tpu.dma_semaphore, #tpu.memory_space<semaphore_mem>>)
      %add3A_65 = arith.constant 256 : i32
      %add3A_66 = arith.addi %add3A_45, %add3A_65 : i32
      %dma_start3A_67 = tpu.memref_slice %arg3[%add3A_66] : memref<1605632xi32, #tpu.memory_space<hbm>> -> memref<128xi32, #tpu.memory_space<hbm>>
      %dma_start3A_68 = tpu.memref_slice %arg3[%add3A_66] : memref<1605632xi32, #tpu.memory_space<hbm>> -> memref<128xi32, #tpu.memory_space<hbm>>
      tpu.enqueue_dma source(%dma_start3A_68 : memref<128xi32, #tpu.memory_space<hbm>>) target(%arg17 : memref<128xi32, #tpu.memory_space<vmem>>) target_semaphore(%arg44 : memref<!tpu.dma_semaphore, #tpu.memory_space<semaphore_mem>>)
      %add3A_69 = arith.constant 384 : i32
      %add3A_70 = arith.addi %add3A_45, %add3A_69 : i32
      %dma_start3A_71 = tpu.memref_slice %arg2[%add3A_70] : memref<1605632xi32, #tpu.memory_space<hbm>> -> memref<128xi32, #tpu.memory_space<hbm>>
      %dma_start3A_72 = tpu.memref_slice %arg2[%add3A_70] : memref<1605632xi32, #tpu.memory_space<hbm>> -> memref<128xi32, #tpu.memory_space<hbm>>
      tpu.enqueue_dma source(%dma_start3A_72 : memref<128xi32, #tpu.memory_space<hbm>>) target(%arg10 : memref<128xi32, #tpu.memory_space<vmem>>) target_semaphore(%arg44 : memref<!tpu.dma_semaphore, #tpu.memory_space<semaphore_mem>>)
      %add3A_73 = arith.constant 384 : i32
      %add3A_74 = arith.addi %add3A_45, %add3A_73 : i32
      %dma_start3A_75 = tpu.memref_slice %arg3[%add3A_74] : memref<1605632xi32, #tpu.memory_space<hbm>> -> memref<128xi32, #tpu.memory_space<hbm>>
      %dma_start3A_76 = tpu.memref_slice %arg3[%add3A_74] : memref<1605632xi32, #tpu.memory_space<hbm>> -> memref<128xi32, #tpu.memory_space<hbm>>
      tpu.enqueue_dma source(%dma_start3A_76 : memref<128xi32, #tpu.memory_space<hbm>>) target(%arg18 : memref<128xi32, #tpu.memory_space<vmem>>) target_semaphore(%arg44 : memref<!tpu.dma_semaphore, #tpu.memory_space<semaphore_mem>>)
      %add3A_77 = arith.constant 512 : i32
      %add3A_78 = arith.addi %add3A_45, %add3A_77 : i32
      %dma_start3A_79 = tpu.memref_slice %arg2[%add3A_78] : memref<1605632xi32, #tpu.memory_space<hbm>> -> memref<128xi32, #tpu.memory_space<hbm>>
      %dma_start3A_80 = tpu.memref_slice %arg2[%add3A_78] : memref<1605632xi32, #tpu.memory_space<hbm>> -> memref<128xi32, #tpu.memory_space<hbm>>
      tpu.enqueue_dma source(%dma_start3A_80 : memref<128xi32, #tpu.memory_space<hbm>>) target(%arg11 : memref<128xi32, #tpu.memory_space<vmem>>) target_semaphore(%arg44 : memref<!tpu.dma_semaphore, #tpu.memory_space<semaphore_mem>>)
      %add3A_81 = arith.constant 512 : i32
      %add3A_82 = arith.addi %add3A_45, %add3A_81 : i32
      %dma_start3A_83 = tpu.memref_slice %arg3[%add3A_82] : memref<1605632xi32, #tpu.memory_space<hbm>> -> memref<128xi32, #tpu.memory_space<hbm>>
      %dma_start3A_84 = tpu.memref_slice %arg3[%add3A_82] : memref<1605632xi32, #tpu.memory_space<hbm>> -> memref<128xi32, #tpu.memory_space<hbm>>
      tpu.enqueue_dma source(%dma_start3A_84 : memref<128xi32, #tpu.memory_space<hbm>>) target(%arg19 : memref<128xi32, #tpu.memory_space<vmem>>) target_semaphore(%arg44 : memref<!tpu.dma_semaphore, #tpu.memory_space<semaphore_mem>>)
      %add3A_85 = arith.constant 640 : i32
      %add3A_86 = arith.addi %add3A_45, %add3A_85 : i32
      %dma_start3A_87 = tpu.memref_slice %arg2[%add3A_86] : memref<1605632xi32, #tpu.memory_space<hbm>> -> memref<128xi32, #tpu.memory_space<hbm>>
      %dma_start3A_88 = tpu.memref_slice %arg2[%add3A_86] : memref<1605632xi32, #tpu.memory_space<hbm>> -> memref<128xi32, #tpu.memory_space<hbm>>
      tpu.enqueue_dma source(%dma_start3A_88 : memref<128xi32, #tpu.memory_space<hbm>>) target(%arg12 : memref<128xi32, #tpu.memory_space<vmem>>) target_semaphore(%arg44 : memref<!tpu.dma_semaphore, #tpu.memory_space<semaphore_mem>>)
      %add3A_89 = arith.constant 640 : i32
      %add3A_90 = arith.addi %add3A_45, %add3A_89 : i32
      %dma_start3A_91 = tpu.memref_slice %arg3[%add3A_90] : memref<1605632xi32, #tpu.memory_space<hbm>> -> memref<128xi32, #tpu.memory_space<hbm>>
      %dma_start3A_92 = tpu.memref_slice %arg3[%add3A_90] : memref<1605632xi32, #tpu.memory_space<hbm>> -> memref<128xi32, #tpu.memory_space<hbm>>
      tpu.enqueue_dma source(%dma_start3A_92 : memref<128xi32, #tpu.memory_space<hbm>>) target(%arg20 : memref<128xi32, #tpu.memory_space<vmem>>) target_semaphore(%arg44 : memref<!tpu.dma_semaphore, #tpu.memory_space<semaphore_mem>>)
      %add3A_93 = arith.constant 768 : i32
      %add3A_94 = arith.addi %add3A_45, %add3A_93 : i32
      %dma_start3A_95 = tpu.memref_slice %arg2[%add3A_94] : memref<1605632xi32, #tpu.memory_space<hbm>> -> memref<128xi32, #tpu.memory_space<hbm>>
      %dma_start3A_96 = tpu.memref_slice %arg2[%add3A_94] : memref<1605632xi32, #tpu.memory_space<hbm>> -> memref<128xi32, #tpu.memory_space<hbm>>
      tpu.enqueue_dma source(%dma_start3A_96 : memref<128xi32, #tpu.memory_space<hbm>>) target(%arg13 : memref<128xi32, #tpu.memory_space<vmem>>) target_semaphore(%arg44 : memref<!tpu.dma_semaphore, #tpu.memory_space<semaphore_mem>>)
      %add3A_97 = arith.constant 768 : i32
      %add3A_98 = arith.addi %add3A_45, %add3A_97 : i32
      %dma_start3A_99 = tpu.memref_slice %arg3[%add3A_98] : memref<1605632xi32, #tpu.memory_space<hbm>> -> memref<128xi32, #tpu.memory_space<hbm>>
      %dma_start3A_100 = tpu.memref_slice %arg3[%add3A_98] : memref<1605632xi32, #tpu.memory_space<hbm>> -> memref<128xi32, #tpu.memory_space<hbm>>
      tpu.enqueue_dma source(%dma_start3A_100 : memref<128xi32, #tpu.memory_space<hbm>>) target(%arg21 : memref<128xi32, #tpu.memory_space<vmem>>) target_semaphore(%arg44 : memref<!tpu.dma_semaphore, #tpu.memory_space<semaphore_mem>>)
      %add3A_101 = arith.constant 896 : i32
      %add3A_102 = arith.addi %add3A_45, %add3A_101 : i32
      %dma_start3A_103 = tpu.memref_slice %arg2[%add3A_102] : memref<1605632xi32, #tpu.memory_space<hbm>> -> memref<128xi32, #tpu.memory_space<hbm>>
      %dma_start3A_104 = tpu.memref_slice %arg2[%add3A_102] : memref<1605632xi32, #tpu.memory_space<hbm>> -> memref<128xi32, #tpu.memory_space<hbm>>
      tpu.enqueue_dma source(%dma_start3A_104 : memref<128xi32, #tpu.memory_space<hbm>>) target(%arg14 : memref<128xi32, #tpu.memory_space<vmem>>) target_semaphore(%arg44 : memref<!tpu.dma_semaphore, #tpu.memory_space<semaphore_mem>>)
      %add3A_105 = arith.constant 896 : i32
      %add3A_106 = arith.addi %add3A_45, %add3A_105 : i32
      %dma_start3A_107 = tpu.memref_slice %arg3[%add3A_106] : memref<1605632xi32, #tpu.memory_space<hbm>> -> memref<128xi32, #tpu.memory_space<hbm>>
      %dma_start3A_108 = tpu.memref_slice %arg3[%add3A_106] : memref<1605632xi32, #tpu.memory_space<hbm>> -> memref<128xi32, #tpu.memory_space<hbm>>
      tpu.enqueue_dma source(%dma_start3A_108 : memref<128xi32, #tpu.memory_space<hbm>>) target(%arg22 : memref<128xi32, #tpu.memory_space<vmem>>) target_semaphore(%arg44 : memref<!tpu.dma_semaphore, #tpu.memory_space<semaphore_mem>>)
      %dma_wait3A = tpu.memref_slice %arg2[%add3A_47] : memref<1605632xi32, #tpu.memory_space<hbm>> -> memref<128xi32, #tpu.memory_space<hbm>>
      %dma_wait3A_109 = tpu.memref_slice %arg2[%add3A_47] : memref<1605632xi32, #tpu.memory_space<hbm>> -> memref<128xi32, #tpu.memory_space<hbm>>
      tpu.wait_dma2 semaphore(%arg44 : memref<!tpu.dma_semaphore, #tpu.memory_space<semaphore_mem>>) src(%dma_wait3A_109 : memref<128xi32, #tpu.memory_space<hbm>>) dst(%arg7 : memref<128xi32, #tpu.memory_space<vmem>>)
      %dma_wait3A_110 = tpu.memref_slice %arg3[%add3A_50] : memref<1605632xi32, #tpu.memory_space<hbm>> -> memref<128xi32, #tpu.memory_space<hbm>>
      %dma_wait3A_111 = tpu.memref_slice %arg3[%add3A_50] : memref<1605632xi32, #tpu.memory_space<hbm>> -> memref<128xi32, #tpu.memory_space<hbm>>
      tpu.wait_dma2 semaphore(%arg44 : memref<!tpu.dma_semaphore, #tpu.memory_space<semaphore_mem>>) src(%dma_wait3A_111 : memref<128xi32, #tpu.memory_space<hbm>>) dst(%arg15 : memref<128xi32, #tpu.memory_space<vmem>>)
      %dma_wait3A_112 = tpu.memref_slice %arg2[%add3A_54] : memref<1605632xi32, #tpu.memory_space<hbm>> -> memref<128xi32, #tpu.memory_space<hbm>>
      %dma_wait3A_113 = tpu.memref_slice %arg2[%add3A_54] : memref<1605632xi32, #tpu.memory_space<hbm>> -> memref<128xi32, #tpu.memory_space<hbm>>
      tpu.wait_dma2 semaphore(%arg44 : memref<!tpu.dma_semaphore, #tpu.memory_space<semaphore_mem>>) src(%dma_wait3A_113 : memref<128xi32, #tpu.memory_space<hbm>>) dst(%arg8 : memref<128xi32, #tpu.memory_space<vmem>>)
      %dma_wait3A_114 = tpu.memref_slice %arg3[%add3A_58] : memref<1605632xi32, #tpu.memory_space<hbm>> -> memref<128xi32, #tpu.memory_space<hbm>>
      %dma_wait3A_115 = tpu.memref_slice %arg3[%add3A_58] : memref<1605632xi32, #tpu.memory_space<hbm>> -> memref<128xi32, #tpu.memory_space<hbm>>
      tpu.wait_dma2 semaphore(%arg44 : memref<!tpu.dma_semaphore, #tpu.memory_space<semaphore_mem>>) src(%dma_wait3A_115 : memref<128xi32, #tpu.memory_space<hbm>>) dst(%arg16 : memref<128xi32, #tpu.memory_space<vmem>>)
      %dma_wait3A_116 = tpu.memref_slice %arg2[%add3A_62] : memref<1605632xi32, #tpu.memory_space<hbm>> -> memref<128xi32, #tpu.memory_space<hbm>>
      %dma_wait3A_117 = tpu.memref_slice %arg2[%add3A_62] : memref<1605632xi32, #tpu.memory_space<hbm>> -> memref<128xi32, #tpu.memory_space<hbm>>
      tpu.wait_dma2 semaphore(%arg44 : memref<!tpu.dma_semaphore, #tpu.memory_space<semaphore_mem>>) src(%dma_wait3A_117 : memref<128xi32, #tpu.memory_space<hbm>>) dst(%arg9 : memref<128xi32, #tpu.memory_space<vmem>>)
      %dma_wait3A_118 = tpu.memref_slice %arg3[%add3A_66] : memref<1605632xi32, #tpu.memory_space<hbm>> -> memref<128xi32, #tpu.memory_space<hbm>>
      %dma_wait3A_119 = tpu.memref_slice %arg3[%add3A_66] : memref<1605632xi32, #tpu.memory_space<hbm>> -> memref<128xi32, #tpu.memory_space<hbm>>
      tpu.wait_dma2 semaphore(%arg44 : memref<!tpu.dma_semaphore, #tpu.memory_space<semaphore_mem>>) src(%dma_wait3A_119 : memref<128xi32, #tpu.memory_space<hbm>>) dst(%arg17 : memref<128xi32, #tpu.memory_space<vmem>>)
      %dma_wait3A_120 = tpu.memref_slice %arg2[%add3A_70] : memref<1605632xi32, #tpu.memory_space<hbm>> -> memref<128xi32, #tpu.memory_space<hbm>>
      %dma_wait3A_121 = tpu.memref_slice %arg2[%add3A_70] : memref<1605632xi32, #tpu.memory_space<hbm>> -> memref<128xi32, #tpu.memory_space<hbm>>
      tpu.wait_dma2 semaphore(%arg44 : memref<!tpu.dma_semaphore, #tpu.memory_space<semaphore_mem>>) src(%dma_wait3A_121 : memref<128xi32, #tpu.memory_space<hbm>>) dst(%arg10 : memref<128xi32, #tpu.memory_space<vmem>>)
      %dma_wait3A_122 = tpu.memref_slice %arg3[%add3A_74] : memref<1605632xi32, #tpu.memory_space<hbm>> -> memref<128xi32, #tpu.memory_space<hbm>>
      %dma_wait3A_123 = tpu.memref_slice %arg3[%add3A_74] : memref<1605632xi32, #tpu.memory_space<hbm>> -> memref<128xi32, #tpu.memory_space<hbm>>
      tpu.wait_dma2 semaphore(%arg44 : memref<!tpu.dma_semaphore, #tpu.memory_space<semaphore_mem>>) src(%dma_wait3A_123 : memref<128xi32, #tpu.memory_space<hbm>>) dst(%arg18 : memref<128xi32, #tpu.memory_space<vmem>>)
      %dma_wait3A_124 = tpu.memref_slice %arg2[%add3A_78] : memref<1605632xi32, #tpu.memory_space<hbm>> -> memref<128xi32, #tpu.memory_space<hbm>>
      %dma_wait3A_125 = tpu.memref_slice %arg2[%add3A_78] : memref<1605632xi32, #tpu.memory_space<hbm>> -> memref<128xi32, #tpu.memory_space<hbm>>
      tpu.wait_dma2 semaphore(%arg44 : memref<!tpu.dma_semaphore, #tpu.memory_space<semaphore_mem>>) src(%dma_wait3A_125 : memref<128xi32, #tpu.memory_space<hbm>>) dst(%arg11 : memref<128xi32, #tpu.memory_space<vmem>>)
      %dma_wait3A_126 = tpu.memref_slice %arg3[%add3A_82] : memref<1605632xi32, #tpu.memory_space<hbm>> -> memref<128xi32, #tpu.memory_space<hbm>>
      %dma_wait3A_127 = tpu.memref_slice %arg3[%add3A_82] : memref<1605632xi32, #tpu.memory_space<hbm>> -> memref<128xi32, #tpu.memory_space<hbm>>
      tpu.wait_dma2 semaphore(%arg44 : memref<!tpu.dma_semaphore, #tpu.memory_space<semaphore_mem>>) src(%dma_wait3A_127 : memref<128xi32, #tpu.memory_space<hbm>>) dst(%arg19 : memref<128xi32, #tpu.memory_space<vmem>>)
      %dma_wait3A_128 = tpu.memref_slice %arg2[%add3A_86] : memref<1605632xi32, #tpu.memory_space<hbm>> -> memref<128xi32, #tpu.memory_space<hbm>>
      %dma_wait3A_129 = tpu.memref_slice %arg2[%add3A_86] : memref<1605632xi32, #tpu.memory_space<hbm>> -> memref<128xi32, #tpu.memory_space<hbm>>
      tpu.wait_dma2 semaphore(%arg44 : memref<!tpu.dma_semaphore, #tpu.memory_space<semaphore_mem>>) src(%dma_wait3A_129 : memref<128xi32, #tpu.memory_space<hbm>>) dst(%arg12 : memref<128xi32, #tpu.memory_space<vmem>>)
      %dma_wait3A_130 = tpu.memref_slice %arg3[%add3A_90] : memref<1605632xi32, #tpu.memory_space<hbm>> -> memref<128xi32, #tpu.memory_space<hbm>>
      %dma_wait3A_131 = tpu.memref_slice %arg3[%add3A_90] : memref<1605632xi32, #tpu.memory_space<hbm>> -> memref<128xi32, #tpu.memory_space<hbm>>
      tpu.wait_dma2 semaphore(%arg44 : memref<!tpu.dma_semaphore, #tpu.memory_space<semaphore_mem>>) src(%dma_wait3A_131 : memref<128xi32, #tpu.memory_space<hbm>>) dst(%arg20 : memref<128xi32, #tpu.memory_space<vmem>>)
      %dma_wait3A_132 = tpu.memref_slice %arg2[%add3A_94] : memref<1605632xi32, #tpu.memory_space<hbm>> -> memref<128xi32, #tpu.memory_space<hbm>>
      %dma_wait3A_133 = tpu.memref_slice %arg2[%add3A_94] : memref<1605632xi32, #tpu.memory_space<hbm>> -> memref<128xi32, #tpu.memory_space<hbm>>
      tpu.wait_dma2 semaphore(%arg44 : memref<!tpu.dma_semaphore, #tpu.memory_space<semaphore_mem>>) src(%dma_wait3A_133 : memref<128xi32, #tpu.memory_space<hbm>>) dst(%arg13 : memref<128xi32, #tpu.memory_space<vmem>>)
      %dma_wait3A_134 = tpu.memref_slice %arg3[%add3A_98] : memref<1605632xi32, #tpu.memory_space<hbm>> -> memref<128xi32, #tpu.memory_space<hbm>>
      %dma_wait3A_135 = tpu.memref_slice %arg3[%add3A_98] : memref<1605632xi32, #tpu.memory_space<hbm>> -> memref<128xi32, #tpu.memory_space<hbm>>
      tpu.wait_dma2 semaphore(%arg44 : memref<!tpu.dma_semaphore, #tpu.memory_space<semaphore_mem>>) src(%dma_wait3A_135 : memref<128xi32, #tpu.memory_space<hbm>>) dst(%arg21 : memref<128xi32, #tpu.memory_space<vmem>>)
      %dma_wait3A_136 = tpu.memref_slice %arg2[%add3A_102] : memref<1605632xi32, #tpu.memory_space<hbm>> -> memref<128xi32, #tpu.memory_space<hbm>>
      %dma_wait3A_137 = tpu.memref_slice %arg2[%add3A_102] : memref<1605632xi32, #tpu.memory_space<hbm>> -> memref<128xi32, #tpu.memory_space<hbm>>
      tpu.wait_dma2 semaphore(%arg44 : memref<!tpu.dma_semaphore, #tpu.memory_space<semaphore_mem>>) src(%dma_wait3A_137 : memref<128xi32, #tpu.memory_space<hbm>>) dst(%arg14 : memref<128xi32, #tpu.memory_space<vmem>>)
      %dma_wait3A_138 = tpu.memref_slice %arg3[%add3A_106] : memref<1605632xi32, #tpu.memory_space<hbm>> -> memref<128xi32, #tpu.memory_space<hbm>>
      %dma_wait3A_139 = tpu.memref_slice %arg3[%add3A_106] : memref<1605632xi32, #tpu.memory_space<hbm>> -> memref<128xi32, #tpu.memory_space<hbm>>
      tpu.wait_dma2 semaphore(%arg44 : memref<!tpu.dma_semaphore, #tpu.memory_space<semaphore_mem>>) src(%dma_wait3A_139 : memref<128xi32, #tpu.memory_space<hbm>>) dst(%arg22 : memref<128xi32, #tpu.memory_space<vmem>>)
      %dma_start3A_140 = arith.constant 0 : i32
      %dma_start3A_141 = tpu.memref_slice %arg42[%dma_start3A_140] : memref<100352xf32, #tpu.memory_space<vmem_shared>> -> memref<100352xf32, #tpu.memory_space<vmem_shared>>
      tpu.enqueue_indirect_dma source(%dma_start3A_141 : memref<100352xf32, #tpu.memory_space<vmem_shared>>) target(%arg23 : memref<128xf32, #tpu.memory_space<vmem>>) offsets(%arg7 : memref<128xi32, #tpu.memory_space<vmem>>) semaphore(%arg45 : memref<!tpu.dma_semaphore, #tpu.memory_space<semaphore_mem>>)
      %dma_start3A_142 = arith.constant 0 : i32
      %dma_start3A_143 = tpu.memref_slice %arg42[%dma_start3A_142] : memref<100352xf32, #tpu.memory_space<vmem_shared>> -> memref<100352xf32, #tpu.memory_space<vmem_shared>>
      tpu.enqueue_indirect_dma source(%dma_start3A_143 : memref<100352xf32, #tpu.memory_space<vmem_shared>>) target(%arg24 : memref<128xf32, #tpu.memory_space<vmem>>) offsets(%arg8 : memref<128xi32, #tpu.memory_space<vmem>>) semaphore(%arg45 : memref<!tpu.dma_semaphore, #tpu.memory_space<semaphore_mem>>)
      %dma_start3A_144 = arith.constant 0 : i32
      %dma_start3A_145 = tpu.memref_slice %arg42[%dma_start3A_144] : memref<100352xf32, #tpu.memory_space<vmem_shared>> -> memref<100352xf32, #tpu.memory_space<vmem_shared>>
      tpu.enqueue_indirect_dma source(%dma_start3A_145 : memref<100352xf32, #tpu.memory_space<vmem_shared>>) target(%arg25 : memref<128xf32, #tpu.memory_space<vmem>>) offsets(%arg9 : memref<128xi32, #tpu.memory_space<vmem>>) semaphore(%arg45 : memref<!tpu.dma_semaphore, #tpu.memory_space<semaphore_mem>>)
      %dma_start3A_146 = arith.constant 0 : i32
      %dma_start3A_147 = tpu.memref_slice %arg42[%dma_start3A_146] : memref<100352xf32, #tpu.memory_space<vmem_shared>> -> memref<100352xf32, #tpu.memory_space<vmem_shared>>
      tpu.enqueue_indirect_dma source(%dma_start3A_147 : memref<100352xf32, #tpu.memory_space<vmem_shared>>) target(%arg26 : memref<128xf32, #tpu.memory_space<vmem>>) offsets(%arg10 : memref<128xi32, #tpu.memory_space<vmem>>) semaphore(%arg45 : memref<!tpu.dma_semaphore, #tpu.memory_space<semaphore_mem>>)
      %dma_start3A_148 = arith.constant 0 : i32
      %dma_start3A_149 = tpu.memref_slice %arg42[%dma_start3A_148] : memref<100352xf32, #tpu.memory_space<vmem_shared>> -> memref<100352xf32, #tpu.memory_space<vmem_shared>>
      tpu.enqueue_indirect_dma source(%dma_start3A_149 : memref<100352xf32, #tpu.memory_space<vmem_shared>>) target(%arg27 : memref<128xf32, #tpu.memory_space<vmem>>) offsets(%arg11 : memref<128xi32, #tpu.memory_space<vmem>>) semaphore(%arg45 : memref<!tpu.dma_semaphore, #tpu.memory_space<semaphore_mem>>)
      %dma_start3A_150 = arith.constant 0 : i32
      %dma_start3A_151 = tpu.memref_slice %arg42[%dma_start3A_150] : memref<100352xf32, #tpu.memory_space<vmem_shared>> -> memref<100352xf32, #tpu.memory_space<vmem_shared>>
      tpu.enqueue_indirect_dma source(%dma_start3A_151 : memref<100352xf32, #tpu.memory_space<vmem_shared>>) target(%arg28 : memref<128xf32, #tpu.memory_space<vmem>>) offsets(%arg12 : memref<128xi32, #tpu.memory_space<vmem>>) semaphore(%arg45 : memref<!tpu.dma_semaphore, #tpu.memory_space<semaphore_mem>>)
      %dma_start3A_152 = arith.constant 0 : i32
      %dma_start3A_153 = tpu.memref_slice %arg42[%dma_start3A_152] : memref<100352xf32, #tpu.memory_space<vmem_shared>> -> memref<100352xf32, #tpu.memory_space<vmem_shared>>
      tpu.enqueue_indirect_dma source(%dma_start3A_153 : memref<100352xf32, #tpu.memory_space<vmem_shared>>) target(%arg29 : memref<128xf32, #tpu.memory_space<vmem>>) offsets(%arg13 : memref<128xi32, #tpu.memory_space<vmem>>) semaphore(%arg45 : memref<!tpu.dma_semaphore, #tpu.memory_space<semaphore_mem>>)
      %dma_start3A_154 = arith.constant 0 : i32
      %dma_start3A_155 = tpu.memref_slice %arg42[%dma_start3A_154] : memref<100352xf32, #tpu.memory_space<vmem_shared>> -> memref<100352xf32, #tpu.memory_space<vmem_shared>>
      tpu.enqueue_indirect_dma source(%dma_start3A_155 : memref<100352xf32, #tpu.memory_space<vmem_shared>>) target(%arg30 : memref<128xf32, #tpu.memory_space<vmem>>) offsets(%arg14 : memref<128xi32, #tpu.memory_space<vmem>>) semaphore(%arg45 : memref<!tpu.dma_semaphore, #tpu.memory_space<semaphore_mem>>)
      %dma_wait3A_156 = arith.constant 0 : i32
      %dma_wait3A_157 = tpu.memref_slice %arg42[%dma_wait3A_156] : memref<100352xf32, #tpu.memory_space<vmem_shared>> -> memref<100352xf32, #tpu.memory_space<vmem_shared>>
      tpu.wait_indirect_dma semaphore(%arg45 : memref<!tpu.dma_semaphore, #tpu.memory_space<semaphore_mem>>) src(%dma_wait3A_157 : memref<100352xf32, #tpu.memory_space<vmem_shared>>) dst(%arg23 : memref<128xf32, #tpu.memory_space<vmem>>)
      %dma_wait3A_158 = arith.constant 0 : i32
      %dma_wait3A_159 = tpu.memref_slice %arg42[%dma_wait3A_158] : memref<100352xf32, #tpu.memory_space<vmem_shared>> -> memref<100352xf32, #tpu.memory_space<vmem_shared>>
      tpu.wait_indirect_dma semaphore(%arg45 : memref<!tpu.dma_semaphore, #tpu.memory_space<semaphore_mem>>) src(%dma_wait3A_159 : memref<100352xf32, #tpu.memory_space<vmem_shared>>) dst(%arg24 : memref<128xf32, #tpu.memory_space<vmem>>)
      %dma_wait3A_160 = arith.constant 0 : i32
      %dma_wait3A_161 = tpu.memref_slice %arg42[%dma_wait3A_160] : memref<100352xf32, #tpu.memory_space<vmem_shared>> -> memref<100352xf32, #tpu.memory_space<vmem_shared>>
      tpu.wait_indirect_dma semaphore(%arg45 : memref<!tpu.dma_semaphore, #tpu.memory_space<semaphore_mem>>) src(%dma_wait3A_161 : memref<100352xf32, #tpu.memory_space<vmem_shared>>) dst(%arg25 : memref<128xf32, #tpu.memory_space<vmem>>)
      %dma_wait3A_162 = arith.constant 0 : i32
      %dma_wait3A_163 = tpu.memref_slice %arg42[%dma_wait3A_162] : memref<100352xf32, #tpu.memory_space<vmem_shared>> -> memref<100352xf32, #tpu.memory_space<vmem_shared>>
      tpu.wait_indirect_dma semaphore(%arg45 : memref<!tpu.dma_semaphore, #tpu.memory_space<semaphore_mem>>) src(%dma_wait3A_163 : memref<100352xf32, #tpu.memory_space<vmem_shared>>) dst(%arg26 : memref<128xf32, #tpu.memory_space<vmem>>)
      %dma_wait3A_164 = arith.constant 0 : i32
      %dma_wait3A_165 = tpu.memref_slice %arg42[%dma_wait3A_164] : memref<100352xf32, #tpu.memory_space<vmem_shared>> -> memref<100352xf32, #tpu.memory_space<vmem_shared>>
      tpu.wait_indirect_dma semaphore(%arg45 : memref<!tpu.dma_semaphore, #tpu.memory_space<semaphore_mem>>) src(%dma_wait3A_165 : memref<100352xf32, #tpu.memory_space<vmem_shared>>) dst(%arg27 : memref<128xf32, #tpu.memory_space<vmem>>)
      %dma_wait3A_166 = arith.constant 0 : i32
      %dma_wait3A_167 = tpu.memref_slice %arg42[%dma_wait3A_166] : memref<100352xf32, #tpu.memory_space<vmem_shared>> -> memref<100352xf32, #tpu.memory_space<vmem_shared>>
      tpu.wait_indirect_dma semaphore(%arg45 : memref<!tpu.dma_semaphore, #tpu.memory_space<semaphore_mem>>) src(%dma_wait3A_167 : memref<100352xf32, #tpu.memory_space<vmem_shared>>) dst(%arg28 : memref<128xf32, #tpu.memory_space<vmem>>)
      %dma_wait3A_168 = arith.constant 0 : i32
      %dma_wait3A_169 = tpu.memref_slice %arg42[%dma_wait3A_168] : memref<100352xf32, #tpu.memory_space<vmem_shared>> -> memref<100352xf32, #tpu.memory_space<vmem_shared>>
      tpu.wait_indirect_dma semaphore(%arg45 : memref<!tpu.dma_semaphore, #tpu.memory_space<semaphore_mem>>) src(%dma_wait3A_169 : memref<100352xf32, #tpu.memory_space<vmem_shared>>) dst(%arg29 : memref<128xf32, #tpu.memory_space<vmem>>)
      %dma_wait3A_170 = arith.constant 0 : i32
      %dma_wait3A_171 = tpu.memref_slice %arg42[%dma_wait3A_170] : memref<100352xf32, #tpu.memory_space<vmem_shared>> -> memref<100352xf32, #tpu.memory_space<vmem_shared>>
      tpu.wait_indirect_dma semaphore(%arg45 : memref<!tpu.dma_semaphore, #tpu.memory_space<semaphore_mem>>) src(%dma_wait3A_171 : memref<100352xf32, #tpu.memory_space<vmem_shared>>) dst(%arg30 : memref<128xf32, #tpu.memory_space<vmem>>)
      %dma_start3A_172 = arith.constant 0 : i32
      %dma_start3A_173 = tpu.memref_slice %arg40[%dma_start3A_172] : memref<100352xf32, #tpu.memory_space<vmem_shared>> -> memref<100352xf32, #tpu.memory_space<vmem_shared>>
      tpu.enqueue_indirect_dma source(%arg23 : memref<128xf32, #tpu.memory_space<vmem>>) target(%dma_start3A_173 : memref<100352xf32, #tpu.memory_space<vmem_shared>>) offsets(%arg15 : memref<128xi32, #tpu.memory_space<vmem>>) semaphore(%arg46 : memref<!tpu.dma_semaphore, #tpu.memory_space<semaphore_mem>>) {add = true}
      %dma_start3A_174 = arith.constant 0 : i32
      %dma_start3A_175 = tpu.memref_slice %arg40[%dma_start3A_174] : memref<100352xf32, #tpu.memory_space<vmem_shared>> -> memref<100352xf32, #tpu.memory_space<vmem_shared>>
      tpu.enqueue_indirect_dma source(%arg24 : memref<128xf32, #tpu.memory_space<vmem>>) target(%dma_start3A_175 : memref<100352xf32, #tpu.memory_space<vmem_shared>>) offsets(%arg16 : memref<128xi32, #tpu.memory_space<vmem>>) semaphore(%arg46 : memref<!tpu.dma_semaphore, #tpu.memory_space<semaphore_mem>>) {add = true}
      %dma_start3A_176 = arith.constant 0 : i32
      %dma_start3A_177 = tpu.memref_slice %arg40[%dma_start3A_176] : memref<100352xf32, #tpu.memory_space<vmem_shared>> -> memref<100352xf32, #tpu.memory_space<vmem_shared>>
      tpu.enqueue_indirect_dma source(%arg25 : memref<128xf32, #tpu.memory_space<vmem>>) target(%dma_start3A_177 : memref<100352xf32, #tpu.memory_space<vmem_shared>>) offsets(%arg17 : memref<128xi32, #tpu.memory_space<vmem>>) semaphore(%arg46 : memref<!tpu.dma_semaphore, #tpu.memory_space<semaphore_mem>>) {add = true}
      %dma_start3A_178 = arith.constant 0 : i32
      %dma_start3A_179 = tpu.memref_slice %arg40[%dma_start3A_178] : memref<100352xf32, #tpu.memory_space<vmem_shared>> -> memref<100352xf32, #tpu.memory_space<vmem_shared>>
      tpu.enqueue_indirect_dma source(%arg26 : memref<128xf32, #tpu.memory_space<vmem>>) target(%dma_start3A_179 : memref<100352xf32, #tpu.memory_space<vmem_shared>>) offsets(%arg18 : memref<128xi32, #tpu.memory_space<vmem>>) semaphore(%arg46 : memref<!tpu.dma_semaphore, #tpu.memory_space<semaphore_mem>>) {add = true}
      %dma_start3A_180 = arith.constant 0 : i32
      %dma_start3A_181 = tpu.memref_slice %arg40[%dma_start3A_180] : memref<100352xf32, #tpu.memory_space<vmem_shared>> -> memref<100352xf32, #tpu.memory_space<vmem_shared>>
      tpu.enqueue_indirect_dma source(%arg27 : memref<128xf32, #tpu.memory_space<vmem>>) target(%dma_start3A_181 : memref<100352xf32, #tpu.memory_space<vmem_shared>>) offsets(%arg19 : memref<128xi32, #tpu.memory_space<vmem>>) semaphore(%arg46 : memref<!tpu.dma_semaphore, #tpu.memory_space<semaphore_mem>>) {add = true}
      %dma_start3A_182 = arith.constant 0 : i32
      %dma_start3A_183 = tpu.memref_slice %arg40[%dma_start3A_182] : memref<100352xf32, #tpu.memory_space<vmem_shared>> -> memref<100352xf32, #tpu.memory_space<vmem_shared>>
      tpu.enqueue_indirect_dma source(%arg28 : memref<128xf32, #tpu.memory_space<vmem>>) target(%dma_start3A_183 : memref<100352xf32, #tpu.memory_space<vmem_shared>>) offsets(%arg20 : memref<128xi32, #tpu.memory_space<vmem>>) semaphore(%arg46 : memref<!tpu.dma_semaphore, #tpu.memory_space<semaphore_mem>>) {add = true}
      %dma_start3A_184 = arith.constant 0 : i32
      %dma_start3A_185 = tpu.memref_slice %arg40[%dma_start3A_184] : memref<100352xf32, #tpu.memory_space<vmem_shared>> -> memref<100352xf32, #tpu.memory_space<vmem_shared>>
      tpu.enqueue_indirect_dma source(%arg29 : memref<128xf32, #tpu.memory_space<vmem>>) target(%dma_start3A_185 : memref<100352xf32, #tpu.memory_space<vmem_shared>>) offsets(%arg21 : memref<128xi32, #tpu.memory_space<vmem>>) semaphore(%arg46 : memref<!tpu.dma_semaphore, #tpu.memory_space<semaphore_mem>>) {add = true}
      %dma_start3A_186 = arith.constant 0 : i32
      %dma_start3A_187 = tpu.memref_slice %arg40[%dma_start3A_186] : memref<100352xf32, #tpu.memory_space<vmem_shared>> -> memref<100352xf32, #tpu.memory_space<vmem_shared>>
      tpu.enqueue_indirect_dma source(%arg30 : memref<128xf32, #tpu.memory_space<vmem>>) target(%dma_start3A_187 : memref<100352xf32, #tpu.memory_space<vmem_shared>>) offsets(%arg22 : memref<128xi32, #tpu.memory_space<vmem>>) semaphore(%arg46 : memref<!tpu.dma_semaphore, #tpu.memory_space<semaphore_mem>>) {add = true}
      %dma_start3A_188 = arith.constant 0 : i32
      %dma_start3A_189 = tpu.memref_slice %arg43[%dma_start3A_188] : memref<100352xf32, #tpu.memory_space<vmem_shared>> -> memref<100352xf32, #tpu.memory_space<vmem_shared>>
      tpu.enqueue_indirect_dma source(%dma_start3A_189 : memref<100352xf32, #tpu.memory_space<vmem_shared>>) target(%arg31 : memref<128xf32, #tpu.memory_space<vmem>>) offsets(%arg15 : memref<128xi32, #tpu.memory_space<vmem>>) semaphore(%arg45 : memref<!tpu.dma_semaphore, #tpu.memory_space<semaphore_mem>>)
      %dma_start3A_190 = arith.constant 0 : i32
      %dma_start3A_191 = tpu.memref_slice %arg43[%dma_start3A_190] : memref<100352xf32, #tpu.memory_space<vmem_shared>> -> memref<100352xf32, #tpu.memory_space<vmem_shared>>
      tpu.enqueue_indirect_dma source(%dma_start3A_191 : memref<100352xf32, #tpu.memory_space<vmem_shared>>) target(%arg32 : memref<128xf32, #tpu.memory_space<vmem>>) offsets(%arg16 : memref<128xi32, #tpu.memory_space<vmem>>) semaphore(%arg45 : memref<!tpu.dma_semaphore, #tpu.memory_space<semaphore_mem>>)
      %dma_start3A_192 = arith.constant 0 : i32
      %dma_start3A_193 = tpu.memref_slice %arg43[%dma_start3A_192] : memref<100352xf32, #tpu.memory_space<vmem_shared>> -> memref<100352xf32, #tpu.memory_space<vmem_shared>>
      tpu.enqueue_indirect_dma source(%dma_start3A_193 : memref<100352xf32, #tpu.memory_space<vmem_shared>>) target(%arg33 : memref<128xf32, #tpu.memory_space<vmem>>) offsets(%arg17 : memref<128xi32, #tpu.memory_space<vmem>>) semaphore(%arg45 : memref<!tpu.dma_semaphore, #tpu.memory_space<semaphore_mem>>)
      %dma_start3A_194 = arith.constant 0 : i32
      %dma_start3A_195 = tpu.memref_slice %arg43[%dma_start3A_194] : memref<100352xf32, #tpu.memory_space<vmem_shared>> -> memref<100352xf32, #tpu.memory_space<vmem_shared>>
      tpu.enqueue_indirect_dma source(%dma_start3A_195 : memref<100352xf32, #tpu.memory_space<vmem_shared>>) target(%arg34 : memref<128xf32, #tpu.memory_space<vmem>>) offsets(%arg18 : memref<128xi32, #tpu.memory_space<vmem>>) semaphore(%arg45 : memref<!tpu.dma_semaphore, #tpu.memory_space<semaphore_mem>>)
      %dma_start3A_196 = arith.constant 0 : i32
      %dma_start3A_197 = tpu.memref_slice %arg43[%dma_start3A_196] : memref<100352xf32, #tpu.memory_space<vmem_shared>> -> memref<100352xf32, #tpu.memory_space<vmem_shared>>
      tpu.enqueue_indirect_dma source(%dma_start3A_197 : memref<100352xf32, #tpu.memory_space<vmem_shared>>) target(%arg35 : memref<128xf32, #tpu.memory_space<vmem>>) offsets(%arg19 : memref<128xi32, #tpu.memory_space<vmem>>) semaphore(%arg45 : memref<!tpu.dma_semaphore, #tpu.memory_space<semaphore_mem>>)
      %dma_start3A_198 = arith.constant 0 : i32
      %dma_start3A_199 = tpu.memref_slice %arg43[%dma_start3A_198] : memref<100352xf32, #tpu.memory_space<vmem_shared>> -> memref<100352xf32, #tpu.memory_space<vmem_shared>>
      tpu.enqueue_indirect_dma source(%dma_start3A_199 : memref<100352xf32, #tpu.memory_space<vmem_shared>>) target(%arg36 : memref<128xf32, #tpu.memory_space<vmem>>) offsets(%arg20 : memref<128xi32, #tpu.memory_space<vmem>>) semaphore(%arg45 : memref<!tpu.dma_semaphore, #tpu.memory_space<semaphore_mem>>)
      %dma_start3A_200 = arith.constant 0 : i32
      %dma_start3A_201 = tpu.memref_slice %arg43[%dma_start3A_200] : memref<100352xf32, #tpu.memory_space<vmem_shared>> -> memref<100352xf32, #tpu.memory_space<vmem_shared>>
      tpu.enqueue_indirect_dma source(%dma_start3A_201 : memref<100352xf32, #tpu.memory_space<vmem_shared>>) target(%arg37 : memref<128xf32, #tpu.memory_space<vmem>>) offsets(%arg21 : memref<128xi32, #tpu.memory_space<vmem>>) semaphore(%arg45 : memref<!tpu.dma_semaphore, #tpu.memory_space<semaphore_mem>>)
      %dma_start3A_202 = arith.constant 0 : i32
      %dma_start3A_203 = tpu.memref_slice %arg43[%dma_start3A_202] : memref<100352xf32, #tpu.memory_space<vmem_shared>> -> memref<100352xf32, #tpu.memory_space<vmem_shared>>
      tpu.enqueue_indirect_dma source(%dma_start3A_203 : memref<100352xf32, #tpu.memory_space<vmem_shared>>) target(%arg38 : memref<128xf32, #tpu.memory_space<vmem>>) offsets(%arg22 : memref<128xi32, #tpu.memory_space<vmem>>) semaphore(%arg45 : memref<!tpu.dma_semaphore, #tpu.memory_space<semaphore_mem>>)
      %dma_wait3A_204 = arith.constant 0 : i32
      %dma_wait3A_205 = tpu.memref_slice %arg43[%dma_wait3A_204] : memref<100352xf32, #tpu.memory_space<vmem_shared>> -> memref<100352xf32, #tpu.memory_space<vmem_shared>>
      tpu.wait_indirect_dma semaphore(%arg45 : memref<!tpu.dma_semaphore, #tpu.memory_space<semaphore_mem>>) src(%dma_wait3A_205 : memref<100352xf32, #tpu.memory_space<vmem_shared>>) dst(%arg31 : memref<128xf32, #tpu.memory_space<vmem>>)
      %dma_wait3A_206 = arith.constant 0 : i32
      %dma_wait3A_207 = tpu.memref_slice %arg43[%dma_wait3A_206] : memref<100352xf32, #tpu.memory_space<vmem_shared>> -> memref<100352xf32, #tpu.memory_space<vmem_shared>>
      tpu.wait_indirect_dma semaphore(%arg45 : memref<!tpu.dma_semaphore, #tpu.memory_space<semaphore_mem>>) src(%dma_wait3A_207 : memref<100352xf32, #tpu.memory_space<vmem_shared>>) dst(%arg32 : memref<128xf32, #tpu.memory_space<vmem>>)
      %dma_wait3A_208 = arith.constant 0 : i32
      %dma_wait3A_209 = tpu.memref_slice %arg43[%dma_wait3A_208] : memref<100352xf32, #tpu.memory_space<vmem_shared>> -> memref<100352xf32, #tpu.memory_space<vmem_shared>>
      tpu.wait_indirect_dma semaphore(%arg45 : memref<!tpu.dma_semaphore, #tpu.memory_space<semaphore_mem>>) src(%dma_wait3A_209 : memref<100352xf32, #tpu.memory_space<vmem_shared>>) dst(%arg33 : memref<128xf32, #tpu.memory_space<vmem>>)
      %dma_wait3A_210 = arith.constant 0 : i32
      %dma_wait3A_211 = tpu.memref_slice %arg43[%dma_wait3A_210] : memref<100352xf32, #tpu.memory_space<vmem_shared>> -> memref<100352xf32, #tpu.memory_space<vmem_shared>>
      tpu.wait_indirect_dma semaphore(%arg45 : memref<!tpu.dma_semaphore, #tpu.memory_space<semaphore_mem>>) src(%dma_wait3A_211 : memref<100352xf32, #tpu.memory_space<vmem_shared>>) dst(%arg34 : memref<128xf32, #tpu.memory_space<vmem>>)
      %dma_wait3A_212 = arith.constant 0 : i32
      %dma_wait3A_213 = tpu.memref_slice %arg43[%dma_wait3A_212] : memref<100352xf32, #tpu.memory_space<vmem_shared>> -> memref<100352xf32, #tpu.memory_space<vmem_shared>>
      tpu.wait_indirect_dma semaphore(%arg45 : memref<!tpu.dma_semaphore, #tpu.memory_space<semaphore_mem>>) src(%dma_wait3A_213 : memref<100352xf32, #tpu.memory_space<vmem_shared>>) dst(%arg35 : memref<128xf32, #tpu.memory_space<vmem>>)
      %dma_wait3A_214 = arith.constant 0 : i32
      %dma_wait3A_215 = tpu.memref_slice %arg43[%dma_wait3A_214] : memref<100352xf32, #tpu.memory_space<vmem_shared>> -> memref<100352xf32, #tpu.memory_space<vmem_shared>>
      tpu.wait_indirect_dma semaphore(%arg45 : memref<!tpu.dma_semaphore, #tpu.memory_space<semaphore_mem>>) src(%dma_wait3A_215 : memref<100352xf32, #tpu.memory_space<vmem_shared>>) dst(%arg36 : memref<128xf32, #tpu.memory_space<vmem>>)
      %dma_wait3A_216 = arith.constant 0 : i32
      %dma_wait3A_217 = tpu.memref_slice %arg43[%dma_wait3A_216] : memref<100352xf32, #tpu.memory_space<vmem_shared>> -> memref<100352xf32, #tpu.memory_space<vmem_shared>>
      tpu.wait_indirect_dma semaphore(%arg45 : memref<!tpu.dma_semaphore, #tpu.memory_space<semaphore_mem>>) src(%dma_wait3A_217 : memref<100352xf32, #tpu.memory_space<vmem_shared>>) dst(%arg37 : memref<128xf32, #tpu.memory_space<vmem>>)
      %dma_wait3A_218 = arith.constant 0 : i32
      %dma_wait3A_219 = tpu.memref_slice %arg43[%dma_wait3A_218] : memref<100352xf32, #tpu.memory_space<vmem_shared>> -> memref<100352xf32, #tpu.memory_space<vmem_shared>>
      tpu.wait_indirect_dma semaphore(%arg45 : memref<!tpu.dma_semaphore, #tpu.memory_space<semaphore_mem>>) src(%dma_wait3A_219 : memref<100352xf32, #tpu.memory_space<vmem_shared>>) dst(%arg38 : memref<128xf32, #tpu.memory_space<vmem>>)
      %dma_start3A_220 = arith.constant 0 : i32
      %dma_start3A_221 = tpu.memref_slice %arg41[%dma_start3A_220] : memref<100352xf32, #tpu.memory_space<vmem_shared>> -> memref<100352xf32, #tpu.memory_space<vmem_shared>>
      tpu.enqueue_indirect_dma source(%arg31 : memref<128xf32, #tpu.memory_space<vmem>>) target(%dma_start3A_221 : memref<100352xf32, #tpu.memory_space<vmem_shared>>) offsets(%arg7 : memref<128xi32, #tpu.memory_space<vmem>>) semaphore(%arg46 : memref<!tpu.dma_semaphore, #tpu.memory_space<semaphore_mem>>) {add = true}
      %dma_start3A_222 = arith.constant 0 : i32
      %dma_start3A_223 = tpu.memref_slice %arg41[%dma_start3A_222] : memref<100352xf32, #tpu.memory_space<vmem_shared>> -> memref<100352xf32, #tpu.memory_space<vmem_shared>>
      tpu.enqueue_indirect_dma source(%arg32 : memref<128xf32, #tpu.memory_space<vmem>>) target(%dma_start3A_223 : memref<100352xf32, #tpu.memory_space<vmem_shared>>) offsets(%arg8 : memref<128xi32, #tpu.memory_space<vmem>>) semaphore(%arg46 : memref<!tpu.dma_semaphore, #tpu.memory_space<semaphore_mem>>) {add = true}
      %dma_start3A_224 = arith.constant 0 : i32
      %dma_start3A_225 = tpu.memref_slice %arg41[%dma_start3A_224] : memref<100352xf32, #tpu.memory_space<vmem_shared>> -> memref<100352xf32, #tpu.memory_space<vmem_shared>>
      tpu.enqueue_indirect_dma source(%arg33 : memref<128xf32, #tpu.memory_space<vmem>>) target(%dma_start3A_225 : memref<100352xf32, #tpu.memory_space<vmem_shared>>) offsets(%arg9 : memref<128xi32, #tpu.memory_space<vmem>>) semaphore(%arg46 : memref<!tpu.dma_semaphore, #tpu.memory_space<semaphore_mem>>) {add = true}
      %dma_start3A_226 = arith.constant 0 : i32
      %dma_start3A_227 = tpu.memref_slice %arg41[%dma_start3A_226] : memref<100352xf32, #tpu.memory_space<vmem_shared>> -> memref<100352xf32, #tpu.memory_space<vmem_shared>>
      tpu.enqueue_indirect_dma source(%arg34 : memref<128xf32, #tpu.memory_space<vmem>>) target(%dma_start3A_227 : memref<100352xf32, #tpu.memory_space<vmem_shared>>) offsets(%arg10 : memref<128xi32, #tpu.memory_space<vmem>>) semaphore(%arg46 : memref<!tpu.dma_semaphore, #tpu.memory_space<semaphore_mem>>) {add = true}
      %dma_start3A_228 = arith.constant 0 : i32
      %dma_start3A_229 = tpu.memref_slice %arg41[%dma_start3A_228] : memref<100352xf32, #tpu.memory_space<vmem_shared>> -> memref<100352xf32, #tpu.memory_space<vmem_shared>>
      tpu.enqueue_indirect_dma source(%arg35 : memref<128xf32, #tpu.memory_space<vmem>>) target(%dma_start3A_229 : memref<100352xf32, #tpu.memory_space<vmem_shared>>) offsets(%arg11 : memref<128xi32, #tpu.memory_space<vmem>>) semaphore(%arg46 : memref<!tpu.dma_semaphore, #tpu.memory_space<semaphore_mem>>) {add = true}
      %dma_start3A_230 = arith.constant 0 : i32
      %dma_start3A_231 = tpu.memref_slice %arg41[%dma_start3A_230] : memref<100352xf32, #tpu.memory_space<vmem_shared>> -> memref<100352xf32, #tpu.memory_space<vmem_shared>>
      tpu.enqueue_indirect_dma source(%arg36 : memref<128xf32, #tpu.memory_space<vmem>>) target(%dma_start3A_231 : memref<100352xf32, #tpu.memory_space<vmem_shared>>) offsets(%arg12 : memref<128xi32, #tpu.memory_space<vmem>>) semaphore(%arg46 : memref<!tpu.dma_semaphore, #tpu.memory_space<semaphore_mem>>) {add = true}
      %dma_start3A_232 = arith.constant 0 : i32
      %dma_start3A_233 = tpu.memref_slice %arg41[%dma_start3A_232] : memref<100352xf32, #tpu.memory_space<vmem_shared>> -> memref<100352xf32, #tpu.memory_space<vmem_shared>>
      tpu.enqueue_indirect_dma source(%arg37 : memref<128xf32, #tpu.memory_space<vmem>>) target(%dma_start3A_233 : memref<100352xf32, #tpu.memory_space<vmem_shared>>) offsets(%arg13 : memref<128xi32, #tpu.memory_space<vmem>>) semaphore(%arg46 : memref<!tpu.dma_semaphore, #tpu.memory_space<semaphore_mem>>) {add = true}
      %dma_start3A_234 = arith.constant 0 : i32
      %dma_start3A_235 = tpu.memref_slice %arg41[%dma_start3A_234] : memref<100352xf32, #tpu.memory_space<vmem_shared>> -> memref<100352xf32, #tpu.memory_space<vmem_shared>>
      tpu.enqueue_indirect_dma source(%arg38 : memref<128xf32, #tpu.memory_space<vmem>>) target(%dma_start3A_235 : memref<100352xf32, #tpu.memory_space<vmem_shared>>) offsets(%arg14 : memref<128xi32, #tpu.memory_space<vmem>>) semaphore(%arg46 : memref<!tpu.dma_semaphore, #tpu.memory_space<semaphore_mem>>) {add = true}
      %dma_wait3A_236 = arith.constant 0 : i32
      %dma_wait3A_237 = tpu.memref_slice %arg40[%dma_wait3A_236] : memref<100352xf32, #tpu.memory_space<vmem_shared>> -> memref<100352xf32, #tpu.memory_space<vmem_shared>>
      tpu.wait_indirect_dma semaphore(%arg46 : memref<!tpu.dma_semaphore, #tpu.memory_space<semaphore_mem>>) src(%arg23 : memref<128xf32, #tpu.memory_space<vmem>>) dst(%dma_wait3A_237 : memref<100352xf32, #tpu.memory_space<vmem_shared>>)
      %dma_wait3A_238 = arith.constant 0 : i32
      %dma_wait3A_239 = tpu.memref_slice %arg40[%dma_wait3A_238] : memref<100352xf32, #tpu.memory_space<vmem_shared>> -> memref<100352xf32, #tpu.memory_space<vmem_shared>>
      tpu.wait_indirect_dma semaphore(%arg46 : memref<!tpu.dma_semaphore, #tpu.memory_space<semaphore_mem>>) src(%arg24 : memref<128xf32, #tpu.memory_space<vmem>>) dst(%dma_wait3A_239 : memref<100352xf32, #tpu.memory_space<vmem_shared>>)
      %dma_wait3A_240 = arith.constant 0 : i32
      %dma_wait3A_241 = tpu.memref_slice %arg40[%dma_wait3A_240] : memref<100352xf32, #tpu.memory_space<vmem_shared>> -> memref<100352xf32, #tpu.memory_space<vmem_shared>>
      tpu.wait_indirect_dma semaphore(%arg46 : memref<!tpu.dma_semaphore, #tpu.memory_space<semaphore_mem>>) src(%arg25 : memref<128xf32, #tpu.memory_space<vmem>>) dst(%dma_wait3A_241 : memref<100352xf32, #tpu.memory_space<vmem_shared>>)
      %dma_wait3A_242 = arith.constant 0 : i32
      %dma_wait3A_243 = tpu.memref_slice %arg40[%dma_wait3A_242] : memref<100352xf32, #tpu.memory_space<vmem_shared>> -> memref<100352xf32, #tpu.memory_space<vmem_shared>>
      tpu.wait_indirect_dma semaphore(%arg46 : memref<!tpu.dma_semaphore, #tpu.memory_space<semaphore_mem>>) src(%arg26 : memref<128xf32, #tpu.memory_space<vmem>>) dst(%dma_wait3A_243 : memref<100352xf32, #tpu.memory_space<vmem_shared>>)
      %dma_wait3A_244 = arith.constant 0 : i32
      %dma_wait3A_245 = tpu.memref_slice %arg40[%dma_wait3A_244] : memref<100352xf32, #tpu.memory_space<vmem_shared>> -> memref<100352xf32, #tpu.memory_space<vmem_shared>>
      tpu.wait_indirect_dma semaphore(%arg46 : memref<!tpu.dma_semaphore, #tpu.memory_space<semaphore_mem>>) src(%arg27 : memref<128xf32, #tpu.memory_space<vmem>>) dst(%dma_wait3A_245 : memref<100352xf32, #tpu.memory_space<vmem_shared>>)
      %dma_wait3A_246 = arith.constant 0 : i32
      %dma_wait3A_247 = tpu.memref_slice %arg40[%dma_wait3A_246] : memref<100352xf32, #tpu.memory_space<vmem_shared>> -> memref<100352xf32, #tpu.memory_space<vmem_shared>>
      tpu.wait_indirect_dma semaphore(%arg46 : memref<!tpu.dma_semaphore, #tpu.memory_space<semaphore_mem>>) src(%arg28 : memref<128xf32, #tpu.memory_space<vmem>>) dst(%dma_wait3A_247 : memref<100352xf32, #tpu.memory_space<vmem_shared>>)
      %dma_wait3A_248 = arith.constant 0 : i32
      %dma_wait3A_249 = tpu.memref_slice %arg40[%dma_wait3A_248] : memref<100352xf32, #tpu.memory_space<vmem_shared>> -> memref<100352xf32, #tpu.memory_space<vmem_shared>>
      tpu.wait_indirect_dma semaphore(%arg46 : memref<!tpu.dma_semaphore, #tpu.memory_space<semaphore_mem>>) src(%arg29 : memref<128xf32, #tpu.memory_space<vmem>>) dst(%dma_wait3A_249 : memref<100352xf32, #tpu.memory_space<vmem_shared>>)
      %dma_wait3A_250 = arith.constant 0 : i32
      %dma_wait3A_251 = tpu.memref_slice %arg40[%dma_wait3A_250] : memref<100352xf32, #tpu.memory_space<vmem_shared>> -> memref<100352xf32, #tpu.memory_space<vmem_shared>>
      tpu.wait_indirect_dma semaphore(%arg46 : memref<!tpu.dma_semaphore, #tpu.memory_space<semaphore_mem>>) src(%arg30 : memref<128xf32, #tpu.memory_space<vmem>>) dst(%dma_wait3A_251 : memref<100352xf32, #tpu.memory_space<vmem_shared>>)
      %dma_wait3A_252 = arith.constant 0 : i32
      %dma_wait3A_253 = tpu.memref_slice %arg41[%dma_wait3A_252] : memref<100352xf32, #tpu.memory_space<vmem_shared>> -> memref<100352xf32, #tpu.memory_space<vmem_shared>>
      tpu.wait_indirect_dma semaphore(%arg46 : memref<!tpu.dma_semaphore, #tpu.memory_space<semaphore_mem>>) src(%arg31 : memref<128xf32, #tpu.memory_space<vmem>>) dst(%dma_wait3A_253 : memref<100352xf32, #tpu.memory_space<vmem_shared>>)
      %dma_wait3A_254 = arith.constant 0 : i32
      %dma_wait3A_255 = tpu.memref_slice %arg41[%dma_wait3A_254] : memref<100352xf32, #tpu.memory_space<vmem_shared>> -> memref<100352xf32, #tpu.memory_space<vmem_shared>>
      tpu.wait_indirect_dma semaphore(%arg46 : memref<!tpu.dma_semaphore, #tpu.memory_space<semaphore_mem>>) src(%arg32 : memref<128xf32, #tpu.memory_space<vmem>>) dst(%dma_wait3A_255 : memref<100352xf32, #tpu.memory_space<vmem_shared>>)
      %dma_wait3A_256 = arith.constant 0 : i32
      %dma_wait3A_257 = tpu.memref_slice %arg41[%dma_wait3A_256] : memref<100352xf32, #tpu.memory_space<vmem_shared>> -> memref<100352xf32, #tpu.memory_space<vmem_shared>>
      tpu.wait_indirect_dma semaphore(%arg46 : memref<!tpu.dma_semaphore, #tpu.memory_space<semaphore_mem>>) src(%arg33 : memref<128xf32, #tpu.memory_space<vmem>>) dst(%dma_wait3A_257 : memref<100352xf32, #tpu.memory_space<vmem_shared>>)
      %dma_wait3A_258 = arith.constant 0 : i32
      %dma_wait3A_259 = tpu.memref_slice %arg41[%dma_wait3A_258] : memref<100352xf32, #tpu.memory_space<vmem_shared>> -> memref<100352xf32, #tpu.memory_space<vmem_shared>>
      tpu.wait_indirect_dma semaphore(%arg46 : memref<!tpu.dma_semaphore, #tpu.memory_space<semaphore_mem>>) src(%arg34 : memref<128xf32, #tpu.memory_space<vmem>>) dst(%dma_wait3A_259 : memref<100352xf32, #tpu.memory_space<vmem_shared>>)
      %dma_wait3A_260 = arith.constant 0 : i32
      %dma_wait3A_261 = tpu.memref_slice %arg41[%dma_wait3A_260] : memref<100352xf32, #tpu.memory_space<vmem_shared>> -> memref<100352xf32, #tpu.memory_space<vmem_shared>>
      tpu.wait_indirect_dma semaphore(%arg46 : memref<!tpu.dma_semaphore, #tpu.memory_space<semaphore_mem>>) src(%arg35 : memref<128xf32, #tpu.memory_space<vmem>>) dst(%dma_wait3A_261 : memref<100352xf32, #tpu.memory_space<vmem_shared>>)
      %dma_wait3A_262 = arith.constant 0 : i32
      %dma_wait3A_263 = tpu.memref_slice %arg41[%dma_wait3A_262] : memref<100352xf32, #tpu.memory_space<vmem_shared>> -> memref<100352xf32, #tpu.memory_space<vmem_shared>>
      tpu.wait_indirect_dma semaphore(%arg46 : memref<!tpu.dma_semaphore, #tpu.memory_space<semaphore_mem>>) src(%arg36 : memref<128xf32, #tpu.memory_space<vmem>>) dst(%dma_wait3A_263 : memref<100352xf32, #tpu.memory_space<vmem_shared>>)
      %dma_wait3A_264 = arith.constant 0 : i32
      %dma_wait3A_265 = tpu.memref_slice %arg41[%dma_wait3A_264] : memref<100352xf32, #tpu.memory_space<vmem_shared>> -> memref<100352xf32, #tpu.memory_space<vmem_shared>>
      tpu.wait_indirect_dma semaphore(%arg46 : memref<!tpu.dma_semaphore, #tpu.memory_space<semaphore_mem>>) src(%arg37 : memref<128xf32, #tpu.memory_space<vmem>>) dst(%dma_wait3A_265 : memref<100352xf32, #tpu.memory_space<vmem_shared>>)
      %dma_wait3A_266 = arith.constant 0 : i32
      %dma_wait3A_267 = tpu.memref_slice %arg41[%dma_wait3A_266] : memref<100352xf32, #tpu.memory_space<vmem_shared>> -> memref<100352xf32, #tpu.memory_space<vmem_shared>>
      tpu.wait_indirect_dma semaphore(%arg46 : memref<!tpu.dma_semaphore, #tpu.memory_space<semaphore_mem>>) src(%arg38 : memref<128xf32, #tpu.memory_space<vmem>>) dst(%dma_wait3A_267 : memref<100352xf32, #tpu.memory_space<vmem_shared>>)
      %scan3A_268 = arith.constant 0 : i32
      scf.yield %scan3A_268 : i32
    }
    %scan3A_21 = arith.constant 49 : i32
    %barrier3A_22 = arith.constant 0 : index
    tpu.barrier barrier_id(%barrier3A_22)
    %add3A_23 = arith.constant 0 : i32
    %add3A_24 = arith.addi %add3A_23, %arg0 : i32
    %mul3A_25 = arith.constant 100352 : i32
    %mul3A_26 = arith.muli %add3A_24, %mul3A_25 : i32
    %mul3A_27 = arith.constant 6272 : i32
    %mul3A_28 = arith.muli %arg1, %mul3A_27 : i32
    %add3A_29 = arith.addi %mul3A_26, %mul3A_28 : i32
    %mul3A_30 = arith.constant 6272 : i32
    %mul3A_31 = arith.muli %arg1, %mul3A_30 : i32
    "tpu.region"() ({
      %run_scoped3A = tpu.sem_alloc : memref<!tpu.dma_semaphore, #tpu.memory_space<semaphore_mem>>
      %dma_start3A = tpu.memref_slice %arg6[%add3A_29] : memref<401408xf32, #tpu.memory_space<hbm>> -> memref<6272xf32, #tpu.memory_space<hbm>>
      %dma_start3A_41 = tpu.memref_slice %arg40[%mul3A_31] : memref<100352xf32, #tpu.memory_space<vmem_shared>> -> memref<6272xf32, #tpu.memory_space<vmem_shared>>
      tpu.enqueue_dma source(%dma_start3A_41 : memref<6272xf32, #tpu.memory_space<vmem_shared>>) target(%dma_start3A : memref<6272xf32, #tpu.memory_space<hbm>>) target_semaphore(%run_scoped3A : memref<!tpu.dma_semaphore, #tpu.memory_space<semaphore_mem>>)
      %dma_wait3A = tpu.memref_slice %arg6[%add3A_29] : memref<401408xf32, #tpu.memory_space<hbm>> -> memref<6272xf32, #tpu.memory_space<hbm>>
      %dma_wait3A_42 = tpu.memref_slice %arg40[%mul3A_31] : memref<100352xf32, #tpu.memory_space<vmem_shared>> -> memref<6272xf32, #tpu.memory_space<vmem_shared>>
      tpu.wait_dma2 semaphore(%run_scoped3A : memref<!tpu.dma_semaphore, #tpu.memory_space<semaphore_mem>>) src(%dma_wait3A_42 : memref<6272xf32, #tpu.memory_space<vmem_shared>>) dst(%dma_wait3A : memref<6272xf32, #tpu.memory_space<hbm>>)
      tpu.yield
    }) : () -> ()
    %add3A_32 = arith.constant 2 : i32
    %add3A_33 = arith.addi %add3A_32, %arg0 : i32
    %mul3A_34 = arith.constant 100352 : i32
    %mul3A_35 = arith.muli %add3A_33, %mul3A_34 : i32
    %mul3A_36 = arith.constant 6272 : i32
    %mul3A_37 = arith.muli %arg1, %mul3A_36 : i32
    %add3A_38 = arith.addi %mul3A_35, %mul3A_37 : i32
    %mul3A_39 = arith.constant 6272 : i32
    %mul3A_40 = arith.muli %arg1, %mul3A_39 : i32
    "tpu.region"() ({
      %run_scoped3A = tpu.sem_alloc : memref<!tpu.dma_semaphore, #tpu.memory_space<semaphore_mem>>
      %dma_start3A = tpu.memref_slice %arg6[%add3A_38] : memref<401408xf32, #tpu.memory_space<hbm>> -> memref<6272xf32, #tpu.memory_space<hbm>>
      %dma_start3A_41 = tpu.memref_slice %arg41[%mul3A_40] : memref<100352xf32, #tpu.memory_space<vmem_shared>> -> memref<6272xf32, #tpu.memory_space<vmem_shared>>
      tpu.enqueue_dma source(%dma_start3A_41 : memref<6272xf32, #tpu.memory_space<vmem_shared>>) target(%dma_start3A : memref<6272xf32, #tpu.memory_space<hbm>>) target_semaphore(%run_scoped3A : memref<!tpu.dma_semaphore, #tpu.memory_space<semaphore_mem>>)
      %dma_wait3A = tpu.memref_slice %arg6[%add3A_38] : memref<401408xf32, #tpu.memory_space<hbm>> -> memref<6272xf32, #tpu.memory_space<hbm>>
      %dma_wait3A_42 = tpu.memref_slice %arg41[%mul3A_40] : memref<100352xf32, #tpu.memory_space<vmem_shared>> -> memref<6272xf32, #tpu.memory_space<vmem_shared>>
      tpu.wait_dma2 semaphore(%run_scoped3A : memref<!tpu.dma_semaphore, #tpu.memory_space<semaphore_mem>>) src(%dma_wait3A_42 : memref<6272xf32, #tpu.memory_space<vmem_shared>>) dst(%dma_wait3A : memref<6272xf32, #tpu.memory_space<hbm>>)
      tpu.yield
    }) : () -> ()
    return
  }
}

#map = affine_map<(d0, d1) -> (0)>
module attributes {stable_mosaic.version = 14 : i64} {
  func.func @_k_degrees(%arg0: i32, %arg1: i32, %arg2: memref<1605632xi32, #tpu.memory_space<hbm>>, %arg3: memref<1605632xi32, #tpu.memory_space<hbm>>, %arg4: memref<401408xf32, #tpu.memory_space<hbm>>, %arg5: memref<128xi32, #tpu.memory_space<vmem>>, %arg6: memref<128xi32, #tpu.memory_space<vmem>>, %arg7: memref<128xi32, #tpu.memory_space<vmem>>, %arg8: memref<128xi32, #tpu.memory_space<vmem>>, %arg9: memref<128xi32, #tpu.memory_space<vmem>>, %arg10: memref<128xi32, #tpu.memory_space<vmem>>, %arg11: memref<128xi32, #tpu.memory_space<vmem>>, %arg12: memref<128xi32, #tpu.memory_space<vmem>>, %arg13: memref<128xi32, #tpu.memory_space<vmem>>, %arg14: memref<128xi32, #tpu.memory_space<vmem>>, %arg15: memref<128xi32, #tpu.memory_space<vmem>>, %arg16: memref<128xi32, #tpu.memory_space<vmem>>, %arg17: memref<128xi32, #tpu.memory_space<vmem>>, %arg18: memref<128xi32, #tpu.memory_space<vmem>>, %arg19: memref<128xi32, #tpu.memory_space<vmem>>, %arg20: memref<128xi32, #tpu.memory_space<vmem>>, %arg21: memref<128xf32, #tpu.memory_space<vmem>>, %arg22: memref<6272xf32, #tpu.memory_space<vmem>>, %arg23: memref<100352xf32, #tpu.memory_space<vmem_shared>>, %arg24: memref<100352xf32, #tpu.memory_space<vmem_shared>>, %arg25: memref<!tpu.dma_semaphore, #tpu.memory_space<semaphore_mem>>, %arg26: memref<!tpu.dma_semaphore, #tpu.memory_space<semaphore_mem>>) attributes {dimension_semantics = [#tpu.dimension_semantics<core_parallel>, #tpu.dimension_semantics<subcore_parallel>], iteration_bounds = array<i64: 2, 16>, scalar_prefetch = 0 : i64, scratch_operands = 22 : i64, tpu.core_type = #tpu.core_type<sc_vector_subcore>, window_params = [{transform_indices = #map}, {transform_indices = #map}, {transform_indices = #map}]} {
    %scan3A = arith.constant 0 : i32
    %scan3A_0 = arith.constant 0 : i32
    %scan3A_1 = arith.constant 8 : i32
    %scan3A_2 = arith.addi %scan3A_0, %scan3A_1 : i32
    %scan3A_3 = arith.constant 1 : i32
    %scan3A_4 = scf.for %scan3A_46 = %scan3A_0 to %scan3A_2 step %scan3A_3 iter_args(%scan3A_47 = %scan3A) -> (i32)  : i32 {
      %broadcast_in_dim3A = arith.constant 1.000000e+00 : f32
      %broadcast_in_dim3A_48 = vector.broadcast %broadcast_in_dim3A : f32 to vector<16xf32>
      %mul3A_49 = arith.constant 16 : i32
      %mul3A_50 = arith.muli %scan3A_46, %mul3A_49 : i32
      %swap3A = arith.index_cast %mul3A_50 : i32 to index
      %swap3A_51 = tpu.vector_load %arg21[%swap3A] {strides = array<i32>} : memref<128xf32, #tpu.memory_space<vmem>>, vector<16xf32>,
      %swap3A_52 = vector.shape_cast %swap3A_51 : vector<16xf32> to vector<16xf32>
      %swap3A_53 = vector.shape_cast %broadcast_in_dim3A_48 : vector<16xf32> to vector<16xf32>
      tpu.vector_store %arg21[%swap3A], %swap3A_53 {strides = array<i32>} : memref<128xf32, #tpu.memory_space<vmem>>, vector<16xf32>,
      %scan3A_54 = arith.constant 0 : i32
      scf.yield %scan3A_54 : i32
    }
    %scan3A_5 = arith.constant 8 : i32
    %scan3A_6 = arith.constant 0 : i32
    %scan3A_7 = arith.constant 0 : i32
    %scan3A_8 = arith.constant 392 : i32
    %scan3A_9 = arith.addi %scan3A_7, %scan3A_8 : i32
    %scan3A_10 = arith.constant 1 : i32
    %scan3A_11 = scf.for %scan3A_46 = %scan3A_7 to %scan3A_9 step %scan3A_10 iter_args(%scan3A_47 = %scan3A_6) -> (i32)  : i32 {
      %broadcast_in_dim3A = arith.constant 0.000000e+00 : f32
      %broadcast_in_dim3A_48 = vector.broadcast %broadcast_in_dim3A : f32 to vector<16xf32>
      %mul3A_49 = arith.constant 16 : i32
      %mul3A_50 = arith.muli %scan3A_46, %mul3A_49 : i32
      %swap3A = arith.index_cast %mul3A_50 : i32 to index
      %swap3A_51 = tpu.vector_load %arg22[%swap3A] {strides = array<i32>} : memref<6272xf32, #tpu.memory_space<vmem>>, vector<16xf32>,
      %swap3A_52 = vector.shape_cast %swap3A_51 : vector<16xf32> to vector<16xf32>
      %swap3A_53 = vector.shape_cast %broadcast_in_dim3A_48 : vector<16xf32> to vector<16xf32>
      tpu.vector_store %arg22[%swap3A], %swap3A_53 {strides = array<i32>} : memref<6272xf32, #tpu.memory_space<vmem>>, vector<16xf32>,
      %scan3A_54 = arith.constant 0 : i32
      scf.yield %scan3A_54 : i32
    }
    %scan3A_12 = arith.constant 392 : i32
    %mul3A = arith.constant 6272 : i32
    %mul3A_13 = arith.muli %arg1, %mul3A : i32
    "tpu.region"() ({
      %run_scoped3A = tpu.sem_alloc : memref<!tpu.dma_semaphore, #tpu.memory_space<semaphore_mem>>
      %dma_start3A = tpu.memref_slice %arg23[%mul3A_13] : memref<100352xf32, #tpu.memory_space<vmem_shared>> -> memref<6272xf32, #tpu.memory_space<vmem_shared>>
      %dma_start3A_46 = tpu.memref_slice %arg23[%mul3A_13] : memref<100352xf32, #tpu.memory_space<vmem_shared>> -> memref<6272xf32, #tpu.memory_space<vmem_shared>>
      tpu.enqueue_dma source(%arg22 : memref<6272xf32, #tpu.memory_space<vmem>>) target(%dma_start3A_46 : memref<6272xf32, #tpu.memory_space<vmem_shared>>) target_semaphore(%run_scoped3A : memref<!tpu.dma_semaphore, #tpu.memory_space<semaphore_mem>>)
      %dma_wait3A = tpu.memref_slice %arg23[%mul3A_13] : memref<100352xf32, #tpu.memory_space<vmem_shared>> -> memref<6272xf32, #tpu.memory_space<vmem_shared>>
      %dma_wait3A_47 = tpu.memref_slice %arg23[%mul3A_13] : memref<100352xf32, #tpu.memory_space<vmem_shared>> -> memref<6272xf32, #tpu.memory_space<vmem_shared>>
      tpu.wait_dma2 semaphore(%run_scoped3A : memref<!tpu.dma_semaphore, #tpu.memory_space<semaphore_mem>>) src(%arg22 : memref<6272xf32, #tpu.memory_space<vmem>>) dst(%dma_wait3A_47 : memref<6272xf32, #tpu.memory_space<vmem_shared>>)
      tpu.yield
    }) : () -> ()
    %mul3A_14 = arith.constant 6272 : i32
    %mul3A_15 = arith.muli %arg1, %mul3A_14 : i32
    "tpu.region"() ({
      %run_scoped3A = tpu.sem_alloc : memref<!tpu.dma_semaphore, #tpu.memory_space<semaphore_mem>>
      %dma_start3A = tpu.memref_slice %arg24[%mul3A_15] : memref<100352xf32, #tpu.memory_space<vmem_shared>> -> memref<6272xf32, #tpu.memory_space<vmem_shared>>
      %dma_start3A_46 = tpu.memref_slice %arg24[%mul3A_15] : memref<100352xf32, #tpu.memory_space<vmem_shared>> -> memref<6272xf32, #tpu.memory_space<vmem_shared>>
      tpu.enqueue_dma source(%arg22 : memref<6272xf32, #tpu.memory_space<vmem>>) target(%dma_start3A_46 : memref<6272xf32, #tpu.memory_space<vmem_shared>>) target_semaphore(%run_scoped3A : memref<!tpu.dma_semaphore, #tpu.memory_space<semaphore_mem>>)
      %dma_wait3A = tpu.memref_slice %arg24[%mul3A_15] : memref<100352xf32, #tpu.memory_space<vmem_shared>> -> memref<6272xf32, #tpu.memory_space<vmem_shared>>
      %dma_wait3A_47 = tpu.memref_slice %arg24[%mul3A_15] : memref<100352xf32, #tpu.memory_space<vmem_shared>> -> memref<6272xf32, #tpu.memory_space<vmem_shared>>
      tpu.wait_dma2 semaphore(%run_scoped3A : memref<!tpu.dma_semaphore, #tpu.memory_space<semaphore_mem>>) src(%arg22 : memref<6272xf32, #tpu.memory_space<vmem>>) dst(%dma_wait3A_47 : memref<6272xf32, #tpu.memory_space<vmem_shared>>)
      tpu.yield
    }) : () -> ()
    %barrier3A = arith.constant 0 : index
    tpu.barrier barrier_id(%barrier3A)
    %mul3A_16 = arith.constant 16 : i32
    %mul3A_17 = arith.muli %arg0, %mul3A_16 : i32
    %add3A = arith.addi %mul3A_17, %arg1 : i32
    %mul3A_18 = arith.constant 50176 : i32
    %mul3A_19 = arith.muli %add3A, %mul3A_18 : i32
    %scan3A_20 = arith.constant 0 : i32
    %scan3A_21 = arith.constant 0 : i32
    %scan3A_22 = arith.constant 49 : i32
    %scan3A_23 = arith.addi %scan3A_21, %scan3A_22 : i32
    %scan3A_24 = arith.constant 1 : i32
    %scan3A_25 = scf.for %scan3A_46 = %scan3A_21 to %scan3A_23 step %scan3A_24 iter_args(%scan3A_47 = %scan3A_20) -> (i32)  : i32 {
      %mul3A_48 = arith.constant 1024 : i32
      %mul3A_49 = arith.muli %scan3A_46, %mul3A_48 : i32
      %add3A_50 = arith.addi %mul3A_19, %mul3A_49 : i32
      %add3A_51 = arith.constant 0 : i32
      %add3A_52 = arith.addi %add3A_50, %add3A_51 : i32
      %dma_start3A = tpu.memref_slice %arg2[%add3A_52] : memref<1605632xi32, #tpu.memory_space<hbm>> -> memref<128xi32, #tpu.memory_space<hbm>>
      %dma_start3A_53 = tpu.memref_slice %arg2[%add3A_52] : memref<1605632xi32, #tpu.memory_space<hbm>> -> memref<128xi32, #tpu.memory_space<hbm>>
      tpu.enqueue_dma source(%dma_start3A_53 : memref<128xi32, #tpu.memory_space<hbm>>) target(%arg5 : memref<128xi32, #tpu.memory_space<vmem>>) target_semaphore(%arg25 : memref<!tpu.dma_semaphore, #tpu.memory_space<semaphore_mem>>)
      %add3A_54 = arith.constant 0 : i32
      %add3A_55 = arith.addi %add3A_50, %add3A_54 : i32
      %dma_start3A_56 = tpu.memref_slice %arg3[%add3A_55] : memref<1605632xi32, #tpu.memory_space<hbm>> -> memref<128xi32, #tpu.memory_space<hbm>>
      %dma_start3A_57 = tpu.memref_slice %arg3[%add3A_55] : memref<1605632xi32, #tpu.memory_space<hbm>> -> memref<128xi32, #tpu.memory_space<hbm>>
      tpu.enqueue_dma source(%dma_start3A_57 : memref<128xi32, #tpu.memory_space<hbm>>) target(%arg13 : memref<128xi32, #tpu.memory_space<vmem>>) target_semaphore(%arg25 : memref<!tpu.dma_semaphore, #tpu.memory_space<semaphore_mem>>)
      %add3A_58 = arith.constant 128 : i32
      %add3A_59 = arith.addi %add3A_50, %add3A_58 : i32
      %dma_start3A_60 = tpu.memref_slice %arg2[%add3A_59] : memref<1605632xi32, #tpu.memory_space<hbm>> -> memref<128xi32, #tpu.memory_space<hbm>>
      %dma_start3A_61 = tpu.memref_slice %arg2[%add3A_59] : memref<1605632xi32, #tpu.memory_space<hbm>> -> memref<128xi32, #tpu.memory_space<hbm>>
      tpu.enqueue_dma source(%dma_start3A_61 : memref<128xi32, #tpu.memory_space<hbm>>) target(%arg6 : memref<128xi32, #tpu.memory_space<vmem>>) target_semaphore(%arg25 : memref<!tpu.dma_semaphore, #tpu.memory_space<semaphore_mem>>)
      %add3A_62 = arith.constant 128 : i32
      %add3A_63 = arith.addi %add3A_50, %add3A_62 : i32
      %dma_start3A_64 = tpu.memref_slice %arg3[%add3A_63] : memref<1605632xi32, #tpu.memory_space<hbm>> -> memref<128xi32, #tpu.memory_space<hbm>>
      %dma_start3A_65 = tpu.memref_slice %arg3[%add3A_63] : memref<1605632xi32, #tpu.memory_space<hbm>> -> memref<128xi32, #tpu.memory_space<hbm>>
      tpu.enqueue_dma source(%dma_start3A_65 : memref<128xi32, #tpu.memory_space<hbm>>) target(%arg14 : memref<128xi32, #tpu.memory_space<vmem>>) target_semaphore(%arg25 : memref<!tpu.dma_semaphore, #tpu.memory_space<semaphore_mem>>)
      %add3A_66 = arith.constant 256 : i32
      %add3A_67 = arith.addi %add3A_50, %add3A_66 : i32
      %dma_start3A_68 = tpu.memref_slice %arg2[%add3A_67] : memref<1605632xi32, #tpu.memory_space<hbm>> -> memref<128xi32, #tpu.memory_space<hbm>>
      %dma_start3A_69 = tpu.memref_slice %arg2[%add3A_67] : memref<1605632xi32, #tpu.memory_space<hbm>> -> memref<128xi32, #tpu.memory_space<hbm>>
      tpu.enqueue_dma source(%dma_start3A_69 : memref<128xi32, #tpu.memory_space<hbm>>) target(%arg7 : memref<128xi32, #tpu.memory_space<vmem>>) target_semaphore(%arg25 : memref<!tpu.dma_semaphore, #tpu.memory_space<semaphore_mem>>)
      %add3A_70 = arith.constant 256 : i32
      %add3A_71 = arith.addi %add3A_50, %add3A_70 : i32
      %dma_start3A_72 = tpu.memref_slice %arg3[%add3A_71] : memref<1605632xi32, #tpu.memory_space<hbm>> -> memref<128xi32, #tpu.memory_space<hbm>>
      %dma_start3A_73 = tpu.memref_slice %arg3[%add3A_71] : memref<1605632xi32, #tpu.memory_space<hbm>> -> memref<128xi32, #tpu.memory_space<hbm>>
      tpu.enqueue_dma source(%dma_start3A_73 : memref<128xi32, #tpu.memory_space<hbm>>) target(%arg15 : memref<128xi32, #tpu.memory_space<vmem>>) target_semaphore(%arg25 : memref<!tpu.dma_semaphore, #tpu.memory_space<semaphore_mem>>)
      %add3A_74 = arith.constant 384 : i32
      %add3A_75 = arith.addi %add3A_50, %add3A_74 : i32
      %dma_start3A_76 = tpu.memref_slice %arg2[%add3A_75] : memref<1605632xi32, #tpu.memory_space<hbm>> -> memref<128xi32, #tpu.memory_space<hbm>>
      %dma_start3A_77 = tpu.memref_slice %arg2[%add3A_75] : memref<1605632xi32, #tpu.memory_space<hbm>> -> memref<128xi32, #tpu.memory_space<hbm>>
      tpu.enqueue_dma source(%dma_start3A_77 : memref<128xi32, #tpu.memory_space<hbm>>) target(%arg8 : memref<128xi32, #tpu.memory_space<vmem>>) target_semaphore(%arg25 : memref<!tpu.dma_semaphore, #tpu.memory_space<semaphore_mem>>)
      %add3A_78 = arith.constant 384 : i32
      %add3A_79 = arith.addi %add3A_50, %add3A_78 : i32
      %dma_start3A_80 = tpu.memref_slice %arg3[%add3A_79] : memref<1605632xi32, #tpu.memory_space<hbm>> -> memref<128xi32, #tpu.memory_space<hbm>>
      %dma_start3A_81 = tpu.memref_slice %arg3[%add3A_79] : memref<1605632xi32, #tpu.memory_space<hbm>> -> memref<128xi32, #tpu.memory_space<hbm>>
      tpu.enqueue_dma source(%dma_start3A_81 : memref<128xi32, #tpu.memory_space<hbm>>) target(%arg16 : memref<128xi32, #tpu.memory_space<vmem>>) target_semaphore(%arg25 : memref<!tpu.dma_semaphore, #tpu.memory_space<semaphore_mem>>)
      %add3A_82 = arith.constant 512 : i32
      %add3A_83 = arith.addi %add3A_50, %add3A_82 : i32
      %dma_start3A_84 = tpu.memref_slice %arg2[%add3A_83] : memref<1605632xi32, #tpu.memory_space<hbm>> -> memref<128xi32, #tpu.memory_space<hbm>>
      %dma_start3A_85 = tpu.memref_slice %arg2[%add3A_83] : memref<1605632xi32, #tpu.memory_space<hbm>> -> memref<128xi32, #tpu.memory_space<hbm>>
      tpu.enqueue_dma source(%dma_start3A_85 : memref<128xi32, #tpu.memory_space<hbm>>) target(%arg9 : memref<128xi32, #tpu.memory_space<vmem>>) target_semaphore(%arg25 : memref<!tpu.dma_semaphore, #tpu.memory_space<semaphore_mem>>)
      %add3A_86 = arith.constant 512 : i32
      %add3A_87 = arith.addi %add3A_50, %add3A_86 : i32
      %dma_start3A_88 = tpu.memref_slice %arg3[%add3A_87] : memref<1605632xi32, #tpu.memory_space<hbm>> -> memref<128xi32, #tpu.memory_space<hbm>>
      %dma_start3A_89 = tpu.memref_slice %arg3[%add3A_87] : memref<1605632xi32, #tpu.memory_space<hbm>> -> memref<128xi32, #tpu.memory_space<hbm>>
      tpu.enqueue_dma source(%dma_start3A_89 : memref<128xi32, #tpu.memory_space<hbm>>) target(%arg17 : memref<128xi32, #tpu.memory_space<vmem>>) target_semaphore(%arg25 : memref<!tpu.dma_semaphore, #tpu.memory_space<semaphore_mem>>)
      %add3A_90 = arith.constant 640 : i32
      %add3A_91 = arith.addi %add3A_50, %add3A_90 : i32
      %dma_start3A_92 = tpu.memref_slice %arg2[%add3A_91] : memref<1605632xi32, #tpu.memory_space<hbm>> -> memref<128xi32, #tpu.memory_space<hbm>>
      %dma_start3A_93 = tpu.memref_slice %arg2[%add3A_91] : memref<1605632xi32, #tpu.memory_space<hbm>> -> memref<128xi32, #tpu.memory_space<hbm>>
      tpu.enqueue_dma source(%dma_start3A_93 : memref<128xi32, #tpu.memory_space<hbm>>) target(%arg10 : memref<128xi32, #tpu.memory_space<vmem>>) target_semaphore(%arg25 : memref<!tpu.dma_semaphore, #tpu.memory_space<semaphore_mem>>)
      %add3A_94 = arith.constant 640 : i32
      %add3A_95 = arith.addi %add3A_50, %add3A_94 : i32
      %dma_start3A_96 = tpu.memref_slice %arg3[%add3A_95] : memref<1605632xi32, #tpu.memory_space<hbm>> -> memref<128xi32, #tpu.memory_space<hbm>>
      %dma_start3A_97 = tpu.memref_slice %arg3[%add3A_95] : memref<1605632xi32, #tpu.memory_space<hbm>> -> memref<128xi32, #tpu.memory_space<hbm>>
      tpu.enqueue_dma source(%dma_start3A_97 : memref<128xi32, #tpu.memory_space<hbm>>) target(%arg18 : memref<128xi32, #tpu.memory_space<vmem>>) target_semaphore(%arg25 : memref<!tpu.dma_semaphore, #tpu.memory_space<semaphore_mem>>)
      %add3A_98 = arith.constant 768 : i32
      %add3A_99 = arith.addi %add3A_50, %add3A_98 : i32
      %dma_start3A_100 = tpu.memref_slice %arg2[%add3A_99] : memref<1605632xi32, #tpu.memory_space<hbm>> -> memref<128xi32, #tpu.memory_space<hbm>>
      %dma_start3A_101 = tpu.memref_slice %arg2[%add3A_99] : memref<1605632xi32, #tpu.memory_space<hbm>> -> memref<128xi32, #tpu.memory_space<hbm>>
      tpu.enqueue_dma source(%dma_start3A_101 : memref<128xi32, #tpu.memory_space<hbm>>) target(%arg11 : memref<128xi32, #tpu.memory_space<vmem>>) target_semaphore(%arg25 : memref<!tpu.dma_semaphore, #tpu.memory_space<semaphore_mem>>)
      %add3A_102 = arith.constant 768 : i32
      %add3A_103 = arith.addi %add3A_50, %add3A_102 : i32
      %dma_start3A_104 = tpu.memref_slice %arg3[%add3A_103] : memref<1605632xi32, #tpu.memory_space<hbm>> -> memref<128xi32, #tpu.memory_space<hbm>>
      %dma_start3A_105 = tpu.memref_slice %arg3[%add3A_103] : memref<1605632xi32, #tpu.memory_space<hbm>> -> memref<128xi32, #tpu.memory_space<hbm>>
      tpu.enqueue_dma source(%dma_start3A_105 : memref<128xi32, #tpu.memory_space<hbm>>) target(%arg19 : memref<128xi32, #tpu.memory_space<vmem>>) target_semaphore(%arg25 : memref<!tpu.dma_semaphore, #tpu.memory_space<semaphore_mem>>)
      %add3A_106 = arith.constant 896 : i32
      %add3A_107 = arith.addi %add3A_50, %add3A_106 : i32
      %dma_start3A_108 = tpu.memref_slice %arg2[%add3A_107] : memref<1605632xi32, #tpu.memory_space<hbm>> -> memref<128xi32, #tpu.memory_space<hbm>>
      %dma_start3A_109 = tpu.memref_slice %arg2[%add3A_107] : memref<1605632xi32, #tpu.memory_space<hbm>> -> memref<128xi32, #tpu.memory_space<hbm>>
      tpu.enqueue_dma source(%dma_start3A_109 : memref<128xi32, #tpu.memory_space<hbm>>) target(%arg12 : memref<128xi32, #tpu.memory_space<vmem>>) target_semaphore(%arg25 : memref<!tpu.dma_semaphore, #tpu.memory_space<semaphore_mem>>)
      %add3A_110 = arith.constant 896 : i32
      %add3A_111 = arith.addi %add3A_50, %add3A_110 : i32
      %dma_start3A_112 = tpu.memref_slice %arg3[%add3A_111] : memref<1605632xi32, #tpu.memory_space<hbm>> -> memref<128xi32, #tpu.memory_space<hbm>>
      %dma_start3A_113 = tpu.memref_slice %arg3[%add3A_111] : memref<1605632xi32, #tpu.memory_space<hbm>> -> memref<128xi32, #tpu.memory_space<hbm>>
      tpu.enqueue_dma source(%dma_start3A_113 : memref<128xi32, #tpu.memory_space<hbm>>) target(%arg20 : memref<128xi32, #tpu.memory_space<vmem>>) target_semaphore(%arg25 : memref<!tpu.dma_semaphore, #tpu.memory_space<semaphore_mem>>)
      %dma_wait3A = tpu.memref_slice %arg2[%add3A_52] : memref<1605632xi32, #tpu.memory_space<hbm>> -> memref<128xi32, #tpu.memory_space<hbm>>
      %dma_wait3A_114 = tpu.memref_slice %arg2[%add3A_52] : memref<1605632xi32, #tpu.memory_space<hbm>> -> memref<128xi32, #tpu.memory_space<hbm>>
      tpu.wait_dma2 semaphore(%arg25 : memref<!tpu.dma_semaphore, #tpu.memory_space<semaphore_mem>>) src(%dma_wait3A_114 : memref<128xi32, #tpu.memory_space<hbm>>) dst(%arg5 : memref<128xi32, #tpu.memory_space<vmem>>)
      %dma_wait3A_115 = tpu.memref_slice %arg3[%add3A_55] : memref<1605632xi32, #tpu.memory_space<hbm>> -> memref<128xi32, #tpu.memory_space<hbm>>
      %dma_wait3A_116 = tpu.memref_slice %arg3[%add3A_55] : memref<1605632xi32, #tpu.memory_space<hbm>> -> memref<128xi32, #tpu.memory_space<hbm>>
      tpu.wait_dma2 semaphore(%arg25 : memref<!tpu.dma_semaphore, #tpu.memory_space<semaphore_mem>>) src(%dma_wait3A_116 : memref<128xi32, #tpu.memory_space<hbm>>) dst(%arg13 : memref<128xi32, #tpu.memory_space<vmem>>)
      %dma_wait3A_117 = tpu.memref_slice %arg2[%add3A_59] : memref<1605632xi32, #tpu.memory_space<hbm>> -> memref<128xi32, #tpu.memory_space<hbm>>
      %dma_wait3A_118 = tpu.memref_slice %arg2[%add3A_59] : memref<1605632xi32, #tpu.memory_space<hbm>> -> memref<128xi32, #tpu.memory_space<hbm>>
      tpu.wait_dma2 semaphore(%arg25 : memref<!tpu.dma_semaphore, #tpu.memory_space<semaphore_mem>>) src(%dma_wait3A_118 : memref<128xi32, #tpu.memory_space<hbm>>) dst(%arg6 : memref<128xi32, #tpu.memory_space<vmem>>)
      %dma_wait3A_119 = tpu.memref_slice %arg3[%add3A_63] : memref<1605632xi32, #tpu.memory_space<hbm>> -> memref<128xi32, #tpu.memory_space<hbm>>
      %dma_wait3A_120 = tpu.memref_slice %arg3[%add3A_63] : memref<1605632xi32, #tpu.memory_space<hbm>> -> memref<128xi32, #tpu.memory_space<hbm>>
      tpu.wait_dma2 semaphore(%arg25 : memref<!tpu.dma_semaphore, #tpu.memory_space<semaphore_mem>>) src(%dma_wait3A_120 : memref<128xi32, #tpu.memory_space<hbm>>) dst(%arg14 : memref<128xi32, #tpu.memory_space<vmem>>)
      %dma_wait3A_121 = tpu.memref_slice %arg2[%add3A_67] : memref<1605632xi32, #tpu.memory_space<hbm>> -> memref<128xi32, #tpu.memory_space<hbm>>
      %dma_wait3A_122 = tpu.memref_slice %arg2[%add3A_67] : memref<1605632xi32, #tpu.memory_space<hbm>> -> memref<128xi32, #tpu.memory_space<hbm>>
      tpu.wait_dma2 semaphore(%arg25 : memref<!tpu.dma_semaphore, #tpu.memory_space<semaphore_mem>>) src(%dma_wait3A_122 : memref<128xi32, #tpu.memory_space<hbm>>) dst(%arg7 : memref<128xi32, #tpu.memory_space<vmem>>)
      %dma_wait3A_123 = tpu.memref_slice %arg3[%add3A_71] : memref<1605632xi32, #tpu.memory_space<hbm>> -> memref<128xi32, #tpu.memory_space<hbm>>
      %dma_wait3A_124 = tpu.memref_slice %arg3[%add3A_71] : memref<1605632xi32, #tpu.memory_space<hbm>> -> memref<128xi32, #tpu.memory_space<hbm>>
      tpu.wait_dma2 semaphore(%arg25 : memref<!tpu.dma_semaphore, #tpu.memory_space<semaphore_mem>>) src(%dma_wait3A_124 : memref<128xi32, #tpu.memory_space<hbm>>) dst(%arg15 : memref<128xi32, #tpu.memory_space<vmem>>)
      %dma_wait3A_125 = tpu.memref_slice %arg2[%add3A_75] : memref<1605632xi32, #tpu.memory_space<hbm>> -> memref<128xi32, #tpu.memory_space<hbm>>
      %dma_wait3A_126 = tpu.memref_slice %arg2[%add3A_75] : memref<1605632xi32, #tpu.memory_space<hbm>> -> memref<128xi32, #tpu.memory_space<hbm>>
      tpu.wait_dma2 semaphore(%arg25 : memref<!tpu.dma_semaphore, #tpu.memory_space<semaphore_mem>>) src(%dma_wait3A_126 : memref<128xi32, #tpu.memory_space<hbm>>) dst(%arg8 : memref<128xi32, #tpu.memory_space<vmem>>)
      %dma_wait3A_127 = tpu.memref_slice %arg3[%add3A_79] : memref<1605632xi32, #tpu.memory_space<hbm>> -> memref<128xi32, #tpu.memory_space<hbm>>
      %dma_wait3A_128 = tpu.memref_slice %arg3[%add3A_79] : memref<1605632xi32, #tpu.memory_space<hbm>> -> memref<128xi32, #tpu.memory_space<hbm>>
      tpu.wait_dma2 semaphore(%arg25 : memref<!tpu.dma_semaphore, #tpu.memory_space<semaphore_mem>>) src(%dma_wait3A_128 : memref<128xi32, #tpu.memory_space<hbm>>) dst(%arg16 : memref<128xi32, #tpu.memory_space<vmem>>)
      %dma_wait3A_129 = tpu.memref_slice %arg2[%add3A_83] : memref<1605632xi32, #tpu.memory_space<hbm>> -> memref<128xi32, #tpu.memory_space<hbm>>
      %dma_wait3A_130 = tpu.memref_slice %arg2[%add3A_83] : memref<1605632xi32, #tpu.memory_space<hbm>> -> memref<128xi32, #tpu.memory_space<hbm>>
      tpu.wait_dma2 semaphore(%arg25 : memref<!tpu.dma_semaphore, #tpu.memory_space<semaphore_mem>>) src(%dma_wait3A_130 : memref<128xi32, #tpu.memory_space<hbm>>) dst(%arg9 : memref<128xi32, #tpu.memory_space<vmem>>)
      %dma_wait3A_131 = tpu.memref_slice %arg3[%add3A_87] : memref<1605632xi32, #tpu.memory_space<hbm>> -> memref<128xi32, #tpu.memory_space<hbm>>
      %dma_wait3A_132 = tpu.memref_slice %arg3[%add3A_87] : memref<1605632xi32, #tpu.memory_space<hbm>> -> memref<128xi32, #tpu.memory_space<hbm>>
      tpu.wait_dma2 semaphore(%arg25 : memref<!tpu.dma_semaphore, #tpu.memory_space<semaphore_mem>>) src(%dma_wait3A_132 : memref<128xi32, #tpu.memory_space<hbm>>) dst(%arg17 : memref<128xi32, #tpu.memory_space<vmem>>)
      %dma_wait3A_133 = tpu.memref_slice %arg2[%add3A_91] : memref<1605632xi32, #tpu.memory_space<hbm>> -> memref<128xi32, #tpu.memory_space<hbm>>
      %dma_wait3A_134 = tpu.memref_slice %arg2[%add3A_91] : memref<1605632xi32, #tpu.memory_space<hbm>> -> memref<128xi32, #tpu.memory_space<hbm>>
      tpu.wait_dma2 semaphore(%arg25 : memref<!tpu.dma_semaphore, #tpu.memory_space<semaphore_mem>>) src(%dma_wait3A_134 : memref<128xi32, #tpu.memory_space<hbm>>) dst(%arg10 : memref<128xi32, #tpu.memory_space<vmem>>)
      %dma_wait3A_135 = tpu.memref_slice %arg3[%add3A_95] : memref<1605632xi32, #tpu.memory_space<hbm>> -> memref<128xi32, #tpu.memory_space<hbm>>
      %dma_wait3A_136 = tpu.memref_slice %arg3[%add3A_95] : memref<1605632xi32, #tpu.memory_space<hbm>> -> memref<128xi32, #tpu.memory_space<hbm>>
      tpu.wait_dma2 semaphore(%arg25 : memref<!tpu.dma_semaphore, #tpu.memory_space<semaphore_mem>>) src(%dma_wait3A_136 : memref<128xi32, #tpu.memory_space<hbm>>) dst(%arg18 : memref<128xi32, #tpu.memory_space<vmem>>)
      %dma_wait3A_137 = tpu.memref_slice %arg2[%add3A_99] : memref<1605632xi32, #tpu.memory_space<hbm>> -> memref<128xi32, #tpu.memory_space<hbm>>
      %dma_wait3A_138 = tpu.memref_slice %arg2[%add3A_99] : memref<1605632xi32, #tpu.memory_space<hbm>> -> memref<128xi32, #tpu.memory_space<hbm>>
      tpu.wait_dma2 semaphore(%arg25 : memref<!tpu.dma_semaphore, #tpu.memory_space<semaphore_mem>>) src(%dma_wait3A_138 : memref<128xi32, #tpu.memory_space<hbm>>) dst(%arg11 : memref<128xi32, #tpu.memory_space<vmem>>)
      %dma_wait3A_139 = tpu.memref_slice %arg3[%add3A_103] : memref<1605632xi32, #tpu.memory_space<hbm>> -> memref<128xi32, #tpu.memory_space<hbm>>
      %dma_wait3A_140 = tpu.memref_slice %arg3[%add3A_103] : memref<1605632xi32, #tpu.memory_space<hbm>> -> memref<128xi32, #tpu.memory_space<hbm>>
      tpu.wait_dma2 semaphore(%arg25 : memref<!tpu.dma_semaphore, #tpu.memory_space<semaphore_mem>>) src(%dma_wait3A_140 : memref<128xi32, #tpu.memory_space<hbm>>) dst(%arg19 : memref<128xi32, #tpu.memory_space<vmem>>)
      %dma_wait3A_141 = tpu.memref_slice %arg2[%add3A_107] : memref<1605632xi32, #tpu.memory_space<hbm>> -> memref<128xi32, #tpu.memory_space<hbm>>
      %dma_wait3A_142 = tpu.memref_slice %arg2[%add3A_107] : memref<1605632xi32, #tpu.memory_space<hbm>> -> memref<128xi32, #tpu.memory_space<hbm>>
      tpu.wait_dma2 semaphore(%arg25 : memref<!tpu.dma_semaphore, #tpu.memory_space<semaphore_mem>>) src(%dma_wait3A_142 : memref<128xi32, #tpu.memory_space<hbm>>) dst(%arg12 : memref<128xi32, #tpu.memory_space<vmem>>)
      %dma_wait3A_143 = tpu.memref_slice %arg3[%add3A_111] : memref<1605632xi32, #tpu.memory_space<hbm>> -> memref<128xi32, #tpu.memory_space<hbm>>
      %dma_wait3A_144 = tpu.memref_slice %arg3[%add3A_111] : memref<1605632xi32, #tpu.memory_space<hbm>> -> memref<128xi32, #tpu.memory_space<hbm>>
      tpu.wait_dma2 semaphore(%arg25 : memref<!tpu.dma_semaphore, #tpu.memory_space<semaphore_mem>>) src(%dma_wait3A_144 : memref<128xi32, #tpu.memory_space<hbm>>) dst(%arg20 : memref<128xi32, #tpu.memory_space<vmem>>)
      %dma_start3A_145 = arith.constant 0 : i32
      %dma_start3A_146 = tpu.memref_slice %arg23[%dma_start3A_145] : memref<100352xf32, #tpu.memory_space<vmem_shared>> -> memref<100352xf32, #tpu.memory_space<vmem_shared>>
      tpu.enqueue_indirect_dma source(%arg21 : memref<128xf32, #tpu.memory_space<vmem>>) target(%dma_start3A_146 : memref<100352xf32, #tpu.memory_space<vmem_shared>>) offsets(%arg5 : memref<128xi32, #tpu.memory_space<vmem>>) semaphore(%arg26 : memref<!tpu.dma_semaphore, #tpu.memory_space<semaphore_mem>>) {add = true}
      %dma_start3A_147 = arith.constant 0 : i32
      %dma_start3A_148 = tpu.memref_slice %arg24[%dma_start3A_147] : memref<100352xf32, #tpu.memory_space<vmem_shared>> -> memref<100352xf32, #tpu.memory_space<vmem_shared>>
      tpu.enqueue_indirect_dma source(%arg21 : memref<128xf32, #tpu.memory_space<vmem>>) target(%dma_start3A_148 : memref<100352xf32, #tpu.memory_space<vmem_shared>>) offsets(%arg13 : memref<128xi32, #tpu.memory_space<vmem>>) semaphore(%arg26 : memref<!tpu.dma_semaphore, #tpu.memory_space<semaphore_mem>>) {add = true}
      %dma_start3A_149 = arith.constant 0 : i32
      %dma_start3A_150 = tpu.memref_slice %arg23[%dma_start3A_149] : memref<100352xf32, #tpu.memory_space<vmem_shared>> -> memref<100352xf32, #tpu.memory_space<vmem_shared>>
      tpu.enqueue_indirect_dma source(%arg21 : memref<128xf32, #tpu.memory_space<vmem>>) target(%dma_start3A_150 : memref<100352xf32, #tpu.memory_space<vmem_shared>>) offsets(%arg6 : memref<128xi32, #tpu.memory_space<vmem>>) semaphore(%arg26 : memref<!tpu.dma_semaphore, #tpu.memory_space<semaphore_mem>>) {add = true}
      %dma_start3A_151 = arith.constant 0 : i32
      %dma_start3A_152 = tpu.memref_slice %arg24[%dma_start3A_151] : memref<100352xf32, #tpu.memory_space<vmem_shared>> -> memref<100352xf32, #tpu.memory_space<vmem_shared>>
      tpu.enqueue_indirect_dma source(%arg21 : memref<128xf32, #tpu.memory_space<vmem>>) target(%dma_start3A_152 : memref<100352xf32, #tpu.memory_space<vmem_shared>>) offsets(%arg14 : memref<128xi32, #tpu.memory_space<vmem>>) semaphore(%arg26 : memref<!tpu.dma_semaphore, #tpu.memory_space<semaphore_mem>>) {add = true}
      %dma_start3A_153 = arith.constant 0 : i32
      %dma_start3A_154 = tpu.memref_slice %arg23[%dma_start3A_153] : memref<100352xf32, #tpu.memory_space<vmem_shared>> -> memref<100352xf32, #tpu.memory_space<vmem_shared>>
      tpu.enqueue_indirect_dma source(%arg21 : memref<128xf32, #tpu.memory_space<vmem>>) target(%dma_start3A_154 : memref<100352xf32, #tpu.memory_space<vmem_shared>>) offsets(%arg7 : memref<128xi32, #tpu.memory_space<vmem>>) semaphore(%arg26 : memref<!tpu.dma_semaphore, #tpu.memory_space<semaphore_mem>>) {add = true}
      %dma_start3A_155 = arith.constant 0 : i32
      %dma_start3A_156 = tpu.memref_slice %arg24[%dma_start3A_155] : memref<100352xf32, #tpu.memory_space<vmem_shared>> -> memref<100352xf32, #tpu.memory_space<vmem_shared>>
      tpu.enqueue_indirect_dma source(%arg21 : memref<128xf32, #tpu.memory_space<vmem>>) target(%dma_start3A_156 : memref<100352xf32, #tpu.memory_space<vmem_shared>>) offsets(%arg15 : memref<128xi32, #tpu.memory_space<vmem>>) semaphore(%arg26 : memref<!tpu.dma_semaphore, #tpu.memory_space<semaphore_mem>>) {add = true}
      %dma_start3A_157 = arith.constant 0 : i32
      %dma_start3A_158 = tpu.memref_slice %arg23[%dma_start3A_157] : memref<100352xf32, #tpu.memory_space<vmem_shared>> -> memref<100352xf32, #tpu.memory_space<vmem_shared>>
      tpu.enqueue_indirect_dma source(%arg21 : memref<128xf32, #tpu.memory_space<vmem>>) target(%dma_start3A_158 : memref<100352xf32, #tpu.memory_space<vmem_shared>>) offsets(%arg8 : memref<128xi32, #tpu.memory_space<vmem>>) semaphore(%arg26 : memref<!tpu.dma_semaphore, #tpu.memory_space<semaphore_mem>>) {add = true}
      %dma_start3A_159 = arith.constant 0 : i32
      %dma_start3A_160 = tpu.memref_slice %arg24[%dma_start3A_159] : memref<100352xf32, #tpu.memory_space<vmem_shared>> -> memref<100352xf32, #tpu.memory_space<vmem_shared>>
      tpu.enqueue_indirect_dma source(%arg21 : memref<128xf32, #tpu.memory_space<vmem>>) target(%dma_start3A_160 : memref<100352xf32, #tpu.memory_space<vmem_shared>>) offsets(%arg16 : memref<128xi32, #tpu.memory_space<vmem>>) semaphore(%arg26 : memref<!tpu.dma_semaphore, #tpu.memory_space<semaphore_mem>>) {add = true}
      %dma_start3A_161 = arith.constant 0 : i32
      %dma_start3A_162 = tpu.memref_slice %arg23[%dma_start3A_161] : memref<100352xf32, #tpu.memory_space<vmem_shared>> -> memref<100352xf32, #tpu.memory_space<vmem_shared>>
      tpu.enqueue_indirect_dma source(%arg21 : memref<128xf32, #tpu.memory_space<vmem>>) target(%dma_start3A_162 : memref<100352xf32, #tpu.memory_space<vmem_shared>>) offsets(%arg9 : memref<128xi32, #tpu.memory_space<vmem>>) semaphore(%arg26 : memref<!tpu.dma_semaphore, #tpu.memory_space<semaphore_mem>>) {add = true}
      %dma_start3A_163 = arith.constant 0 : i32
      %dma_start3A_164 = tpu.memref_slice %arg24[%dma_start3A_163] : memref<100352xf32, #tpu.memory_space<vmem_shared>> -> memref<100352xf32, #tpu.memory_space<vmem_shared>>
      tpu.enqueue_indirect_dma source(%arg21 : memref<128xf32, #tpu.memory_space<vmem>>) target(%dma_start3A_164 : memref<100352xf32, #tpu.memory_space<vmem_shared>>) offsets(%arg17 : memref<128xi32, #tpu.memory_space<vmem>>) semaphore(%arg26 : memref<!tpu.dma_semaphore, #tpu.memory_space<semaphore_mem>>) {add = true}
      %dma_start3A_165 = arith.constant 0 : i32
      %dma_start3A_166 = tpu.memref_slice %arg23[%dma_start3A_165] : memref<100352xf32, #tpu.memory_space<vmem_shared>> -> memref<100352xf32, #tpu.memory_space<vmem_shared>>
      tpu.enqueue_indirect_dma source(%arg21 : memref<128xf32, #tpu.memory_space<vmem>>) target(%dma_start3A_166 : memref<100352xf32, #tpu.memory_space<vmem_shared>>) offsets(%arg10 : memref<128xi32, #tpu.memory_space<vmem>>) semaphore(%arg26 : memref<!tpu.dma_semaphore, #tpu.memory_space<semaphore_mem>>) {add = true}
      %dma_start3A_167 = arith.constant 0 : i32
      %dma_start3A_168 = tpu.memref_slice %arg24[%dma_start3A_167] : memref<100352xf32, #tpu.memory_space<vmem_shared>> -> memref<100352xf32, #tpu.memory_space<vmem_shared>>
      tpu.enqueue_indirect_dma source(%arg21 : memref<128xf32, #tpu.memory_space<vmem>>) target(%dma_start3A_168 : memref<100352xf32, #tpu.memory_space<vmem_shared>>) offsets(%arg18 : memref<128xi32, #tpu.memory_space<vmem>>) semaphore(%arg26 : memref<!tpu.dma_semaphore, #tpu.memory_space<semaphore_mem>>) {add = true}
      %dma_start3A_169 = arith.constant 0 : i32
      %dma_start3A_170 = tpu.memref_slice %arg23[%dma_start3A_169] : memref<100352xf32, #tpu.memory_space<vmem_shared>> -> memref<100352xf32, #tpu.memory_space<vmem_shared>>
      tpu.enqueue_indirect_dma source(%arg21 : memref<128xf32, #tpu.memory_space<vmem>>) target(%dma_start3A_170 : memref<100352xf32, #tpu.memory_space<vmem_shared>>) offsets(%arg11 : memref<128xi32, #tpu.memory_space<vmem>>) semaphore(%arg26 : memref<!tpu.dma_semaphore, #tpu.memory_space<semaphore_mem>>) {add = true}
      %dma_start3A_171 = arith.constant 0 : i32
      %dma_start3A_172 = tpu.memref_slice %arg24[%dma_start3A_171] : memref<100352xf32, #tpu.memory_space<vmem_shared>> -> memref<100352xf32, #tpu.memory_space<vmem_shared>>
      tpu.enqueue_indirect_dma source(%arg21 : memref<128xf32, #tpu.memory_space<vmem>>) target(%dma_start3A_172 : memref<100352xf32, #tpu.memory_space<vmem_shared>>) offsets(%arg19 : memref<128xi32, #tpu.memory_space<vmem>>) semaphore(%arg26 : memref<!tpu.dma_semaphore, #tpu.memory_space<semaphore_mem>>) {add = true}
      %dma_start3A_173 = arith.constant 0 : i32
      %dma_start3A_174 = tpu.memref_slice %arg23[%dma_start3A_173] : memref<100352xf32, #tpu.memory_space<vmem_shared>> -> memref<100352xf32, #tpu.memory_space<vmem_shared>>
      tpu.enqueue_indirect_dma source(%arg21 : memref<128xf32, #tpu.memory_space<vmem>>) target(%dma_start3A_174 : memref<100352xf32, #tpu.memory_space<vmem_shared>>) offsets(%arg12 : memref<128xi32, #tpu.memory_space<vmem>>) semaphore(%arg26 : memref<!tpu.dma_semaphore, #tpu.memory_space<semaphore_mem>>) {add = true}
      %dma_start3A_175 = arith.constant 0 : i32
      %dma_start3A_176 = tpu.memref_slice %arg24[%dma_start3A_175] : memref<100352xf32, #tpu.memory_space<vmem_shared>> -> memref<100352xf32, #tpu.memory_space<vmem_shared>>
      tpu.enqueue_indirect_dma source(%arg21 : memref<128xf32, #tpu.memory_space<vmem>>) target(%dma_start3A_176 : memref<100352xf32, #tpu.memory_space<vmem_shared>>) offsets(%arg20 : memref<128xi32, #tpu.memory_space<vmem>>) semaphore(%arg26 : memref<!tpu.dma_semaphore, #tpu.memory_space<semaphore_mem>>) {add = true}
      %dma_wait3A_177 = arith.constant 0 : i32
      %dma_wait3A_178 = tpu.memref_slice %arg23[%dma_wait3A_177] : memref<100352xf32, #tpu.memory_space<vmem_shared>> -> memref<100352xf32, #tpu.memory_space<vmem_shared>>
      tpu.wait_indirect_dma semaphore(%arg26 : memref<!tpu.dma_semaphore, #tpu.memory_space<semaphore_mem>>) src(%arg21 : memref<128xf32, #tpu.memory_space<vmem>>) dst(%dma_wait3A_178 : memref<100352xf32, #tpu.memory_space<vmem_shared>>)
      %dma_wait3A_179 = arith.constant 0 : i32
      %dma_wait3A_180 = tpu.memref_slice %arg24[%dma_wait3A_179] : memref<100352xf32, #tpu.memory_space<vmem_shared>> -> memref<100352xf32, #tpu.memory_space<vmem_shared>>
      tpu.wait_indirect_dma semaphore(%arg26 : memref<!tpu.dma_semaphore, #tpu.memory_space<semaphore_mem>>) src(%arg21 : memref<128xf32, #tpu.memory_space<vmem>>) dst(%dma_wait3A_180 : memref<100352xf32, #tpu.memory_space<vmem_shared>>)
      %dma_wait3A_181 = arith.constant 0 : i32
      %dma_wait3A_182 = tpu.memref_slice %arg23[%dma_wait3A_181] : memref<100352xf32, #tpu.memory_space<vmem_shared>> -> memref<100352xf32, #tpu.memory_space<vmem_shared>>
      tpu.wait_indirect_dma semaphore(%arg26 : memref<!tpu.dma_semaphore, #tpu.memory_space<semaphore_mem>>) src(%arg21 : memref<128xf32, #tpu.memory_space<vmem>>) dst(%dma_wait3A_182 : memref<100352xf32, #tpu.memory_space<vmem_shared>>)
      %dma_wait3A_183 = arith.constant 0 : i32
      %dma_wait3A_184 = tpu.memref_slice %arg24[%dma_wait3A_183] : memref<100352xf32, #tpu.memory_space<vmem_shared>> -> memref<100352xf32, #tpu.memory_space<vmem_shared>>
      tpu.wait_indirect_dma semaphore(%arg26 : memref<!tpu.dma_semaphore, #tpu.memory_space<semaphore_mem>>) src(%arg21 : memref<128xf32, #tpu.memory_space<vmem>>) dst(%dma_wait3A_184 : memref<100352xf32, #tpu.memory_space<vmem_shared>>)
      %dma_wait3A_185 = arith.constant 0 : i32
      %dma_wait3A_186 = tpu.memref_slice %arg23[%dma_wait3A_185] : memref<100352xf32, #tpu.memory_space<vmem_shared>> -> memref<100352xf32, #tpu.memory_space<vmem_shared>>
      tpu.wait_indirect_dma semaphore(%arg26 : memref<!tpu.dma_semaphore, #tpu.memory_space<semaphore_mem>>) src(%arg21 : memref<128xf32, #tpu.memory_space<vmem>>) dst(%dma_wait3A_186 : memref<100352xf32, #tpu.memory_space<vmem_shared>>)
      %dma_wait3A_187 = arith.constant 0 : i32
      %dma_wait3A_188 = tpu.memref_slice %arg24[%dma_wait3A_187] : memref<100352xf32, #tpu.memory_space<vmem_shared>> -> memref<100352xf32, #tpu.memory_space<vmem_shared>>
      tpu.wait_indirect_dma semaphore(%arg26 : memref<!tpu.dma_semaphore, #tpu.memory_space<semaphore_mem>>) src(%arg21 : memref<128xf32, #tpu.memory_space<vmem>>) dst(%dma_wait3A_188 : memref<100352xf32, #tpu.memory_space<vmem_shared>>)
      %dma_wait3A_189 = arith.constant 0 : i32
      %dma_wait3A_190 = tpu.memref_slice %arg23[%dma_wait3A_189] : memref<100352xf32, #tpu.memory_space<vmem_shared>> -> memref<100352xf32, #tpu.memory_space<vmem_shared>>
      tpu.wait_indirect_dma semaphore(%arg26 : memref<!tpu.dma_semaphore, #tpu.memory_space<semaphore_mem>>) src(%arg21 : memref<128xf32, #tpu.memory_space<vmem>>) dst(%dma_wait3A_190 : memref<100352xf32, #tpu.memory_space<vmem_shared>>)
      %dma_wait3A_191 = arith.constant 0 : i32
      %dma_wait3A_192 = tpu.memref_slice %arg24[%dma_wait3A_191] : memref<100352xf32, #tpu.memory_space<vmem_shared>> -> memref<100352xf32, #tpu.memory_space<vmem_shared>>
      tpu.wait_indirect_dma semaphore(%arg26 : memref<!tpu.dma_semaphore, #tpu.memory_space<semaphore_mem>>) src(%arg21 : memref<128xf32, #tpu.memory_space<vmem>>) dst(%dma_wait3A_192 : memref<100352xf32, #tpu.memory_space<vmem_shared>>)
      %dma_wait3A_193 = arith.constant 0 : i32
      %dma_wait3A_194 = tpu.memref_slice %arg23[%dma_wait3A_193] : memref<100352xf32, #tpu.memory_space<vmem_shared>> -> memref<100352xf32, #tpu.memory_space<vmem_shared>>
      tpu.wait_indirect_dma semaphore(%arg26 : memref<!tpu.dma_semaphore, #tpu.memory_space<semaphore_mem>>) src(%arg21 : memref<128xf32, #tpu.memory_space<vmem>>) dst(%dma_wait3A_194 : memref<100352xf32, #tpu.memory_space<vmem_shared>>)
      %dma_wait3A_195 = arith.constant 0 : i32
      %dma_wait3A_196 = tpu.memref_slice %arg24[%dma_wait3A_195] : memref<100352xf32, #tpu.memory_space<vmem_shared>> -> memref<100352xf32, #tpu.memory_space<vmem_shared>>
      tpu.wait_indirect_dma semaphore(%arg26 : memref<!tpu.dma_semaphore, #tpu.memory_space<semaphore_mem>>) src(%arg21 : memref<128xf32, #tpu.memory_space<vmem>>) dst(%dma_wait3A_196 : memref<100352xf32, #tpu.memory_space<vmem_shared>>)
      %dma_wait3A_197 = arith.constant 0 : i32
      %dma_wait3A_198 = tpu.memref_slice %arg23[%dma_wait3A_197] : memref<100352xf32, #tpu.memory_space<vmem_shared>> -> memref<100352xf32, #tpu.memory_space<vmem_shared>>
      tpu.wait_indirect_dma semaphore(%arg26 : memref<!tpu.dma_semaphore, #tpu.memory_space<semaphore_mem>>) src(%arg21 : memref<128xf32, #tpu.memory_space<vmem>>) dst(%dma_wait3A_198 : memref<100352xf32, #tpu.memory_space<vmem_shared>>)
      %dma_wait3A_199 = arith.constant 0 : i32
      %dma_wait3A_200 = tpu.memref_slice %arg24[%dma_wait3A_199] : memref<100352xf32, #tpu.memory_space<vmem_shared>> -> memref<100352xf32, #tpu.memory_space<vmem_shared>>
      tpu.wait_indirect_dma semaphore(%arg26 : memref<!tpu.dma_semaphore, #tpu.memory_space<semaphore_mem>>) src(%arg21 : memref<128xf32, #tpu.memory_space<vmem>>) dst(%dma_wait3A_200 : memref<100352xf32, #tpu.memory_space<vmem_shared>>)
      %dma_wait3A_201 = arith.constant 0 : i32
      %dma_wait3A_202 = tpu.memref_slice %arg23[%dma_wait3A_201] : memref<100352xf32, #tpu.memory_space<vmem_shared>> -> memref<100352xf32, #tpu.memory_space<vmem_shared>>
      tpu.wait_indirect_dma semaphore(%arg26 : memref<!tpu.dma_semaphore, #tpu.memory_space<semaphore_mem>>) src(%arg21 : memref<128xf32, #tpu.memory_space<vmem>>) dst(%dma_wait3A_202 : memref<100352xf32, #tpu.memory_space<vmem_shared>>)
      %dma_wait3A_203 = arith.constant 0 : i32
      %dma_wait3A_204 = tpu.memref_slice %arg24[%dma_wait3A_203] : memref<100352xf32, #tpu.memory_space<vmem_shared>> -> memref<100352xf32, #tpu.memory_space<vmem_shared>>
      tpu.wait_indirect_dma semaphore(%arg26 : memref<!tpu.dma_semaphore, #tpu.memory_space<semaphore_mem>>) src(%arg21 : memref<128xf32, #tpu.memory_space<vmem>>) dst(%dma_wait3A_204 : memref<100352xf32, #tpu.memory_space<vmem_shared>>)
      %dma_wait3A_205 = arith.constant 0 : i32
      %dma_wait3A_206 = tpu.memref_slice %arg23[%dma_wait3A_205] : memref<100352xf32, #tpu.memory_space<vmem_shared>> -> memref<100352xf32, #tpu.memory_space<vmem_shared>>
      tpu.wait_indirect_dma semaphore(%arg26 : memref<!tpu.dma_semaphore, #tpu.memory_space<semaphore_mem>>) src(%arg21 : memref<128xf32, #tpu.memory_space<vmem>>) dst(%dma_wait3A_206 : memref<100352xf32, #tpu.memory_space<vmem_shared>>)
      %dma_wait3A_207 = arith.constant 0 : i32
      %dma_wait3A_208 = tpu.memref_slice %arg24[%dma_wait3A_207] : memref<100352xf32, #tpu.memory_space<vmem_shared>> -> memref<100352xf32, #tpu.memory_space<vmem_shared>>
      tpu.wait_indirect_dma semaphore(%arg26 : memref<!tpu.dma_semaphore, #tpu.memory_space<semaphore_mem>>) src(%arg21 : memref<128xf32, #tpu.memory_space<vmem>>) dst(%dma_wait3A_208 : memref<100352xf32, #tpu.memory_space<vmem_shared>>)
      %scan3A_209 = arith.constant 0 : i32
      scf.yield %scan3A_209 : i32
    }
    %scan3A_26 = arith.constant 49 : i32
    %barrier3A_27 = arith.constant 0 : index
    tpu.barrier barrier_id(%barrier3A_27)
    %add3A_28 = arith.constant 0 : i32
    %add3A_29 = arith.addi %add3A_28, %arg0 : i32
    %mul3A_30 = arith.constant 100352 : i32
    %mul3A_31 = arith.muli %add3A_29, %mul3A_30 : i32
    %mul3A_32 = arith.constant 6272 : i32
    %mul3A_33 = arith.muli %arg1, %mul3A_32 : i32
    %add3A_34 = arith.addi %mul3A_31, %mul3A_33 : i32
    %mul3A_35 = arith.constant 6272 : i32
    %mul3A_36 = arith.muli %arg1, %mul3A_35 : i32
    "tpu.region"() ({
      %run_scoped3A = tpu.sem_alloc : memref<!tpu.dma_semaphore, #tpu.memory_space<semaphore_mem>>
      %dma_start3A = tpu.memref_slice %arg4[%add3A_34] : memref<401408xf32, #tpu.memory_space<hbm>> -> memref<6272xf32, #tpu.memory_space<hbm>>
      %dma_start3A_46 = tpu.memref_slice %arg23[%mul3A_36] : memref<100352xf32, #tpu.memory_space<vmem_shared>> -> memref<6272xf32, #tpu.memory_space<vmem_shared>>
      tpu.enqueue_dma source(%dma_start3A_46 : memref<6272xf32, #tpu.memory_space<vmem_shared>>) target(%dma_start3A : memref<6272xf32, #tpu.memory_space<hbm>>) target_semaphore(%run_scoped3A : memref<!tpu.dma_semaphore, #tpu.memory_space<semaphore_mem>>)
      %dma_wait3A = tpu.memref_slice %arg4[%add3A_34] : memref<401408xf32, #tpu.memory_space<hbm>> -> memref<6272xf32, #tpu.memory_space<hbm>>
      %dma_wait3A_47 = tpu.memref_slice %arg23[%mul3A_36] : memref<100352xf32, #tpu.memory_space<vmem_shared>> -> memref<6272xf32, #tpu.memory_space<vmem_shared>>
      tpu.wait_dma2 semaphore(%run_scoped3A : memref<!tpu.dma_semaphore, #tpu.memory_space<semaphore_mem>>) src(%dma_wait3A_47 : memref<6272xf32, #tpu.memory_space<vmem_shared>>) dst(%dma_wait3A : memref<6272xf32, #tpu.memory_space<hbm>>)
      tpu.yield
    }) : () -> ()
    %add3A_37 = arith.constant 2 : i32
    %add3A_38 = arith.addi %add3A_37, %arg0 : i32
    %mul3A_39 = arith.constant 100352 : i32
    %mul3A_40 = arith.muli %add3A_38, %mul3A_39 : i32
    %mul3A_41 = arith.constant 6272 : i32
    %mul3A_42 = arith.muli %arg1, %mul3A_41 : i32
    %add3A_43 = arith.addi %mul3A_40, %mul3A_42 : i32
    %mul3A_44 = arith.constant 6272 : i32
    %mul3A_45 = arith.muli %arg1, %mul3A_44 : i32
    "tpu.region"() ({
      %run_scoped3A = tpu.sem_alloc : memref<!tpu.dma_semaphore, #tpu.memory_space<semaphore_mem>>
      %dma_start3A = tpu.memref_slice %arg4[%add3A_43] : memref<401408xf32, #tpu.memory_space<hbm>> -> memref<6272xf32, #tpu.memory_space<hbm>>
      %dma_start3A_46 = tpu.memref_slice %arg24[%mul3A_45] : memref<100352xf32, #tpu.memory_space<vmem_shared>> -> memref<6272xf32, #tpu.memory_space<vmem_shared>>
      tpu.enqueue_dma source(%dma_start3A_46 : memref<6272xf32, #tpu.memory_space<vmem_shared>>) target(%dma_start3A : memref<6272xf32, #tpu.memory_space<hbm>>) target_semaphore(%run_scoped3A : memref<!tpu.dma_semaphore, #tpu.memory_space<semaphore_mem>>)
      %dma_wait3A = tpu.memref_slice %arg4[%add3A_43] : memref<401408xf32, #tpu.memory_space<hbm>> -> memref<6272xf32, #tpu.memory_space<hbm>>
      %dma_wait3A_47 = tpu.memref_slice %arg24[%mul3A_45] : memref<100352xf32, #tpu.memory_space<vmem_shared>> -> memref<6272xf32, #tpu.memory_space<vmem_shared>>
      tpu.wait_dma2 semaphore(%run_scoped3A : memref<!tpu.dma_semaphore, #tpu.memory_space<semaphore_mem>>) src(%dma_wait3A_47 : memref<6272xf32, #tpu.memory_space<vmem_shared>>) dst(%dma_wait3A : memref<6272xf32, #tpu.memory_space<hbm>>)
      tpu.yield
    }) : () -> ()
    return
  }
}

module attributes {stable_mosaic.version = 14 : i64} {
  func.func @_k_norms_body(%arg0: memref<784x128xf32, #tpu.memory_space<vmem>>, %arg1: memref<4x784x128xf32, #tpu.memory_space<vmem>>, %arg2: memref<784x128xf32, #tpu.memory_space<vmem>>, %arg3: memref<784x128xf32, #tpu.memory_space<vmem>>, %arg4: memref<784x128xf32, #tpu.memory_space<vmem>>) attributes {dimension_semantics = [], scalar_prefetch = 0 : i64, scratch_operands = 0 : i64, tpu.core_type = #tpu.core_type<tc>} {
    %get3A = arith.constant 0 : index
    %get3A_0 = arith.constant 0 : index
    %get3A_1 = arith.constant 0 : index
    %get3A_2 = vector.load %arg1[%get3A, %get3A_0, %get3A_1] : memref<4x784x128xf32, #tpu.memory_space<vmem>>, vector<1x784x128xf32>
    %get3A_3 = vector.shape_cast %get3A_2 : vector<1x784x128xf32> to vector<784x128xf32>
    %get3A_4 = arith.constant 1 : index
    %get3A_5 = arith.constant 0 : index
    %get3A_6 = arith.constant 0 : index
    %get3A_7 = vector.load %arg1[%get3A_4, %get3A_5, %get3A_6] : memref<4x784x128xf32, #tpu.memory_space<vmem>>, vector<1x784x128xf32>
    %get3A_8 = vector.shape_cast %get3A_7 : vector<1x784x128xf32> to vector<784x128xf32>
    %add3A = arith.addf %get3A_3, %get3A_8 : vector<784x128xf32>
    %get3A_9 = arith.constant 2 : index
    %get3A_10 = arith.constant 0 : index
    %get3A_11 = arith.constant 0 : index
    %get3A_12 = vector.load %arg1[%get3A_9, %get3A_10, %get3A_11] : memref<4x784x128xf32, #tpu.memory_space<vmem>>, vector<1x784x128xf32>
    %get3A_13 = vector.shape_cast %get3A_12 : vector<1x784x128xf32> to vector<784x128xf32>
    %get3A_14 = arith.constant 3 : index
    %get3A_15 = arith.constant 0 : index
    %get3A_16 = arith.constant 0 : index
    %get3A_17 = vector.load %arg1[%get3A_14, %get3A_15, %get3A_16] : memref<4x784x128xf32, #tpu.memory_space<vmem>>, vector<1x784x128xf32>
    %get3A_18 = vector.shape_cast %get3A_17 : vector<1x784x128xf32> to vector<784x128xf32>
    %add3A_19 = arith.addf %get3A_13, %get3A_18 : vector<784x128xf32>
    %gt3A = arith.constant 0.000000e+00 : f32
    %gt3A_20 = vector.broadcast %gt3A : f32 to vector<784x128xf32>
    %gt3A_21 = arith.cmpf ogt, %add3A, %gt3A_20 : vector<784x128xf32>
    %jit3A = arith.constant 1.000000e+00 : f32
    %broadcast_in_dim3A = vector.broadcast %jit3A : f32 to vector<784x128xf32>
    %select_n3A = arith.select %gt3A_21, %add3A, %broadcast_in_dim3A : vector<784x128xi1>, vector<784x128xf32>
    %rsqrt3A = math.rsqrt %select_n3A : vector<784x128xf32>
    %mul3A = arith.constant 5.000000e-01 : f32
    %mul3A_22 = vector.broadcast %mul3A : f32 to vector<784x128xf32>
    %mul3A_23 = arith.mulf %mul3A_22, %select_n3A : vector<784x128xf32>
    %mul3A_24 = arith.mulf %mul3A_23, %rsqrt3A : vector<784x128xf32>
    %mul3A_25 = arith.mulf %mul3A_24, %rsqrt3A : vector<784x128xf32>
    %sub3A = arith.constant 1.500000e+00 : f32
    %sub3A_26 = vector.broadcast %sub3A : f32 to vector<784x128xf32>
    %sub3A_27 = arith.subf %sub3A_26, %mul3A_25 : vector<784x128xf32>
    %mul3A_28 = arith.mulf %rsqrt3A, %sub3A_27 : vector<784x128xf32>
    %gt3A_29 = arith.constant 0.000000e+00 : f32
    %gt3A_30 = vector.broadcast %gt3A_29 : f32 to vector<784x128xf32>
    %gt3A_31 = arith.cmpf ogt, %add3A_19, %gt3A_30 : vector<784x128xf32>
    %jit3A_32 = arith.constant 1.000000e+00 : f32
    %broadcast_in_dim3A_33 = vector.broadcast %jit3A_32 : f32 to vector<784x128xf32>
    %select_n3A_34 = arith.select %gt3A_31, %add3A_19, %broadcast_in_dim3A_33 : vector<784x128xi1>, vector<784x128xf32>
    %rsqrt3A_35 = math.rsqrt %select_n3A_34 : vector<784x128xf32>
    %mul3A_36 = arith.constant 5.000000e-01 : f32
    %mul3A_37 = vector.broadcast %mul3A_36 : f32 to vector<784x128xf32>
    %mul3A_38 = arith.mulf %mul3A_37, %select_n3A_34 : vector<784x128xf32>
    %mul3A_39 = arith.mulf %mul3A_38, %rsqrt3A_35 : vector<784x128xf32>
    %mul3A_40 = arith.mulf %mul3A_39, %rsqrt3A_35 : vector<784x128xf32>
    %sub3A_41 = arith.constant 1.500000e+00 : f32
    %sub3A_42 = vector.broadcast %sub3A_41 : f32 to vector<784x128xf32>
    %sub3A_43 = arith.subf %sub3A_42, %mul3A_40 : vector<784x128xf32>
    %mul3A_44 = arith.mulf %rsqrt3A_35, %sub3A_43 : vector<784x128xf32>
    %swap3A = arith.constant 0 : index
    %swap3A_45 = arith.constant 0 : index
    %swap3A_46 = vector.load %arg3[%swap3A, %swap3A_45] : memref<784x128xf32, #tpu.memory_space<vmem>>, vector<784x128xf32>
    tpu.vector_store %arg3[%swap3A, %swap3A_45], %mul3A_44 {strides = array<i32>} : memref<784x128xf32, #tpu.memory_space<vmem>>, vector<784x128xf32>,
    %swap3A_47 = arith.constant 0 : index
    %swap3A_48 = arith.constant 0 : index
    %swap3A_49 = vector.load %arg4[%swap3A_47, %swap3A_48] : memref<784x128xf32, #tpu.memory_space<vmem>>, vector<784x128xf32>
    tpu.vector_store %arg4[%swap3A_47, %swap3A_48], %mul3A_28 {strides = array<i32>} : memref<784x128xf32, #tpu.memory_space<vmem>>, vector<784x128xf32>,
    %get3A_50 = arith.constant 0 : index
    %get3A_51 = arith.constant 0 : index
    %get3A_52 = vector.load %arg0[%get3A_50, %get3A_51] : memref<784x128xf32, #tpu.memory_space<vmem>>, vector<784x128xf32>
    %mul3A_53 = arith.mulf %mul3A_28, %get3A_52 : vector<784x128xf32>
    %swap3A_54 = arith.constant 0 : index
    %swap3A_55 = arith.constant 0 : index
    %swap3A_56 = vector.load %arg2[%swap3A_54, %swap3A_55] : memref<784x128xf32, #tpu.memory_space<vmem>>, vector<784x128xf32>
    tpu.vector_store %arg2[%swap3A_54, %swap3A_55], %mul3A_53 {strides = array<i32>} : memref<784x128xf32, #tpu.memory_space<vmem>>, vector<784x128xf32>,
    return
  }
}

module attributes {stable_mosaic.version = 14 : i64} {
  func.func @_k_reduce_body(%arg0: memref<4x784x128xf32, #tpu.memory_space<vmem>>, %arg1: memref<784x128xf32, #tpu.memory_space<vmem>>, %arg2: memref<784x128xf32, #tpu.memory_space<vmem>>, %arg3: memref<32xf32, #tpu.memory_space<smem>>, %arg4: memref<32xf32, #tpu.memory_space<smem>>, %arg5: memref<32xf32, #tpu.memory_space<smem>>, %arg6: memref<1xf32, #tpu.memory_space<smem>>, %arg7: memref<1x1xf32, #tpu.memory_space<smem>>) attributes {dimension_semantics = [], scalar_prefetch = 0 : i64, scratch_operands = 0 : i64, tpu.core_type = #tpu.core_type<tc>} {
    %get3A = arith.constant 0 : index
    %get3A_0 = arith.constant 0 : index
    %get3A_1 = vector.load %arg1[%get3A, %get3A_0] : memref<784x128xf32, #tpu.memory_space<vmem>>, vector<784x128xf32>
    %get3A_2 = arith.constant 0 : index
    %get3A_3 = arith.constant 0 : index
    %get3A_4 = arith.constant 0 : index
    %get3A_5 = vector.load %arg0[%get3A_2, %get3A_3, %get3A_4] : memref<4x784x128xf32, #tpu.memory_space<vmem>>, vector<1x784x128xf32>
    %get3A_6 = vector.shape_cast %get3A_5 : vector<1x784x128xf32> to vector<784x128xf32>
    %get3A_7 = arith.constant 1 : index
    %get3A_8 = arith.constant 0 : index
    %get3A_9 = arith.constant 0 : index
    %get3A_10 = vector.load %arg0[%get3A_7, %get3A_8, %get3A_9] : memref<4x784x128xf32, #tpu.memory_space<vmem>>, vector<1x784x128xf32>
    %get3A_11 = vector.shape_cast %get3A_10 : vector<1x784x128xf32> to vector<784x128xf32>
    %add3A = arith.addf %get3A_6, %get3A_11 : vector<784x128xf32>
    %mul3A = arith.mulf %get3A_1, %add3A : vector<784x128xf32>
    %get3A_12 = arith.constant 0 : index
    %get3A_13 = arith.constant 0 : index
    %get3A_14 = vector.load %arg2[%get3A_12, %get3A_13] : memref<784x128xf32, #tpu.memory_space<vmem>>, vector<784x128xf32>
    %get3A_15 = arith.constant 2 : index
    %get3A_16 = arith.constant 0 : index
    %get3A_17 = arith.constant 0 : index
    %get3A_18 = vector.load %arg0[%get3A_15, %get3A_16, %get3A_17] : memref<4x784x128xf32, #tpu.memory_space<vmem>>, vector<1x784x128xf32>
    %get3A_19 = vector.shape_cast %get3A_18 : vector<1x784x128xf32> to vector<784x128xf32>
    %get3A_20 = arith.constant 3 : index
    %get3A_21 = arith.constant 0 : index
    %get3A_22 = arith.constant 0 : index
    %get3A_23 = vector.load %arg0[%get3A_20, %get3A_21, %get3A_22] : memref<4x784x128xf32, #tpu.memory_space<vmem>>, vector<1x784x128xf32>
    %get3A_24 = vector.shape_cast %get3A_23 : vector<1x784x128xf32> to vector<784x128xf32>
    %add3A_25 = arith.addf %get3A_19, %get3A_24 : vector<784x128xf32>
    %mul3A_26 = arith.mulf %get3A_14, %add3A_25 : vector<784x128xf32>
    %iota3A = tpu.iota {dimensions = array<i32: 0>} : vector<784x128xi32>
    %mul3A_27 = arith.constant 128 : i32
    %mul3A_28 = vector.broadcast %mul3A_27 : i32 to vector<784x128xi32>
    %mul3A_29 = arith.muli %iota3A, %mul3A_28 : vector<784x128xi32>
    %iota3A_30 = tpu.iota {dimensions = array<i32: 1>} : vector<784x128xi32>
    %add3A_31 = arith.addi %mul3A_29, %iota3A_30 : vector<784x128xi32>
    %lt3A = arith.constant 100000 : i32
    %lt3A_32 = vector.broadcast %lt3A : i32 to vector<784x128xi32>
    %lt3A_33 = arith.cmpi slt, %add3A_31, %lt3A_32 : vector<784x128xi32>
    %jit3A = arith.constant 0.000000e+00 : f32
    %broadcast_in_dim3A = vector.broadcast %jit3A : f32 to vector<784x128xf32>
    %select_n3A = arith.select %lt3A_33, %mul3A_26, %broadcast_in_dim3A : vector<784x128xi1>, vector<784x128xf32>
    %broadcast_in_dim3A_34 = arith.constant 0.000000e+00 : f32
    %broadcast_in_dim3A_35 = vector.broadcast %broadcast_in_dim3A_34 : f32 to vector<784x128xf32>
    %get3A_36 = arith.constant 0 : index
    %get3A_37 = memref.load %arg3[%get3A_36] : memref<32xf32, #tpu.memory_space<smem>>
    %mul3A_38 = vector.broadcast %get3A_37 : f32 to vector<784x128xf32>
    %mul3A_39 = arith.mulf %mul3A, %mul3A_38 : vector<784x128xf32>
    %get3A_40 = arith.constant 0 : index
    %get3A_41 = memref.load %arg4[%get3A_40] : memref<32xf32, #tpu.memory_space<smem>>
    %add3A_42 = vector.broadcast %get3A_41 : f32 to vector<784x128xf32>
    %add3A_43 = arith.addf %mul3A_39, %add3A_42 : vector<784x128xf32>
    %max3A = arith.constant 0.000000e+00 : f32
    %max3A_44 = vector.broadcast %max3A : f32 to vector<784x128xf32>
    %max3A_45 = arith.maximumf %add3A_43, %max3A_44 : vector<784x128xf32>
    %get3A_46 = arith.constant 0 : index
    %get3A_47 = memref.load %arg5[%get3A_46] : memref<32xf32, #tpu.memory_space<smem>>
    %mul3A_48 = vector.broadcast %get3A_47 : f32 to vector<784x128xf32>
    %mul3A_49 = arith.mulf %max3A_45, %mul3A_48 : vector<784x128xf32>
    %add3A_50 = arith.addf %broadcast_in_dim3A_35, %mul3A_49 : vector<784x128xf32>
    %get3A_51 = arith.constant 1 : index
    %get3A_52 = memref.load %arg3[%get3A_51] : memref<32xf32, #tpu.memory_space<smem>>
    %mul3A_53 = vector.broadcast %get3A_52 : f32 to vector<784x128xf32>
    %mul3A_54 = arith.mulf %mul3A, %mul3A_53 : vector<784x128xf32>
    %get3A_55 = arith.constant 1 : index
    %get3A_56 = memref.load %arg4[%get3A_55] : memref<32xf32, #tpu.memory_space<smem>>
    %add3A_57 = vector.broadcast %get3A_56 : f32 to vector<784x128xf32>
    %add3A_58 = arith.addf %mul3A_54, %add3A_57 : vector<784x128xf32>
    %max3A_59 = arith.constant 0.000000e+00 : f32
    %max3A_60 = vector.broadcast %max3A_59 : f32 to vector<784x128xf32>
    %max3A_61 = arith.maximumf %add3A_58, %max3A_60 : vector<784x128xf32>
    %get3A_62 = arith.constant 1 : index
    %get3A_63 = memref.load %arg5[%get3A_62] : memref<32xf32, #tpu.memory_space<smem>>
    %mul3A_64 = vector.broadcast %get3A_63 : f32 to vector<784x128xf32>
    %mul3A_65 = arith.mulf %max3A_61, %mul3A_64 : vector<784x128xf32>
    %add3A_66 = arith.addf %add3A_50, %mul3A_65 : vector<784x128xf32>
    %get3A_67 = arith.constant 2 : index
    %get3A_68 = memref.load %arg3[%get3A_67] : memref<32xf32, #tpu.memory_space<smem>>
    %mul3A_69 = vector.broadcast %get3A_68 : f32 to vector<784x128xf32>
    %mul3A_70 = arith.mulf %mul3A, %mul3A_69 : vector<784x128xf32>
    %get3A_71 = arith.constant 2 : index
    %get3A_72 = memref.load %arg4[%get3A_71] : memref<32xf32, #tpu.memory_space<smem>>
    %add3A_73 = vector.broadcast %get3A_72 : f32 to vector<784x128xf32>
    %add3A_74 = arith.addf %mul3A_70, %add3A_73 : vector<784x128xf32>
    %max3A_75 = arith.constant 0.000000e+00 : f32
    %max3A_76 = vector.broadcast %max3A_75 : f32 to vector<784x128xf32>
    %max3A_77 = arith.maximumf %add3A_74, %max3A_76 : vector<784x128xf32>
    %get3A_78 = arith.constant 2 : index
    %get3A_79 = memref.load %arg5[%get3A_78] : memref<32xf32, #tpu.memory_space<smem>>
    %mul3A_80 = vector.broadcast %get3A_79 : f32 to vector<784x128xf32>
    %mul3A_81 = arith.mulf %max3A_77, %mul3A_80 : vector<784x128xf32>
    %add3A_82 = arith.addf %add3A_66, %mul3A_81 : vector<784x128xf32>
    %get3A_83 = arith.constant 3 : index
    %get3A_84 = memref.load %arg3[%get3A_83] : memref<32xf32, #tpu.memory_space<smem>>
    %mul3A_85 = vector.broadcast %get3A_84 : f32 to vector<784x128xf32>
    %mul3A_86 = arith.mulf %mul3A, %mul3A_85 : vector<784x128xf32>
    %get3A_87 = arith.constant 3 : index
    %get3A_88 = memref.load %arg4[%get3A_87] : memref<32xf32, #tpu.memory_space<smem>>
    %add3A_89 = vector.broadcast %get3A_88 : f32 to vector<784x128xf32>
    %add3A_90 = arith.addf %mul3A_86, %add3A_89 : vector<784x128xf32>
    %max3A_91 = arith.constant 0.000000e+00 : f32
    %max3A_92 = vector.broadcast %max3A_91 : f32 to vector<784x128xf32>
    %max3A_93 = arith.maximumf %add3A_90, %max3A_92 : vector<784x128xf32>
    %get3A_94 = arith.constant 3 : index
    %get3A_95 = memref.load %arg5[%get3A_94] : memref<32xf32, #tpu.memory_space<smem>>
    %mul3A_96 = vector.broadcast %get3A_95 : f32 to vector<784x128xf32>
    %mul3A_97 = arith.mulf %max3A_93, %mul3A_96 : vector<784x128xf32>
    %add3A_98 = arith.addf %add3A_82, %mul3A_97 : vector<784x128xf32>
    %get3A_99 = arith.constant 4 : index
    %get3A_100 = memref.load %arg3[%get3A_99] : memref<32xf32, #tpu.memory_space<smem>>
    %mul3A_101 = vector.broadcast %get3A_100 : f32 to vector<784x128xf32>
    %mul3A_102 = arith.mulf %mul3A, %mul3A_101 : vector<784x128xf32>
    %get3A_103 = arith.constant 4 : index
    %get3A_104 = memref.load %arg4[%get3A_103] : memref<32xf32, #tpu.memory_space<smem>>
    %add3A_105 = vector.broadcast %get3A_104 : f32 to vector<784x128xf32>
    %add3A_106 = arith.addf %mul3A_102, %add3A_105 : vector<784x128xf32>
    %max3A_107 = arith.constant 0.000000e+00 : f32
    %max3A_108 = vector.broadcast %max3A_107 : f32 to vector<784x128xf32>
    %max3A_109 = arith.maximumf %add3A_106, %max3A_108 : vector<784x128xf32>
    %get3A_110 = arith.constant 4 : index
    %get3A_111 = memref.load %arg5[%get3A_110] : memref<32xf32, #tpu.memory_space<smem>>
    %mul3A_112 = vector.broadcast %get3A_111 : f32 to vector<784x128xf32>
    %mul3A_113 = arith.mulf %max3A_109, %mul3A_112 : vector<784x128xf32>
    %add3A_114 = arith.addf %add3A_98, %mul3A_113 : vector<784x128xf32>
    %get3A_115 = arith.constant 5 : index
    %get3A_116 = memref.load %arg3[%get3A_115] : memref<32xf32, #tpu.memory_space<smem>>
    %mul3A_117 = vector.broadcast %get3A_116 : f32 to vector<784x128xf32>
    %mul3A_118 = arith.mulf %mul3A, %mul3A_117 : vector<784x128xf32>
    %get3A_119 = arith.constant 5 : index
    %get3A_120 = memref.load %arg4[%get3A_119] : memref<32xf32, #tpu.memory_space<smem>>
    %add3A_121 = vector.broadcast %get3A_120 : f32 to vector<784x128xf32>
    %add3A_122 = arith.addf %mul3A_118, %add3A_121 : vector<784x128xf32>
    %max3A_123 = arith.constant 0.000000e+00 : f32
    %max3A_124 = vector.broadcast %max3A_123 : f32 to vector<784x128xf32>
    %max3A_125 = arith.maximumf %add3A_122, %max3A_124 : vector<784x128xf32>
    %get3A_126 = arith.constant 5 : index
    %get3A_127 = memref.load %arg5[%get3A_126] : memref<32xf32, #tpu.memory_space<smem>>
    %mul3A_128 = vector.broadcast %get3A_127 : f32 to vector<784x128xf32>
    %mul3A_129 = arith.mulf %max3A_125, %mul3A_128 : vector<784x128xf32>
    %add3A_130 = arith.addf %add3A_114, %mul3A_129 : vector<784x128xf32>
    %get3A_131 = arith.constant 6 : index
    %get3A_132 = memref.load %arg3[%get3A_131] : memref<32xf32, #tpu.memory_space<smem>>
    %mul3A_133 = vector.broadcast %get3A_132 : f32 to vector<784x128xf32>
    %mul3A_134 = arith.mulf %mul3A, %mul3A_133 : vector<784x128xf32>
    %get3A_135 = arith.constant 6 : index
    %get3A_136 = memref.load %arg4[%get3A_135] : memref<32xf32, #tpu.memory_space<smem>>
    %add3A_137 = vector.broadcast %get3A_136 : f32 to vector<784x128xf32>
    %add3A_138 = arith.addf %mul3A_134, %add3A_137 : vector<784x128xf32>
    %max3A_139 = arith.constant 0.000000e+00 : f32
    %max3A_140 = vector.broadcast %max3A_139 : f32 to vector<784x128xf32>
    %max3A_141 = arith.maximumf %add3A_138, %max3A_140 : vector<784x128xf32>
    %get3A_142 = arith.constant 6 : index
    %get3A_143 = memref.load %arg5[%get3A_142] : memref<32xf32, #tpu.memory_space<smem>>
    %mul3A_144 = vector.broadcast %get3A_143 : f32 to vector<784x128xf32>
    %mul3A_145 = arith.mulf %max3A_141, %mul3A_144 : vector<784x128xf32>
    %add3A_146 = arith.addf %add3A_130, %mul3A_145 : vector<784x128xf32>
    %get3A_147 = arith.constant 7 : index
    %get3A_148 = memref.load %arg3[%get3A_147] : memref<32xf32, #tpu.memory_space<smem>>
    %mul3A_149 = vector.broadcast %get3A_148 : f32 to vector<784x128xf32>
    %mul3A_150 = arith.mulf %mul3A, %mul3A_149 : vector<784x128xf32>
    %get3A_151 = arith.constant 7 : index
    %get3A_152 = memref.load %arg4[%get3A_151] : memref<32xf32, #tpu.memory_space<smem>>
    %add3A_153 = vector.broadcast %get3A_152 : f32 to vector<784x128xf32>
    %add3A_154 = arith.addf %mul3A_150, %add3A_153 : vector<784x128xf32>
    %max3A_155 = arith.constant 0.000000e+00 : f32
    %max3A_156 = vector.broadcast %max3A_155 : f32 to vector<784x128xf32>
    %max3A_157 = arith.maximumf %add3A_154, %max3A_156 : vector<784x128xf32>
    %get3A_158 = arith.constant 7 : index
    %get3A_159 = memref.load %arg5[%get3A_158] : memref<32xf32, #tpu.memory_space<smem>>
    %mul3A_160 = vector.broadcast %get3A_159 : f32 to vector<784x128xf32>
    %mul3A_161 = arith.mulf %max3A_157, %mul3A_160 : vector<784x128xf32>
    %add3A_162 = arith.addf %add3A_146, %mul3A_161 : vector<784x128xf32>
    %get3A_163 = arith.constant 8 : index
    %get3A_164 = memref.load %arg3[%get3A_163] : memref<32xf32, #tpu.memory_space<smem>>
    %mul3A_165 = vector.broadcast %get3A_164 : f32 to vector<784x128xf32>
    %mul3A_166 = arith.mulf %mul3A, %mul3A_165 : vector<784x128xf32>
    %get3A_167 = arith.constant 8 : index
    %get3A_168 = memref.load %arg4[%get3A_167] : memref<32xf32, #tpu.memory_space<smem>>
    %add3A_169 = vector.broadcast %get3A_168 : f32 to vector<784x128xf32>
    %add3A_170 = arith.addf %mul3A_166, %add3A_169 : vector<784x128xf32>
    %max3A_171 = arith.constant 0.000000e+00 : f32
    %max3A_172 = vector.broadcast %max3A_171 : f32 to vector<784x128xf32>
    %max3A_173 = arith.maximumf %add3A_170, %max3A_172 : vector<784x128xf32>
    %get3A_174 = arith.constant 8 : index
    %get3A_175 = memref.load %arg5[%get3A_174] : memref<32xf32, #tpu.memory_space<smem>>
    %mul3A_176 = vector.broadcast %get3A_175 : f32 to vector<784x128xf32>
    %mul3A_177 = arith.mulf %max3A_173, %mul3A_176 : vector<784x128xf32>
    %add3A_178 = arith.addf %add3A_162, %mul3A_177 : vector<784x128xf32>
    %get3A_179 = arith.constant 9 : index
    %get3A_180 = memref.load %arg3[%get3A_179] : memref<32xf32, #tpu.memory_space<smem>>
    %mul3A_181 = vector.broadcast %get3A_180 : f32 to vector<784x128xf32>
    %mul3A_182 = arith.mulf %mul3A, %mul3A_181 : vector<784x128xf32>
    %get3A_183 = arith.constant 9 : index
    %get3A_184 = memref.load %arg4[%get3A_183] : memref<32xf32, #tpu.memory_space<smem>>
    %add3A_185 = vector.broadcast %get3A_184 : f32 to vector<784x128xf32>
    %add3A_186 = arith.addf %mul3A_182, %add3A_185 : vector<784x128xf32>
    %max3A_187 = arith.constant 0.000000e+00 : f32
    %max3A_188 = vector.broadcast %max3A_187 : f32 to vector<784x128xf32>
    %max3A_189 = arith.maximumf %add3A_186, %max3A_188 : vector<784x128xf32>
    %get3A_190 = arith.constant 9 : index
    %get3A_191 = memref.load %arg5[%get3A_190] : memref<32xf32, #tpu.memory_space<smem>>
    %mul3A_192 = vector.broadcast %get3A_191 : f32 to vector<784x128xf32>
    %mul3A_193 = arith.mulf %max3A_189, %mul3A_192 : vector<784x128xf32>
    %add3A_194 = arith.addf %add3A_178, %mul3A_193 : vector<784x128xf32>
    %get3A_195 = arith.constant 10 : index
    %get3A_196 = memref.load %arg3[%get3A_195] : memref<32xf32, #tpu.memory_space<smem>>
    %mul3A_197 = vector.broadcast %get3A_196 : f32 to vector<784x128xf32>
    %mul3A_198 = arith.mulf %mul3A, %mul3A_197 : vector<784x128xf32>
    %get3A_199 = arith.constant 10 : index
    %get3A_200 = memref.load %arg4[%get3A_199] : memref<32xf32, #tpu.memory_space<smem>>
    %add3A_201 = vector.broadcast %get3A_200 : f32 to vector<784x128xf32>
    %add3A_202 = arith.addf %mul3A_198, %add3A_201 : vector<784x128xf32>
    %max3A_203 = arith.constant 0.000000e+00 : f32
    %max3A_204 = vector.broadcast %max3A_203 : f32 to vector<784x128xf32>
    %max3A_205 = arith.maximumf %add3A_202, %max3A_204 : vector<784x128xf32>
    %get3A_206 = arith.constant 10 : index
    %get3A_207 = memref.load %arg5[%get3A_206] : memref<32xf32, #tpu.memory_space<smem>>
    %mul3A_208 = vector.broadcast %get3A_207 : f32 to vector<784x128xf32>
    %mul3A_209 = arith.mulf %max3A_205, %mul3A_208 : vector<784x128xf32>
    %add3A_210 = arith.addf %add3A_194, %mul3A_209 : vector<784x128xf32>
    %get3A_211 = arith.constant 11 : index
    %get3A_212 = memref.load %arg3[%get3A_211] : memref<32xf32, #tpu.memory_space<smem>>
    %mul3A_213 = vector.broadcast %get3A_212 : f32 to vector<784x128xf32>
    %mul3A_214 = arith.mulf %mul3A, %mul3A_213 : vector<784x128xf32>
    %get3A_215 = arith.constant 11 : index
    %get3A_216 = memref.load %arg4[%get3A_215] : memref<32xf32, #tpu.memory_space<smem>>
    %add3A_217 = vector.broadcast %get3A_216 : f32 to vector<784x128xf32>
    %add3A_218 = arith.addf %mul3A_214, %add3A_217 : vector<784x128xf32>
    %max3A_219 = arith.constant 0.000000e+00 : f32
    %max3A_220 = vector.broadcast %max3A_219 : f32 to vector<784x128xf32>
    %max3A_221 = arith.maximumf %add3A_218, %max3A_220 : vector<784x128xf32>
    %get3A_222 = arith.constant 11 : index
    %get3A_223 = memref.load %arg5[%get3A_222] : memref<32xf32, #tpu.memory_space<smem>>
    %mul3A_224 = vector.broadcast %get3A_223 : f32 to vector<784x128xf32>
    %mul3A_225 = arith.mulf %max3A_221, %mul3A_224 : vector<784x128xf32>
    %add3A_226 = arith.addf %add3A_210, %mul3A_225 : vector<784x128xf32>
    %get3A_227 = arith.constant 12 : index
    %get3A_228 = memref.load %arg3[%get3A_227] : memref<32xf32, #tpu.memory_space<smem>>
    %mul3A_229 = vector.broadcast %get3A_228 : f32 to vector<784x128xf32>
    %mul3A_230 = arith.mulf %mul3A, %mul3A_229 : vector<784x128xf32>
    %get3A_231 = arith.constant 12 : index
    %get3A_232 = memref.load %arg4[%get3A_231] : memref<32xf32, #tpu.memory_space<smem>>
    %add3A_233 = vector.broadcast %get3A_232 : f32 to vector<784x128xf32>
    %add3A_234 = arith.addf %mul3A_230, %add3A_233 : vector<784x128xf32>
    %max3A_235 = arith.constant 0.000000e+00 : f32
    %max3A_236 = vector.broadcast %max3A_235 : f32 to vector<784x128xf32>
    %max3A_237 = arith.maximumf %add3A_234, %max3A_236 : vector<784x128xf32>
    %get3A_238 = arith.constant 12 : index
    %get3A_239 = memref.load %arg5[%get3A_238] : memref<32xf32, #tpu.memory_space<smem>>
    %mul3A_240 = vector.broadcast %get3A_239 : f32 to vector<784x128xf32>
    %mul3A_241 = arith.mulf %max3A_237, %mul3A_240 : vector<784x128xf32>
    %add3A_242 = arith.addf %add3A_226, %mul3A_241 : vector<784x128xf32>
    %get3A_243 = arith.constant 13 : index
    %get3A_244 = memref.load %arg3[%get3A_243] : memref<32xf32, #tpu.memory_space<smem>>
    %mul3A_245 = vector.broadcast %get3A_244 : f32 to vector<784x128xf32>
    %mul3A_246 = arith.mulf %mul3A, %mul3A_245 : vector<784x128xf32>
    %get3A_247 = arith.constant 13 : index
    %get3A_248 = memref.load %arg4[%get3A_247] : memref<32xf32, #tpu.memory_space<smem>>
    %add3A_249 = vector.broadcast %get3A_248 : f32 to vector<784x128xf32>
    %add3A_250 = arith.addf %mul3A_246, %add3A_249 : vector<784x128xf32>
    %max3A_251 = arith.constant 0.000000e+00 : f32
    %max3A_252 = vector.broadcast %max3A_251 : f32 to vector<784x128xf32>
    %max3A_253 = arith.maximumf %add3A_250, %max3A_252 : vector<784x128xf32>
    %get3A_254 = arith.constant 13 : index
    %get3A_255 = memref.load %arg5[%get3A_254] : memref<32xf32, #tpu.memory_space<smem>>
    %mul3A_256 = vector.broadcast %get3A_255 : f32 to vector<784x128xf32>
    %mul3A_257 = arith.mulf %max3A_253, %mul3A_256 : vector<784x128xf32>
    %add3A_258 = arith.addf %add3A_242, %mul3A_257 : vector<784x128xf32>
    %get3A_259 = arith.constant 14 : index
    %get3A_260 = memref.load %arg3[%get3A_259] : memref<32xf32, #tpu.memory_space<smem>>
    %mul3A_261 = vector.broadcast %get3A_260 : f32 to vector<784x128xf32>
    %mul3A_262 = arith.mulf %mul3A, %mul3A_261 : vector<784x128xf32>
    %get3A_263 = arith.constant 14 : index
    %get3A_264 = memref.load %arg4[%get3A_263] : memref<32xf32, #tpu.memory_space<smem>>
    %add3A_265 = vector.broadcast %get3A_264 : f32 to vector<784x128xf32>
    %add3A_266 = arith.addf %mul3A_262, %add3A_265 : vector<784x128xf32>
    %max3A_267 = arith.constant 0.000000e+00 : f32
    %max3A_268 = vector.broadcast %max3A_267 : f32 to vector<784x128xf32>
    %max3A_269 = arith.maximumf %add3A_266, %max3A_268 : vector<784x128xf32>
    %get3A_270 = arith.constant 14 : index
    %get3A_271 = memref.load %arg5[%get3A_270] : memref<32xf32, #tpu.memory_space<smem>>
    %mul3A_272 = vector.broadcast %get3A_271 : f32 to vector<784x128xf32>
    %mul3A_273 = arith.mulf %max3A_269, %mul3A_272 : vector<784x128xf32>
    %add3A_274 = arith.addf %add3A_258, %mul3A_273 : vector<784x128xf32>
    %get3A_275 = arith.constant 15 : index
    %get3A_276 = memref.load %arg3[%get3A_275] : memref<32xf32, #tpu.memory_space<smem>>
    %mul3A_277 = vector.broadcast %get3A_276 : f32 to vector<784x128xf32>
    %mul3A_278 = arith.mulf %mul3A, %mul3A_277 : vector<784x128xf32>
    %get3A_279 = arith.constant 15 : index
    %get3A_280 = memref.load %arg4[%get3A_279] : memref<32xf32, #tpu.memory_space<smem>>
    %add3A_281 = vector.broadcast %get3A_280 : f32 to vector<784x128xf32>
    %add3A_282 = arith.addf %mul3A_278, %add3A_281 : vector<784x128xf32>
    %max3A_283 = arith.constant 0.000000e+00 : f32
    %max3A_284 = vector.broadcast %max3A_283 : f32 to vector<784x128xf32>
    %max3A_285 = arith.maximumf %add3A_282, %max3A_284 : vector<784x128xf32>
    %get3A_286 = arith.constant 15 : index
    %get3A_287 = memref.load %arg5[%get3A_286] : memref<32xf32, #tpu.memory_space<smem>>
    %mul3A_288 = vector.broadcast %get3A_287 : f32 to vector<784x128xf32>
    %mul3A_289 = arith.mulf %max3A_285, %mul3A_288 : vector<784x128xf32>
    %add3A_290 = arith.addf %add3A_274, %mul3A_289 : vector<784x128xf32>
    %get3A_291 = arith.constant 16 : index
    %get3A_292 = memref.load %arg3[%get3A_291] : memref<32xf32, #tpu.memory_space<smem>>
    %mul3A_293 = vector.broadcast %get3A_292 : f32 to vector<784x128xf32>
    %mul3A_294 = arith.mulf %mul3A, %mul3A_293 : vector<784x128xf32>
    %get3A_295 = arith.constant 16 : index
    %get3A_296 = memref.load %arg4[%get3A_295] : memref<32xf32, #tpu.memory_space<smem>>
    %add3A_297 = vector.broadcast %get3A_296 : f32 to vector<784x128xf32>
    %add3A_298 = arith.addf %mul3A_294, %add3A_297 : vector<784x128xf32>
    %max3A_299 = arith.constant 0.000000e+00 : f32
    %max3A_300 = vector.broadcast %max3A_299 : f32 to vector<784x128xf32>
    %max3A_301 = arith.maximumf %add3A_298, %max3A_300 : vector<784x128xf32>
    %get3A_302 = arith.constant 16 : index
    %get3A_303 = memref.load %arg5[%get3A_302] : memref<32xf32, #tpu.memory_space<smem>>
    %mul3A_304 = vector.broadcast %get3A_303 : f32 to vector<784x128xf32>
    %mul3A_305 = arith.mulf %max3A_301, %mul3A_304 : vector<784x128xf32>
    %add3A_306 = arith.addf %add3A_290, %mul3A_305 : vector<784x128xf32>
    %get3A_307 = arith.constant 17 : index
    %get3A_308 = memref.load %arg3[%get3A_307] : memref<32xf32, #tpu.memory_space<smem>>
    %mul3A_309 = vector.broadcast %get3A_308 : f32 to vector<784x128xf32>
    %mul3A_310 = arith.mulf %mul3A, %mul3A_309 : vector<784x128xf32>
    %get3A_311 = arith.constant 17 : index
    %get3A_312 = memref.load %arg4[%get3A_311] : memref<32xf32, #tpu.memory_space<smem>>
    %add3A_313 = vector.broadcast %get3A_312 : f32 to vector<784x128xf32>
    %add3A_314 = arith.addf %mul3A_310, %add3A_313 : vector<784x128xf32>
    %max3A_315 = arith.constant 0.000000e+00 : f32
    %max3A_316 = vector.broadcast %max3A_315 : f32 to vector<784x128xf32>
    %max3A_317 = arith.maximumf %add3A_314, %max3A_316 : vector<784x128xf32>
    %get3A_318 = arith.constant 17 : index
    %get3A_319 = memref.load %arg5[%get3A_318] : memref<32xf32, #tpu.memory_space<smem>>
    %mul3A_320 = vector.broadcast %get3A_319 : f32 to vector<784x128xf32>
    %mul3A_321 = arith.mulf %max3A_317, %mul3A_320 : vector<784x128xf32>
    %add3A_322 = arith.addf %add3A_306, %mul3A_321 : vector<784x128xf32>
    %get3A_323 = arith.constant 18 : index
    %get3A_324 = memref.load %arg3[%get3A_323] : memref<32xf32, #tpu.memory_space<smem>>
    %mul3A_325 = vector.broadcast %get3A_324 : f32 to vector<784x128xf32>
    %mul3A_326 = arith.mulf %mul3A, %mul3A_325 : vector<784x128xf32>
    %get3A_327 = arith.constant 18 : index
    %get3A_328 = memref.load %arg4[%get3A_327] : memref<32xf32, #tpu.memory_space<smem>>
    %add3A_329 = vector.broadcast %get3A_328 : f32 to vector<784x128xf32>
    %add3A_330 = arith.addf %mul3A_326, %add3A_329 : vector<784x128xf32>
    %max3A_331 = arith.constant 0.000000e+00 : f32
    %max3A_332 = vector.broadcast %max3A_331 : f32 to vector<784x128xf32>
    %max3A_333 = arith.maximumf %add3A_330, %max3A_332 : vector<784x128xf32>
    %get3A_334 = arith.constant 18 : index
    %get3A_335 = memref.load %arg5[%get3A_334] : memref<32xf32, #tpu.memory_space<smem>>
    %mul3A_336 = vector.broadcast %get3A_335 : f32 to vector<784x128xf32>
    %mul3A_337 = arith.mulf %max3A_333, %mul3A_336 : vector<784x128xf32>
    %add3A_338 = arith.addf %add3A_322, %mul3A_337 : vector<784x128xf32>
    %get3A_339 = arith.constant 19 : index
    %get3A_340 = memref.load %arg3[%get3A_339] : memref<32xf32, #tpu.memory_space<smem>>
    %mul3A_341 = vector.broadcast %get3A_340 : f32 to vector<784x128xf32>
    %mul3A_342 = arith.mulf %mul3A, %mul3A_341 : vector<784x128xf32>
    %get3A_343 = arith.constant 19 : index
    %get3A_344 = memref.load %arg4[%get3A_343] : memref<32xf32, #tpu.memory_space<smem>>
    %add3A_345 = vector.broadcast %get3A_344 : f32 to vector<784x128xf32>
    %add3A_346 = arith.addf %mul3A_342, %add3A_345 : vector<784x128xf32>
    %max3A_347 = arith.constant 0.000000e+00 : f32
    %max3A_348 = vector.broadcast %max3A_347 : f32 to vector<784x128xf32>
    %max3A_349 = arith.maximumf %add3A_346, %max3A_348 : vector<784x128xf32>
    %get3A_350 = arith.constant 19 : index
    %get3A_351 = memref.load %arg5[%get3A_350] : memref<32xf32, #tpu.memory_space<smem>>
    %mul3A_352 = vector.broadcast %get3A_351 : f32 to vector<784x128xf32>
    %mul3A_353 = arith.mulf %max3A_349, %mul3A_352 : vector<784x128xf32>
    %add3A_354 = arith.addf %add3A_338, %mul3A_353 : vector<784x128xf32>
    %get3A_355 = arith.constant 20 : index
    %get3A_356 = memref.load %arg3[%get3A_355] : memref<32xf32, #tpu.memory_space<smem>>
    %mul3A_357 = vector.broadcast %get3A_356 : f32 to vector<784x128xf32>
    %mul3A_358 = arith.mulf %mul3A, %mul3A_357 : vector<784x128xf32>
    %get3A_359 = arith.constant 20 : index
    %get3A_360 = memref.load %arg4[%get3A_359] : memref<32xf32, #tpu.memory_space<smem>>
    %add3A_361 = vector.broadcast %get3A_360 : f32 to vector<784x128xf32>
    %add3A_362 = arith.addf %mul3A_358, %add3A_361 : vector<784x128xf32>
    %max3A_363 = arith.constant 0.000000e+00 : f32
    %max3A_364 = vector.broadcast %max3A_363 : f32 to vector<784x128xf32>
    %max3A_365 = arith.maximumf %add3A_362, %max3A_364 : vector<784x128xf32>
    %get3A_366 = arith.constant 20 : index
    %get3A_367 = memref.load %arg5[%get3A_366] : memref<32xf32, #tpu.memory_space<smem>>
    %mul3A_368 = vector.broadcast %get3A_367 : f32 to vector<784x128xf32>
    %mul3A_369 = arith.mulf %max3A_365, %mul3A_368 : vector<784x128xf32>
    %add3A_370 = arith.addf %add3A_354, %mul3A_369 : vector<784x128xf32>
    %get3A_371 = arith.constant 21 : index
    %get3A_372 = memref.load %arg3[%get3A_371] : memref<32xf32, #tpu.memory_space<smem>>
    %mul3A_373 = vector.broadcast %get3A_372 : f32 to vector<784x128xf32>
    %mul3A_374 = arith.mulf %mul3A, %mul3A_373 : vector<784x128xf32>
    %get3A_375 = arith.constant 21 : index
    %get3A_376 = memref.load %arg4[%get3A_375] : memref<32xf32, #tpu.memory_space<smem>>
    %add3A_377 = vector.broadcast %get3A_376 : f32 to vector<784x128xf32>
    %add3A_378 = arith.addf %mul3A_374, %add3A_377 : vector<784x128xf32>
    %max3A_379 = arith.constant 0.000000e+00 : f32
    %max3A_380 = vector.broadcast %max3A_379 : f32 to vector<784x128xf32>
    %max3A_381 = arith.maximumf %add3A_378, %max3A_380 : vector<784x128xf32>
    %get3A_382 = arith.constant 21 : index
    %get3A_383 = memref.load %arg5[%get3A_382] : memref<32xf32, #tpu.memory_space<smem>>
    %mul3A_384 = vector.broadcast %get3A_383 : f32 to vector<784x128xf32>
    %mul3A_385 = arith.mulf %max3A_381, %mul3A_384 : vector<784x128xf32>
    %add3A_386 = arith.addf %add3A_370, %mul3A_385 : vector<784x128xf32>
    %get3A_387 = arith.constant 22 : index
    %get3A_388 = memref.load %arg3[%get3A_387] : memref<32xf32, #tpu.memory_space<smem>>
    %mul3A_389 = vector.broadcast %get3A_388 : f32 to vector<784x128xf32>
    %mul3A_390 = arith.mulf %mul3A, %mul3A_389 : vector<784x128xf32>
    %get3A_391 = arith.constant 22 : index
    %get3A_392 = memref.load %arg4[%get3A_391] : memref<32xf32, #tpu.memory_space<smem>>
    %add3A_393 = vector.broadcast %get3A_392 : f32 to vector<784x128xf32>
    %add3A_394 = arith.addf %mul3A_390, %add3A_393 : vector<784x128xf32>
    %max3A_395 = arith.constant 0.000000e+00 : f32
    %max3A_396 = vector.broadcast %max3A_395 : f32 to vector<784x128xf32>
    %max3A_397 = arith.maximumf %add3A_394, %max3A_396 : vector<784x128xf32>
    %get3A_398 = arith.constant 22 : index
    %get3A_399 = memref.load %arg5[%get3A_398] : memref<32xf32, #tpu.memory_space<smem>>
    %mul3A_400 = vector.broadcast %get3A_399 : f32 to vector<784x128xf32>
    %mul3A_401 = arith.mulf %max3A_397, %mul3A_400 : vector<784x128xf32>
    %add3A_402 = arith.addf %add3A_386, %mul3A_401 : vector<784x128xf32>
    %get3A_403 = arith.constant 23 : index
    %get3A_404 = memref.load %arg3[%get3A_403] : memref<32xf32, #tpu.memory_space<smem>>
    %mul3A_405 = vector.broadcast %get3A_404 : f32 to vector<784x128xf32>
    %mul3A_406 = arith.mulf %mul3A, %mul3A_405 : vector<784x128xf32>
    %get3A_407 = arith.constant 23 : index
    %get3A_408 = memref.load %arg4[%get3A_407] : memref<32xf32, #tpu.memory_space<smem>>
    %add3A_409 = vector.broadcast %get3A_408 : f32 to vector<784x128xf32>
    %add3A_410 = arith.addf %mul3A_406, %add3A_409 : vector<784x128xf32>
    %max3A_411 = arith.constant 0.000000e+00 : f32
    %max3A_412 = vector.broadcast %max3A_411 : f32 to vector<784x128xf32>
    %max3A_413 = arith.maximumf %add3A_410, %max3A_412 : vector<784x128xf32>
    %get3A_414 = arith.constant 23 : index
    %get3A_415 = memref.load %arg5[%get3A_414] : memref<32xf32, #tpu.memory_space<smem>>
    %mul3A_416 = vector.broadcast %get3A_415 : f32 to vector<784x128xf32>
    %mul3A_417 = arith.mulf %max3A_413, %mul3A_416 : vector<784x128xf32>
    %add3A_418 = arith.addf %add3A_402, %mul3A_417 : vector<784x128xf32>
    %get3A_419 = arith.constant 24 : index
    %get3A_420 = memref.load %arg3[%get3A_419] : memref<32xf32, #tpu.memory_space<smem>>
    %mul3A_421 = vector.broadcast %get3A_420 : f32 to vector<784x128xf32>
    %mul3A_422 = arith.mulf %mul3A, %mul3A_421 : vector<784x128xf32>
    %get3A_423 = arith.constant 24 : index
    %get3A_424 = memref.load %arg4[%get3A_423] : memref<32xf32, #tpu.memory_space<smem>>
    %add3A_425 = vector.broadcast %get3A_424 : f32 to vector<784x128xf32>
    %add3A_426 = arith.addf %mul3A_422, %add3A_425 : vector<784x128xf32>
    %max3A_427 = arith.constant 0.000000e+00 : f32
    %max3A_428 = vector.broadcast %max3A_427 : f32 to vector<784x128xf32>
    %max3A_429 = arith.maximumf %add3A_426, %max3A_428 : vector<784x128xf32>
    %get3A_430 = arith.constant 24 : index
    %get3A_431 = memref.load %arg5[%get3A_430] : memref<32xf32, #tpu.memory_space<smem>>
    %mul3A_432 = vector.broadcast %get3A_431 : f32 to vector<784x128xf32>
    %mul3A_433 = arith.mulf %max3A_429, %mul3A_432 : vector<784x128xf32>
    %add3A_434 = arith.addf %add3A_418, %mul3A_433 : vector<784x128xf32>
    %get3A_435 = arith.constant 25 : index
    %get3A_436 = memref.load %arg3[%get3A_435] : memref<32xf32, #tpu.memory_space<smem>>
    %mul3A_437 = vector.broadcast %get3A_436 : f32 to vector<784x128xf32>
    %mul3A_438 = arith.mulf %mul3A, %mul3A_437 : vector<784x128xf32>
    %get3A_439 = arith.constant 25 : index
    %get3A_440 = memref.load %arg4[%get3A_439] : memref<32xf32, #tpu.memory_space<smem>>
    %add3A_441 = vector.broadcast %get3A_440 : f32 to vector<784x128xf32>
    %add3A_442 = arith.addf %mul3A_438, %add3A_441 : vector<784x128xf32>
    %max3A_443 = arith.constant 0.000000e+00 : f32
    %max3A_444 = vector.broadcast %max3A_443 : f32 to vector<784x128xf32>
    %max3A_445 = arith.maximumf %add3A_442, %max3A_444 : vector<784x128xf32>
    %get3A_446 = arith.constant 25 : index
    %get3A_447 = memref.load %arg5[%get3A_446] : memref<32xf32, #tpu.memory_space<smem>>
    %mul3A_448 = vector.broadcast %get3A_447 : f32 to vector<784x128xf32>
    %mul3A_449 = arith.mulf %max3A_445, %mul3A_448 : vector<784x128xf32>
    %add3A_450 = arith.addf %add3A_434, %mul3A_449 : vector<784x128xf32>
    %get3A_451 = arith.constant 26 : index
    %get3A_452 = memref.load %arg3[%get3A_451] : memref<32xf32, #tpu.memory_space<smem>>
    %mul3A_453 = vector.broadcast %get3A_452 : f32 to vector<784x128xf32>
    %mul3A_454 = arith.mulf %mul3A, %mul3A_453 : vector<784x128xf32>
    %get3A_455 = arith.constant 26 : index
    %get3A_456 = memref.load %arg4[%get3A_455] : memref<32xf32, #tpu.memory_space<smem>>
    %add3A_457 = vector.broadcast %get3A_456 : f32 to vector<784x128xf32>
    %add3A_458 = arith.addf %mul3A_454, %add3A_457 : vector<784x128xf32>
    %max3A_459 = arith.constant 0.000000e+00 : f32
    %max3A_460 = vector.broadcast %max3A_459 : f32 to vector<784x128xf32>
    %max3A_461 = arith.maximumf %add3A_458, %max3A_460 : vector<784x128xf32>
    %get3A_462 = arith.constant 26 : index
    %get3A_463 = memref.load %arg5[%get3A_462] : memref<32xf32, #tpu.memory_space<smem>>
    %mul3A_464 = vector.broadcast %get3A_463 : f32 to vector<784x128xf32>
    %mul3A_465 = arith.mulf %max3A_461, %mul3A_464 : vector<784x128xf32>
    %add3A_466 = arith.addf %add3A_450, %mul3A_465 : vector<784x128xf32>
    %get3A_467 = arith.constant 27 : index
    %get3A_468 = memref.load %arg3[%get3A_467] : memref<32xf32, #tpu.memory_space<smem>>
    %mul3A_469 = vector.broadcast %get3A_468 : f32 to vector<784x128xf32>
    %mul3A_470 = arith.mulf %mul3A, %mul3A_469 : vector<784x128xf32>
    %get3A_471 = arith.constant 27 : index
    %get3A_472 = memref.load %arg4[%get3A_471] : memref<32xf32, #tpu.memory_space<smem>>
    %add3A_473 = vector.broadcast %get3A_472 : f32 to vector<784x128xf32>
    %add3A_474 = arith.addf %mul3A_470, %add3A_473 : vector<784x128xf32>
    %max3A_475 = arith.constant 0.000000e+00 : f32
    %max3A_476 = vector.broadcast %max3A_475 : f32 to vector<784x128xf32>
    %max3A_477 = arith.maximumf %add3A_474, %max3A_476 : vector<784x128xf32>
    %get3A_478 = arith.constant 27 : index
    %get3A_479 = memref.load %arg5[%get3A_478] : memref<32xf32, #tpu.memory_space<smem>>
    %mul3A_480 = vector.broadcast %get3A_479 : f32 to vector<784x128xf32>
    %mul3A_481 = arith.mulf %max3A_477, %mul3A_480 : vector<784x128xf32>
    %add3A_482 = arith.addf %add3A_466, %mul3A_481 : vector<784x128xf32>
    %get3A_483 = arith.constant 28 : index
    %get3A_484 = memref.load %arg3[%get3A_483] : memref<32xf32, #tpu.memory_space<smem>>
    %mul3A_485 = vector.broadcast %get3A_484 : f32 to vector<784x128xf32>
    %mul3A_486 = arith.mulf %mul3A, %mul3A_485 : vector<784x128xf32>
    %get3A_487 = arith.constant 28 : index
    %get3A_488 = memref.load %arg4[%get3A_487] : memref<32xf32, #tpu.memory_space<smem>>
    %add3A_489 = vector.broadcast %get3A_488 : f32 to vector<784x128xf32>
    %add3A_490 = arith.addf %mul3A_486, %add3A_489 : vector<784x128xf32>
    %max3A_491 = arith.constant 0.000000e+00 : f32
    %max3A_492 = vector.broadcast %max3A_491 : f32 to vector<784x128xf32>
    %max3A_493 = arith.maximumf %add3A_490, %max3A_492 : vector<784x128xf32>
    %get3A_494 = arith.constant 28 : index
    %get3A_495 = memref.load %arg5[%get3A_494] : memref<32xf32, #tpu.memory_space<smem>>
    %mul3A_496 = vector.broadcast %get3A_495 : f32 to vector<784x128xf32>
    %mul3A_497 = arith.mulf %max3A_493, %mul3A_496 : vector<784x128xf32>
    %add3A_498 = arith.addf %add3A_482, %mul3A_497 : vector<784x128xf32>
    %get3A_499 = arith.constant 29 : index
    %get3A_500 = memref.load %arg3[%get3A_499] : memref<32xf32, #tpu.memory_space<smem>>
    %mul3A_501 = vector.broadcast %get3A_500 : f32 to vector<784x128xf32>
    %mul3A_502 = arith.mulf %mul3A, %mul3A_501 : vector<784x128xf32>
    %get3A_503 = arith.constant 29 : index
    %get3A_504 = memref.load %arg4[%get3A_503] : memref<32xf32, #tpu.memory_space<smem>>
    %add3A_505 = vector.broadcast %get3A_504 : f32 to vector<784x128xf32>
    %add3A_506 = arith.addf %mul3A_502, %add3A_505 : vector<784x128xf32>
    %max3A_507 = arith.constant 0.000000e+00 : f32
    %max3A_508 = vector.broadcast %max3A_507 : f32 to vector<784x128xf32>
    %max3A_509 = arith.maximumf %add3A_506, %max3A_508 : vector<784x128xf32>
    %get3A_510 = arith.constant 29 : index
    %get3A_511 = memref.load %arg5[%get3A_510] : memref<32xf32, #tpu.memory_space<smem>>
    %mul3A_512 = vector.broadcast %get3A_511 : f32 to vector<784x128xf32>
    %mul3A_513 = arith.mulf %max3A_509, %mul3A_512 : vector<784x128xf32>
    %add3A_514 = arith.addf %add3A_498, %mul3A_513 : vector<784x128xf32>
    %get3A_515 = arith.constant 30 : index
    %get3A_516 = memref.load %arg3[%get3A_515] : memref<32xf32, #tpu.memory_space<smem>>
    %mul3A_517 = vector.broadcast %get3A_516 : f32 to vector<784x128xf32>
    %mul3A_518 = arith.mulf %mul3A, %mul3A_517 : vector<784x128xf32>
    %get3A_519 = arith.constant 30 : index
    %get3A_520 = memref.load %arg4[%get3A_519] : memref<32xf32, #tpu.memory_space<smem>>
    %add3A_521 = vector.broadcast %get3A_520 : f32 to vector<784x128xf32>
    %add3A_522 = arith.addf %mul3A_518, %add3A_521 : vector<784x128xf32>
    %max3A_523 = arith.constant 0.000000e+00 : f32
    %max3A_524 = vector.broadcast %max3A_523 : f32 to vector<784x128xf32>
    %max3A_525 = arith.maximumf %add3A_522, %max3A_524 : vector<784x128xf32>
    %get3A_526 = arith.constant 30 : index
    %get3A_527 = memref.load %arg5[%get3A_526] : memref<32xf32, #tpu.memory_space<smem>>
    %mul3A_528 = vector.broadcast %get3A_527 : f32 to vector<784x128xf32>
    %mul3A_529 = arith.mulf %max3A_525, %mul3A_528 : vector<784x128xf32>
    %add3A_530 = arith.addf %add3A_514, %mul3A_529 : vector<784x128xf32>
    %get3A_531 = arith.constant 31 : index
    %get3A_532 = memref.load %arg3[%get3A_531] : memref<32xf32, #tpu.memory_space<smem>>
    %mul3A_533 = vector.broadcast %get3A_532 : f32 to vector<784x128xf32>
    %mul3A_534 = arith.mulf %mul3A, %mul3A_533 : vector<784x128xf32>
    %get3A_535 = arith.constant 31 : index
    %get3A_536 = memref.load %arg4[%get3A_535] : memref<32xf32, #tpu.memory_space<smem>>
    %add3A_537 = vector.broadcast %get3A_536 : f32 to vector<784x128xf32>
    %add3A_538 = arith.addf %mul3A_534, %add3A_537 : vector<784x128xf32>
    %max3A_539 = arith.constant 0.000000e+00 : f32
    %max3A_540 = vector.broadcast %max3A_539 : f32 to vector<784x128xf32>
    %max3A_541 = arith.maximumf %add3A_538, %max3A_540 : vector<784x128xf32>
    %get3A_542 = arith.constant 31 : index
    %get3A_543 = memref.load %arg5[%get3A_542] : memref<32xf32, #tpu.memory_space<smem>>
    %mul3A_544 = vector.broadcast %get3A_543 : f32 to vector<784x128xf32>
    %mul3A_545 = arith.mulf %max3A_541, %mul3A_544 : vector<784x128xf32>
    %add3A_546 = arith.addf %add3A_530, %mul3A_545 : vector<784x128xf32>
    %mul3A_547 = arith.mulf %select_n3A, %add3A_546 : vector<784x128xf32>
    %reduce_sum3A = vector.shape_cast %mul3A_547 : vector<784x128xf32> to vector<1x784x128xf32>
    %reduce_sum3A_548 = arith.constant dense<0.000000e+00> : vector<1xf32>
    %reduce_sum3A_549 = vector.multi_reduction <add>, %reduce_sum3A, %reduce_sum3A_548 [1, 2] : vector<1x784x128xf32> to vector<1xf32>
    %reduce_sum3A_550 = vector.shape_cast %reduce_sum3A_549 : vector<1xf32> to vector<1x1x1xf32>
    %reduce_sum3A_551 = vector.extract %reduce_sum3A_550[0, 0, 0] : f32 from vector<1x1x1xf32>
    %div3A = arith.constant 1.000000e+05 : f32
    %div3A_552 = arith.divf %reduce_sum3A_551, %div3A : f32
    %get3A_553 = arith.constant 0 : index
    %get3A_554 = memref.load %arg6[%get3A_553] : memref<1xf32, #tpu.memory_space<smem>>
    %add3A_555 = arith.addf %div3A_552, %get3A_554 : f32
    %swap3A = arith.constant 0 : index
    %swap3A_556 = arith.constant 0 : index
    %swap3A_557 = memref.load %arg7[%swap3A, %swap3A_556] : memref<1x1xf32, #tpu.memory_space<smem>>
    memref.store %add3A_555, %arg7[%swap3A, %swap3A_556] : memref<1x1xf32, #tpu.memory_space<smem>>
    return
  }
}

</mosaic_0001>

<sc_bundles>
// kernel: kernel.6.cloned.1.call-start
scs
__scs_entry_jumppad:
0x0: {  	(pc) =	sbr.rel $0x88, $3  }
0x1: {  	(tag) =	ssettag $0x0;
	lr =	simm.s32 $0x1  }
0x2: {  	[smem:$0x3F9B] =	sst lr;
	_ =	strace $0xD0000000  }
0x3: {  	_ = 	snop  }
0x4: {  	_ = 	snop  }
0x5: {  	_ = 	snop  }
0x6: {  	_ = 	snop  }
0x7: {  	_ = 	snop  }
__scs_overlays_trampoline_lowered:
0x8: {  	[smem:$0x3FAA] =	sst s0  }
0x9: {  	[smem:$0x3FAB] =	sst s1  }
0xa: {  	[smem:$0x3FAC] =	sst s2  }
0xb: {  	[smem:$0x3FAD] =	sst s3  }
0xc: {  	[smem:$0x3FAE] =	sst s4  }
0xd: {  	[smem:$0x3FAF] =	sst s5  }
0xe: {  	[smem:$0x3FB0] =	sst s6  }
0xf: {  	[smem:$0x3FB1] =	sst s7  }
0x10: {  	[smem:$0x3FB2] =	sst s8  }
0x11: {  	[smem:$0x3FB3] =	sst s9;
	s0 =	simm.s32 @!p0 $0x0  }
0x12: {  	s1 =	sld [smem:$0x3F99];
	s0 =	simm.s32 @p0 $0x1  }
0x13: {  	[smem:$0x3FB4] =	sst s0;
	s0 =	simm.s32 @!p1 $0x0  }
0x14: {  	s2 =	sld [smem:$0x3F98];
	s0 =	simm.s32 @p1 $0x1  }
0x15: {  	[smem:$0x3FB5] =	sst s0;
	s0 =	simm.s32 @!p2 $0x0  }
0x16: {  	s3 =	sld [smem:$0x3FDB];
	s0 =	simm.s32 @p2 $0x1  }
0x17: {  	s4 =	simm.s32 $0x1BF5;
	[smem:$0x3FB7] =	sst s0  }
0x18: {  	s0 =	sld [smem:$0x3F9A];
	_ =	swait.ge [sflag:s4], $0x0  }
0x19: {  	s7 =	sld [smem:$0x3F9B]  }
0x1a: {  	s8 =	sadd.s32 $0xFFFFE003, lr  }
0x1b: {  	s9 =	sadd.s32 $0xFFFFFEF7, lr;
	s5 =	simm.s32 $0xFFFFFFFF;
	p2 =	slt.u32 s8, $0xFFFFF086  }
0x1c: {  	p1 =	slt.u32 s9, $0xF7A;
	s5 =	simm.s32 @!p2 $0x0  }
0x1d: {  	s5 =	simm.s32 @p1 $0x1;
	p0 =	seq.s32 s7, s2  }
0x1e: {  	s7 =	smul.u32 @!p0 $0xF7A, s2;
	p2 =	seq.s32 @!p0 s5, $0x0  }
0x1f: {  	s9 =	smul.u32 $0xF7A, s1;
	s8 =	simm.s32 @!p0 $0x1BF5;
	p2 =	por !p2, p0  }
0x20: {  	[sflag:s8] =	ssyncset.s32 @!p0 $0xFFFFF086;
	s6 =	sadd.s32 @!p0 s3, s7;
	s7 =	simm.s32 @!p0 $0x108  }
0x21: {  	s3 =	sadd.s32 s3, s9;
	s6 =	sadd.s32 @!p0 $0x88, s6;
	s7 =	simm.s32 @p2 $0x1082  }
0x22: {  	[simem:s7], [sflag:s8] =	dma.local @!p0 [hbm:s6], $0xF7A  }
0x23: {  	s9 =	sor.u32 $0xD0000000, s2;
	s6 =	simm.s32 $0x108;
	_ =	swait.ge @!p0 [sflag:s8], $0x0  }
0x24: {  	s3 =	sadd.s32 $0x88, s3;
	s6 =	simm.s32 @!p1 $0x1082;
	[sflag:s4] =	ssyncset.s32 $0xFFFFF086  }
0x25: {  	[simem:s6], [sflag:s4] =	dma.local [hbm:s3], $0xF7A  }
0x26: {  	[smem:$0x3F9B] =	sst s1;
	(tag) =	ssettag s2;
	_ =	strace s9  }
0x27: {  	s1 =	sld [smem:$0x3FAB]  }
0x28: {  	s2 =	sld [smem:$0x3FAC]  }
0x29: {  	s4 =	sld [smem:$0x3FAE]  }
0x2a: {  	p0 =	seq.s32 s5, $0x0;
	s5 =	sld [smem:$0x3FAF]  }
0x2b: {  	s6 =	sld [smem:$0x3FB0]  }
0x2c: {  	s7 =	sld [smem:$0x3FB1]  }
0x2d: {  	s3 =	simm.s32 $0x108;
	s8 =	sld [smem:$0x3FB2]  }
0x2e: {  	s3 =	simm.s32 @!p0 $0x1082;
	s9 =	sld [smem:$0x3FB3]  }
0x2f: {  	lr =	sadd.s32 s0, s3;
	s0 =	sld [smem:$0x3FAA]  }
0x30: {  	s3 =	sld [smem:$0x3FAD]  }
0x31: {  	[smem:$0x3FB6] =	sst s10  }
0x32: {  	s10 =	sld [smem:$0x3FB4];
	_ =	sdelay $0x3  }
0x33: {  	p0 =	seq.s32 s10, $0x1;
	s10 =	sld [smem:$0x3FB6];
	_ =	sdelay $0x3  }
0x34: {  	[smem:$0x3FB6] =	sst s10  }
0x35: {  	s10 =	sld [smem:$0x3FB5];
	_ =	sdelay $0x3  }
0x36: {  	p1 =	seq.s32 s10, $0x1;
	s10 =	sld [smem:$0x3FB6];
	_ =	sdelay $0x3  }
0x37: {  	[smem:$0x3FB6] =	sst s10  }
0x38: {  	s10 =	sld [smem:$0x3FB7]  }
0x39: {  	_ = 	snop;
	(pc) =	sbr.ind lr, $3  }
0x3a: {  	_ = 	snop  }
0x3b: {  	_ = 	snop  }
0x3c: {  	p2 =	seq.s32 s10, $0x1;
	s10 =	sld [smem:$0x3FB6]  }
0x3d: {  	_ =	shalt  }
0x3e: {  	_ =	shalt  }
0x3f: {  	_ =	shalt  }
0x40: {  	_ =	shalt  }
0x41: {  	_ =	shalt  }
0x42: {  	_ =	shalt  }
0x43: {  	_ =	shalt  }
0x44: {  	_ =	shalt  }
0x45: {  	_ =	shalt  }
0x46: {  	_ =	shalt  }
0x47: {  	_ =	shalt  }
0x48: {  	_ =	shalt  }
0x49: {  	_ =	shalt  }
0x4a: {  	_ =	shalt  }
0x4b: {  	_ =	shalt  }
0x4c: {  	_ =	shalt  }
0x4d: {  	_ =	shalt  }
0x4e: {  	_ =	shalt  }
0x4f: {  	_ =	shalt  }
0x50: {  	_ =	shalt  }
0x51: {  	_ =	shalt  }
0x52: {  	_ =	shalt  }
0x53: {  	_ =	shalt  }
0x54: {  	_ =	shalt  }
0x55: {  	_ =	shalt  }
0x56: {  	_ =	shalt  }
0x57: {  	_ =	shalt  }
0x58: {  	_ =	shalt  }
0x59: {  	_ =	shalt  }
0x5a: {  	_ =	shalt  }
0x5b: {  	_ =	shalt  }
0x5c: {  	_ =	shalt  }
0x5d: {  	_ =	shalt  }
0x5e: {  	_ =	shalt  }
0x5f: {  	_ =	shalt  }
0x60: {  	_ =	shalt  }
0x61: {  	_ =	shalt  }
0x62: {  	_ =	shalt  }
0x63: {  	_ =	shalt  }
0x64: {  	_ =	shalt  }
0x65: {  	_ =	shalt  }
0x66: {  	_ =	shalt  }
0x67: {  	_ =	shalt  }
0x68: {  	_ =	shalt  }
0x69: {  	_ =	shalt  }
0x6a: {  	_ =	shalt  }
0x6b: {  	_ =	shalt  }
0x6c: {  	_ =	shalt  }
0x6d: {  	_ =	shalt  }
0x6e: {  	_ =	shalt  }
0x6f: {  	_ =	shalt  }
0x70: {  	_ =	shalt  }
0x71: {  	_ =	shalt  }
0x72: {  	_ =	shalt  }
0x73: {  	_ =	shalt  }
0x74: {  	_ =	shalt  }
0x75: {  	_ =	shalt  }
0x76: {  	_ =	shalt  }
0x77: {  	_ =	shalt  }
0x78: {  	_ =	shalt  }
0x79: {  	_ =	shalt  }
0x7a: {  	_ =	shalt  }
0x7b: {  	_ =	shalt  }
0x7c: {  	_ =	shalt  }
0x7d: {  	_ =	shalt  }
0x7e: {  	_ =	shalt  }
0x7f: {  	_ =	shalt  }
0x80: {  	_ =	shalt  }
0x81: {  	_ =	shalt  }
0x82: {  	_ =	shalt  }
0x83: {  	_ =	shalt  }
0x84: {  	_ =	shalt  }
0x85: {  	_ =	shalt  }
0x86: {  	_ =	shalt  }
0x87: {  	_ =	shalt  }
.Lfunc_end0:
.L_simem_size_0:
called_computation_lowered:
.L_overlay_start_0:
0x88: {  	s2 =	sld [smem:$0x3FD9]  }
0x89: {  	s3 =	sld [smem:$0x3FFE];
	_ =	sdelay $0x1  }
0x8a: {  	s1 =	srdreg.scid  }
0x8b: {  	s0 =	sand.u32 $0x1, s1  }
0x8c: {  	s16 =	sshll.u32 s0, $0xA;
	s2 =	sadd.s32 s3, s2  }
0x8d: {  	s2 =	sadd.s32 s2, s16  }
0x8e: {  	[smem:$0x3FC2] =	sst s2  }
0x8f: {  	_ = 	snop  }
0x90: {  	(tm) =	ssettm $0x1  }
0x91: {  	s17 =	sld [smem:$0x3FFB];
	_ =	sdelay $0x3  }
0x92: {  	_ =	strace s17  }
0x93: {  	s2 =	sld [smem:$0x3FFC];
	_ =	sdelay $0x3  }
0x94: {  	_ =	strace s2  }
0x95: {  	s2 =	sld [smem:$0x3FFD];
	_ =	sdelay $0x3  }
0x96: {  	_ =	strace s2  }
0x97: {  	_ =	strace $0x8FFFFFFF  }
0x98: {  	s18 =	sld [smem:$0x3FDB];
	_ =	sdelay $0x1  }
0x99: {  	s19 =	simm.s32 $_scs_section_size  }
0x9a: {  	s4 =	simm.s32 $_size__tile_overlayer_lowered;
	s5 =	simm.s32 $_tile_overlayer_lowered  }
0x9b: {  	s22 =	simm.s32 $0x1BFF;
	s21 =	sshll.u32 s5, $0x1;
	s2 =	sadd.s32 s19, s18  }
0x9c: {  	s6 =	simm.s32 $0x0;
	s20 =	sshll.u32 s4, $0x1;
	s4 =	sadd.s32 s21, s2  }
0x9d: {  	[timem:s6], [sflag:s22] =	dma.local [hbm:s4], s20  }
0x9e: {  	_ =	swait.ge [sflag:s22], s20  }
0x9f: {  	s3 =	ssub.s32 $0x0, s20;
	[sflag:s22] =	ssyncset.done $0x0  }
0xa0: {  	[sflag:s22] =	ssyncadd.s32 s3;
	_ =	sdelay $0x1  }
0xa1: {  	s23 =	simm.s32 $0x1B8B  }
0xa2: {  	_ =	swait.ge [sflag:s23], $0x1  }
0xa3: {  	[sflag:s23] =	ssyncset.done $0x0  }
0xa4: {  	s25 =	simm.s32 $0x1B8E;
	s24 =	sld [smem:$0x3FFE];
	[sflag:s23] =	ssyncadd.s32 $0xFFFFFFFF  }
0xa5: {  	s26 =	simm.s32 $execute0_lowered;
	[smem:$0x3FD2] =	sst s25  }
0xa6: {  	s4 =	sshll.u32 s26, $0x1;
	_ =	strace $0x80000046;
	[dreg:$0x1] =	wrdreg $0xFFFFFFFF  }
0xa7: {  	s28 =	simm.s32 $_size_execute0_lowered;
	s2 =	sadd.s32 s2, s4;
	[dreg:$0x0] =	wrdreg $0x0  }
0xa8: {  	s4 =	sshll.u32 s28, $0x1;
	[dreg:$0x2] =	wrdreg s2  }
0xa9: {  	[dreg:$0x3] =	wrdreg s4  }
0xaa: {  	[dreg:$0x4] =	wrdreg $0xC0  }
0xab: {  	_ =	task [dreg:s6], $0x5FFFF  }
0xac: {  	[dreg:$0x1] =	wrdreg $0xFFFFFFFF  }
0xad: {  	[dreg:$0x0] =	wrdreg $0x60  }
0xae: {  	[dreg:$0x2] =	wrdreg s24  }
0xaf: {  	[dreg:$0x3] =	wrdreg $0x21000  }
0xb0: {  	[dreg:$0x4] =	wrdreg $0x39800  }
0xb1: {  	[dreg:$0x5] =	wrdreg $0x9  }
0xb2: {  	_ =	task.clear_ibuf [dreg:s6], $0x6FFFF;
	_ =	strace $0x90000046  }
0xb3: {  	s29 =	simm.s32 $0x9;
	_ =	strace $0x80000048  }
0xb4: {  	_ =	swait.ge [sflag:s29], $0x1  }
0xb5: {  	[sflag:s29] =	ssyncadd.s32 $0xFFFFFFFF  }
0xb6: {  	_ =	strace $0x90000048  }
0xb7: {  	_ =	sfence  }
0xb8: {  	s30 =	sld [smem:$0x0];
	_ =	sdelay $0x2  }
0xb9: {  	s31 =	sshll.u32 s1, $0xD;
	s1 =	sshrl.u32 s1, $0x2  }
0xba: {  	s3 =	sand.u32 $0x4000, s31;
	s1 =	sadd.s32 s1, s30  }
0xbb: {  	s0 =	sor.u32 s3, s0;
	s1 =	sshll.u32 s1, $0x11  }
0xbc: {  	s0 =	sor.u32 s1, s0  }
0xbd: {  	s0 =	sadd.s32 $0x8F2B, s0  }
0xbe: {  	[sflag:s0] =	ssyncadd.remote.s32 $0x1  }
0xbf: {  	_ =	sfence.sel $0xFFFF  }
0xc0: {  	[dreg:$0x0] =	wrdreg $0xFFFFFFFF;
	(pc) =	sbr.abs _section_cstart, $3  }
0xc1: {  	[dreg:$0x1] =	wrdreg $0xFFFFFFFF  }
0xc2: {  	_ =	task.clear_ibuf [dreg:s6], $0x2FFFF;
	_ =	strace $0x9FFFFFFF  }
0xc3: {  	(tm) =	ssettm $0x7FFFFFFF  }
tec
execute0_lowered:
.L_overlay_start_1:
0x0: {  	(tag) =	ssettag $0x1  }
0x1: {  	s0 =	rddreg [dreg:$0x0]  }
0x2: {  	s1 =	srdreg.scid;
	s2 =	rddreg [dreg:$0x1]  }
0x3: {  	s7 =	stileid.u32;
	s3 =	rddreg [dreg:$0x2]  }
0x4: {  	s4 =	simm.s32 $0x0;
	s11 =	simm.s32 $0x3;
	s12 =	simm.s32 $0x400  }
0x5: {  	s13 =	simm.s32 $0x80;
	s14 =	simm.s32 $0x480;
	s15 =	simm.s32 $0x100  }
0x6: {  	s16 =	simm.s32 $0x500;
	s17 =	simm.s32 $0x180;
	s18 =	simm.s32 $0x580  }
0x7: {  	s19 =	simm.s32 $0x200;
	s20 =	simm.s32 $0x600;
	s6 =	smul.u32 $0xC400, s7  }
0x8: {  	s21 =	simm.s32 $0x280;
	s1 =	sand.u32 $0x1, s1;
	s7 =	smul.u32 $0x1880, s7  }
0x9: {  	s22 =	simm.s32 $0x680;
	s28 =	simm.s32 $0x1;
	s5 =	smul.u32 $0xC4000, s1  }
0xa: {  	s29 =	simm.s32 $0x800;
	[smem:$0x7FF] =	sst s4;
	s8 =	smul.u32 $0x18800, s1  }
0xb: {  	s30 =	simm.s32 $0x2;
	s31 =	simm.s32 $0x0;
	_ =	strace $0x80000047  }
0xc: {  	s1 =	ssub.s32 $0x2, s1;
	s5 =	sadd.s32 s6, s5;
	s23 =	sadd.s32 s7, s8  }
0xd: {  	s24 =	sshrl.u32 s1, $0x1;
	s5 =	sshrl.u32 s5, $0x3;
	s6 =	sshrl.u32 s23, $0x3  }
0xe: {  	s1 =	ssub.s32 s1, s24;
	s9 =	sadd.s32 s5, s0;
	s0 =	sadd.s32 s6, s0  }
0xf: {  	s24 =	simm.s32 $0x700;
	s23 =	simm.s32 $0x300;
	s26 =	sadd.s32 $0x62E00, s0  }
0x10: {  	s5 =	sadd.s32 s7, s2;
	s25 =	sadd.s32 $0xE00, s9;
	[dreg:$0x6] =	wrdreg s26  }
0x11: {  	s6 =	sadd.s32 s7, s3;
	s0 =	sadd.s32 $0x69000, s0;
	[dreg:$0x4] =	wrdreg s25  }
0x12: {  	s10 =	sadd.s32 $0x31E00, s9;
	s9 =	smax.u32 s1, $0x1;
	[dreg:$0x7] =	wrdreg s0  }
0x13: {  	v0 =	vimm.f32 $1.000000000e+00;
	v1 =	vimm.f32 $0.0e+00;
	[dreg:$0x5] =	wrdreg s10;
	s25 =	simm.s32 $0x380;
	s26 =	simm.s32 $0x780  }
.LBB2_1:
0x14: {  	[tilespmem:$0x800] =	vst v0  }
0x15: {  	[tilespmem:$0x810] =	vst v0  }
0x16: {  	[tilespmem:$0x820] =	vst v0  }
0x17: {  	[tilespmem:$0x830] =	vst v0  }
0x18: {  	[tilespmem:$0x840] =	vst v0  }
0x19: {  	[tilespmem:$0x850] =	vst v0  }
0x1a: {  	[tilespmem:$0x860] =	vst v0  }
0x1b: {  	[tilespmem:$0x870] =	vst v0;
	s0 =	simm.s32 $0x40;
	s1 =	simm.s32 $0x0  }
.LBB2_2:
0x1c: {  	p0 =	sne.s32 s0, $0x61C0;
	[tilespmem:s1+$0x880] =	vst v1;
	s1 =	smov.u32 s0;
	s0 =	sadd.s32 $0x40, s0  }
.Ltmp0:
0x1d: {  	(pc) =	sbr.rel @p0 .LBB2_2-.Ltmp0, $2  }
0x1e: {  	_ =	sdelay $0x2  }
0x1f: {  	s1 =	sshra.s32 s1, $0x2  }
0x20: {  	[tilespmem:s1+$0x880] =	vst v1;
	s0 =	simm.s32 $0x880  }
0x21: {  	[spmem:s5] =	stream.linear.scatter [tilespmem:s0], [sflag:$0x3], $0x1880, $0x38;
	[tilespmem:$0x5200] =	vst v63  }
0x22: {  	_ =	swait.ge [sflag:s11], $0x1880  }
0x23: {  	[sflag:s11] =	ssyncset.done $0x0  }
0x24: {  	[sflag:s11] =	ssyncadd.s32 $0xFFFFE780  }
0x25: {  	[spmem:s6] =	stream.linear.scatter [tilespmem:s0], [sflag:$0x3], $0x1880, $0x38;
	[tilespmem:$0x5200] =	vst v63  }
0x26: {  	_ =	swait.ge [sflag:s11], $0x1880  }
0x27: {  	[sflag:s11] =	ssyncset.done $0x0  }
0x28: {  	[sflag:s11] =	ssyncadd.s32 $0xFFFFE780  }
0x29: {  	[bflag:$0x0] =	sbarrier.arrive $0xFFFF  }
0x2a: {  	s1 =	rddreg [dreg:$0x4]  }
0x2b: {  	s7 =	rddreg [dreg:$0x5];
	s0 =	sadd.s32 $0x0, s1  }
0x2c: {  	[tilespmem:s4], [sflag:$0x1] =	stream.linear.gather [hbm4b:s0+s4], $0x80, $0x38;
	[tilespmem:$0x5200] =	vst v63  }
0x2d: {  	s1 =	sadd.s32 $0x0, s7  }
0x2e: {  	[tilespmem:s12], [sflag:$0x1] =	stream.linear.gather [hbm4b:s1+s4], $0x80, $0x38;
	[tilespmem:$0x5200] =	vst v63  }
0x2f: {  	s10 =	sadd.s32 $0x10, s0  }
0x30: {  	[tilespmem:s13], [sflag:$0x1] =	stream.linear.gather [hbm4b:s10+s4], $0x80, $0x38;
	[tilespmem:$0x5200] =	vst v63  }
0x31: {  	s8 =	sadd.s32 $0x10, s1  }
0x32: {  	[tilespmem:s14], [sflag:$0x1] =	stream.linear.gather [hbm4b:s8+s4], $0x80, $0x38;
	[tilespmem:$0x5200] =	vst v63  }
0x33: {  	s7 =	sadd.s32 $0x20, s0  }
0x34: {  	[tilespmem:s15], [sflag:$0x1] =	stream.linear.gather [hbm4b:s7+s4], $0x80, $0x38;
	[tilespmem:$0x5200] =	vst v63  }
0x35: {  	s8 =	sadd.s32 $0x20, s1  }
0x36: {  	[tilespmem:s16], [sflag:$0x1] =	stream.linear.gather [hbm4b:s8+s4], $0x80, $0x38;
	[tilespmem:$0x5200] =	vst v63  }
0x37: {  	s7 =	sadd.s32 $0x30, s0  }
0x38: {  	[tilespmem:s17], [sflag:$0x1] =	stream.linear.gather [hbm4b:s7+s4], $0x80, $0x38;
	[tilespmem:$0x5200] =	vst v63  }
0x39: {  	s8 =	sadd.s32 $0x30, s1  }
0x3a: {  	[tilespmem:s18], [sflag:$0x1] =	stream.linear.gather [hbm4b:s8+s4], $0x80, $0x38;
	[tilespmem:$0x5200] =	vst v63  }
0x3b: {  	s7 =	sadd.s32 $0x40, s0  }
0x3c: {  	[tilespmem:s19], [sflag:$0x1] =	stream.linear.gather [hbm4b:s7+s4], $0x80, $0x38;
	[tilespmem:$0x5200] =	vst v63  }
0x3d: {  	s8 =	sadd.s32 $0x40, s1  }
0x3e: {  	[tilespmem:s20], [sflag:$0x1] =	stream.linear.gather [hbm4b:s8+s4], $0x80, $0x38;
	[tilespmem:$0x5200] =	vst v63  }
0x3f: {  	s7 =	sadd.s32 $0x50, s0  }
0x40: {  	[tilespmem:s21], [sflag:$0x1] =	stream.linear.gather [hbm4b:s7+s4], $0x80, $0x38;
	[tilespmem:$0x5200] =	vst v63  }
0x41: {  	s8 =	sadd.s32 $0x50, s1  }
0x42: {  	[tilespmem:s22], [sflag:$0x1] =	stream.linear.gather [hbm4b:s8+s4], $0x80, $0x38;
	[tilespmem:$0x5200] =	vst v63  }
0x43: {  	s7 =	sadd.s32 $0x60, s0  }
0x44: {  	[tilespmem:s23], [sflag:$0x1] =	stream.linear.gather [hbm4b:s7+s4], $0x80, $0x38;
	[tilespmem:$0x5200] =	vst v63  }
0x45: {  	s8 =	sadd.s32 $0x60, s1  }
0x46: {  	[tilespmem:s24], [sflag:$0x1] =	stream.linear.gather [hbm4b:s8+s4], $0x80, $0x38;
	[tilespmem:$0x5200] =	vst v63  }
0x47: {  	s0 =	sadd.s32 $0x70, s0  }
0x48: {  	[tilespmem:s25], [sflag:$0x1] =	stream.linear.gather [hbm4b:s0+s4], $0x80, $0x38;
	[tilespmem:$0x5200] =	vst v63  }
0x49: {  	s10 =	sadd.s32 $0x70, s1  }
0x4a: {  	[tilespmem:s26], [sflag:$0x1] =	stream.linear.gather [hbm4b:s10+s4], $0x80, $0x38;
	[tilespmem:$0x5200] =	vst v63  }
0x4b: {  	_ =	swait.ge [sflag:s28], $0x80  }
0x4c: {  	[sflag:s28] =	ssyncset.done $0x0  }
0x4d: {  	[sflag:s28] =	ssyncadd.s32 $0xFFFFFF80  }
0x4e: {  	_ =	swait.ge [sflag:s28], $0x80  }
0x4f: {  	[sflag:s28] =	ssyncset.done $0x0  }
0x50: {  	[sflag:s28] =	ssyncadd.s32 $0xFFFFFF80  }
0x51: {  	_ =	swait.ge [sflag:s28], $0x80  }
0x52: {  	[sflag:s28] =	ssyncset.done $0x0  }
0x53: {  	[sflag:s28] =	ssyncadd.s32 $0xFFFFFF80  }
0x54: {  	_ =	swait.ge [sflag:s28], $0x80  }
0x55: {  	[sflag:s28] =	ssyncset.done $0x0  }
0x56: {  	[sflag:s28] =	ssyncadd.s32 $0xFFFFFF80  }
0x57: {  	_ =	swait.ge [sflag:s28], $0x80  }
0x58: {  	[sflag:s28] =	ssyncset.done $0x0  }
0x59: {  	[sflag:s28] =	ssyncadd.s32 $0xFFFFFF80  }
0x5a: {  	_ =	swait.ge [sflag:s28], $0x80  }
0x5b: {  	[sflag:s28] =	ssyncset.done $0x0  }
0x5c: {  	[sflag:s28] =	ssyncadd.s32 $0xFFFFFF80  }
0x5d: {  	_ =	swait.ge [sflag:s28], $0x80  }
0x5e: {  	[sflag:s28] =	ssyncset.done $0x0  }
0x5f: {  	[sflag:s28] =	ssyncadd.s32 $0xFFFFFF80  }
0x60: {  	_ =	swait.ge [sflag:s28], $0x80  }
0x61: {  	[sflag:s28] =	ssyncset.done $0x0  }
0x62: {  	[sflag:s28] =	ssyncadd.s32 $0xFFFFFF80  }
0x63: {  	_ =	swait.ge [sflag:s28], $0x80  }
0x64: {  	[sflag:s28] =	ssyncset.done $0x0  }
0x65: {  	[sflag:s28] =	ssyncadd.s32 $0xFFFFFF80  }
0x66: {  	_ =	swait.ge [sflag:s28], $0x80  }
0x67: {  	[sflag:s28] =	ssyncset.done $0x0  }
0x68: {  	[sflag:s28] =	ssyncadd.s32 $0xFFFFFF80  }
0x69: {  	_ =	swait.ge [sflag:s28], $0x80  }
0x6a: {  	[sflag:s28] =	ssyncset.done $0x0  }
0x6b: {  	[sflag:s28] =	ssyncadd.s32 $0xFFFFFF80  }
0x6c: {  	_ =	swait.ge [sflag:s28], $0x80  }
0x6d: {  	[sflag:s28] =	ssyncset.done $0x0  }
0x6e: {  	[sflag:s28] =	ssyncadd.s32 $0xFFFFFF80  }
0x6f: {  	_ =	swait.ge [sflag:s28], $0x80  }
0x70: {  	[sflag:s28] =	ssyncset.done $0x0  }
0x71: {  	[sflag:s28] =	ssyncadd.s32 $0xFFFFFF80  }
0x72: {  	_ =	swait.ge [sflag:s28], $0x80  }
0x73: {  	[sflag:s28] =	ssyncset.done $0x0  }
0x74: {  	[sflag:s28] =	ssyncadd.s32 $0xFFFFFF80  }
0x75: {  	_ =	swait.ge [sflag:s28], $0x80  }
0x76: {  	[sflag:s28] =	ssyncset.done $0x0  }
0x77: {  	[sflag:s28] =	ssyncadd.s32 $0xFFFFFF80  }
0x78: {  	_ =	swait.ge [sflag:s28], $0x80  }
0x79: {  	[sflag:s28] =	ssyncset.done $0x0  }
0x7a: {  	[sflag:s28] =	ssyncadd.s32 $0xFFFFFF80  }
0x7b: {  	[spmem:s2] =	stream.indirect.scatter.add.f32 [tilespmem:s29], [sflag:$0x2], $0x1, s4, s13, $0xb8;
	[tilespmem:$0x5200] =	vst v63  }
0x7c: {  	_ = 	snop  }
0x7d: {  	[spmem:s3] =	stream.indirect.scatter.add.f32 [tilespmem:s29], [sflag:$0x2], $0x1, s12, s13, $0xb8;
	[tilespmem:$0x5200] =	vst v63  }
0x7e: {  	_ = 	snop  }
0x7f: {  	[spmem:s2] =	stream.indirect.scatter.add.f32 [tilespmem:s29], [sflag:$0x2], $0x1, s13, s13, $0xb8;
	[tilespmem:$0x5200] =	vst v63  }
0x80: {  	_ = 	snop  }
0x81: {  	[spmem:s3] =	stream.indirect.scatter.add.f32 [tilespmem:s29], [sflag:$0x2], $0x1, s14, s13, $0xb8;
	[tilespmem:$0x5200] =	vst v63  }
0x82: {  	_ = 	snop  }
0x83: {  	[spmem:s2] =	stream.indirect.scatter.add.f32 [tilespmem:s29], [sflag:$0x2], $0x1, s15, s13, $0xb8;
	[tilespmem:$0x5200] =	vst v63  }
0x84: {  	_ = 	snop  }
0x85: {  	[spmem:s3] =	stream.indirect.scatter.add.f32 [tilespmem:s29], [sflag:$0x2], $0x1, s16, s13, $0xb8;
	[tilespmem:$0x5200] =	vst v63  }
0x86: {  	_ = 	snop  }
0x87: {  	[spmem:s2] =	stream.indirect.scatter.add.f32 [tilespmem:s29], [sflag:$0x2], $0x1, s17, s13, $0xb8;
	[tilespmem:$0x5200] =	vst v63  }
0x88: {  	_ = 	snop  }
0x89: {  	[spmem:s3] =	stream.indirect.scatter.add.f32 [tilespmem:s29], [sflag:$0x2], $0x1, s18, s13, $0xb8;
	[tilespmem:$0x5200] =	vst v63  }
0x8a: {  	_ = 	snop  }
0x8b: {  	[spmem:s2] =	stream.indirect.scatter.add.f32 [tilespmem:s29], [sflag:$0x2], $0x1, s19, s13, $0xb8;
	[tilespmem:$0x5200] =	vst v63  }
0x8c: {  	_ = 	snop  }
0x8d: {  	[spmem:s3] =	stream.indirect.scatter.add.f32 [tilespmem:s29], [sflag:$0x2], $0x1, s20, s13, $0xb8;
	[tilespmem:$0x5200] =	vst v63  }
0x8e: {  	_ = 	snop  }
0x8f: {  	[spmem:s2] =	stream.indirect.scatter.add.f32 [tilespmem:s29], [sflag:$0x2], $0x1, s21, s13, $0xb8;
	[tilespmem:$0x5200] =	vst v63  }
0x90: {  	_ = 	snop  }
0x91: {  	[spmem:s3] =	stream.indirect.scatter.add.f32 [tilespmem:s29], [sflag:$0x2], $0x1, s22, s13, $0xb8;
	[tilespmem:$0x5200] =	vst v63  }
0x92: {  	_ = 	snop  }
0x93: {  	[spmem:s2] =	stream.indirect.scatter.add.f32 [tilespmem:s29], [sflag:$0x2], $0x1, s23, s13, $0xb8;
	[tilespmem:$0x5200] =	vst v63  }
0x94: {  	_ = 	snop  }
0x95: {  	[spmem:s3] =	stream.indirect.scatter.add.f32 [tilespmem:s29], [sflag:$0x2], $0x1, s24, s13, $0xb8;
	[tilespmem:$0x5200] =	vst v63  }
0x96: {  	_ = 	snop  }
0x97: {  	[spmem:s2] =	stream.indirect.scatter.add.f32 [tilespmem:s29], [sflag:$0x2], $0x1, s25, s13, $0xb8;
	[tilespmem:$0x5200] =	vst v63  }
0x98: {  	_ = 	snop  }
0x99: {  	[spmem:s3] =	stream.indirect.scatter.add.f32 [tilespmem:s29], [sflag:$0x2], $0x1, s26, s13, $0xb8;
	[tilespmem:$0x5200] =	vst v63  }
0x9a: {  	_ =	swait.ge [sflag:s30], $0x80  }
0x9b: {  	[sflag:s30] =	ssyncset.done $0x0  }
0x9c: {  	[sflag:s30] =	ssyncadd.s32 $0xFFFFFF80  }
0x9d: {  	_ =	swait.ge [sflag:s30], $0x80  }
0x9e: {  	[sflag:s30] =	ssyncset.done $0x0  }
0x9f: {  	[sflag:s30] =	ssyncadd.s32 $0xFFFFFF80  }
0xa0: {  	_ =	swait.ge [sflag:s30], $0x80  }
0xa1: {  	[sflag:s30] =	ssyncset.done $0x0  }
0xa2: {  	[sflag:s30] =	ssyncadd.s32 $0xFFFFFF80  }
0xa3: {  	_ =	swait.ge [sflag:s30], $0x80  }
0xa4: {  	[sflag:s30] =	ssyncset.done $0x0  }
0xa5: {  	[sflag:s30] =	ssyncadd.s32 $0xFFFFFF80  }
0xa6: {  	_ =	swait.ge [sflag:s30], $0x80  }
0xa7: {  	[sflag:s30] =	ssyncset.done $0x0  }
0xa8: {  	[sflag:s30] =	ssyncadd.s32 $0xFFFFFF80  }
0xa9: {  	_ =	swait.ge [sflag:s30], $0x80  }
0xaa: {  	[sflag:s30] =	ssyncset.done $0x0  }
0xab: {  	[sflag:s30] =	ssyncadd.s32 $0xFFFFFF80  }
0xac: {  	_ =	swait.ge [sflag:s30], $0x80  }
0xad: {  	[sflag:s30] =	ssyncset.done $0x0  }
0xae: {  	[sflag:s30] =	ssyncadd.s32 $0xFFFFFF80  }
0xaf: {  	_ =	swait.ge [sflag:s30], $0x80  }
0xb0: {  	[sflag:s30] =	ssyncset.done $0x0  }
0xb1: {  	[sflag:s30] =	ssyncadd.s32 $0xFFFFFF80  }
0xb2: {  	_ =	swait.ge [sflag:s30], $0x80  }
0xb3: {  	[sflag:s30] =	ssyncset.done $0x0  }
0xb4: {  	[sflag:s30] =	ssyncadd.s32 $0xFFFFFF80  }
0xb5: {  	_ =	swait.ge [sflag:s30], $0x80  }
0xb6: {  	[sflag:s30] =	ssyncset.done $0x0  }
0xb7: {  	[sflag:s30] =	ssyncadd.s32 $0xFFFFFF80  }
0xb8: {  	_ =	swait.ge [sflag:s30], $0x80  }
0xb9: {  	[sflag:s30] =	ssyncset.done $0x0  }
0xba: {  	[sflag:s30] =	ssyncadd.s32 $0xFFFFFF80  }
0xbb: {  	_ =	swait.ge [sflag:s30], $0x80  }
0xbc: {  	[sflag:s30] =	ssyncset.done $0x0  }
0xbd: {  	[sflag:s30] =	ssyncadd.s32 $0xFFFFFF80  }
0xbe: {  	_ =	swait.ge [sflag:s30], $0x80  }
0xbf: {  	[sflag:s30] =	ssyncset.done $0x0  }
0xc0: {  	[sflag:s30] =	ssyncadd.s32 $0xFFFFFF80  }
0xc1: {  	_ =	swait.ge [sflag:s30], $0x80  }
0xc2: {  	[sflag:s30] =	ssyncset.done $0x0  }
0xc3: {  	[sflag:s30] =	ssyncadd.s32 $0xFFFFFF80  }
0xc4: {  	_ =	swait.ge [sflag:s30], $0x80  }
0xc5: {  	[sflag:s30] =	ssyncset.done $0x0  }
0xc6: {  	[sflag:s30] =	ssyncadd.s32 $0xFFFFFF80  }
0xc7: {  	s1 =	simm.s32 $0x80;
	_ =	swait.ge [sflag:s30], $0x80  }
0xc8: {  	s0 =	simm.s32 $0x100;
	s10 =	rddreg [dreg:$0x4];
	[sflag:s30] =	ssyncset.done $0x0  }
.LBB2_4:
0xc9: {  	[sflag:s30] =	ssyncadd.s32 $0xFFFFFF80;
	s8 =	rddreg [dreg:$0x5];
	s10 =	sadd.s32 s1, s10  }
0xca: {  	[tilespmem:s4], [sflag:$0x1] =	stream.linear.gather [hbm4b:s10+s4], $0x80, $0x38;
	[tilespmem:$0x5200] =	vst v63  }
0xcb: {  	s7 =	smov.u32 s0;
	s8 =	sadd.s32 s1, s8  }
0xcc: {  	[tilespmem:s12], [sflag:$0x1] =	stream.linear.gather [hbm4b:s8+s4], $0x80, $0x38;
	[tilespmem:$0x5200] =	vst v63  }
0xcd: {  	s1 =	smov.u32 s7;
	s7 =	sadd.s32 $0x10, s10  }
0xce: {  	[tilespmem:s13], [sflag:$0x1] =	stream.linear.gather [hbm4b:s7+s4], $0x80, $0x38;
	[tilespmem:$0x5200] =	vst v63  }
0xcf: {  	s7 =	sadd.s32 $0x10, s8  }
0xd0: {  	[tilespmem:s14], [sflag:$0x1] =	stream.linear.gather [hbm4b:s7+s4], $0x80, $0x38;
	[tilespmem:$0x5200] =	vst v63  }
0xd1: {  	s7 =	sadd.s32 $0x20, s10  }
0xd2: {  	[tilespmem:s15], [sflag:$0x1] =	stream.linear.gather [hbm4b:s7+s4], $0x80, $0x38;
	[tilespmem:$0x5200] =	vst v63  }
0xd3: {  	s7 =	sadd.s32 $0x20, s8  }
0xd4: {  	[tilespmem:s16], [sflag:$0x1] =	stream.linear.gather [hbm4b:s7+s4], $0x80, $0x38;
	[tilespmem:$0x5200] =	vst v63  }
0xd5: {  	s7 =	sadd.s32 $0x30, s10  }
0xd6: {  	[tilespmem:s17], [sflag:$0x1] =	stream.linear.gather [hbm4b:s7+s4], $0x80, $0x38;
	[tilespmem:$0x5200] =	vst v63  }
0xd7: {  	s7 =	sadd.s32 $0x30, s8  }
0xd8: {  	[tilespmem:s18], [sflag:$0x1] =	stream.linear.gather [hbm4b:s7+s4], $0x80, $0x38;
	[tilespmem:$0x5200] =	vst v63  }
0xd9: {  	s7 =	sadd.s32 $0x40, s10  }
0xda: {  	[tilespmem:s19], [sflag:$0x1] =	stream.linear.gather [hbm4b:s7+s4], $0x80, $0x38;
	[tilespmem:$0x5200] =	vst v63  }
0xdb: {  	s7 =	sadd.s32 $0x40, s8  }
0xdc: {  	[tilespmem:s20], [sflag:$0x1] =	stream.linear.gather [hbm4b:s7+s4], $0x80, $0x38;
	[tilespmem:$0x5200] =	vst v63  }
0xdd: {  	s7 =	sadd.s32 $0x50, s10  }
0xde: {  	[tilespmem:s21], [sflag:$0x1] =	stream.linear.gather [hbm4b:s7+s4], $0x80, $0x38;
	[tilespmem:$0x5200] =	vst v63  }
0xdf: {  	s7 =	sadd.s32 $0x50, s8  }
0xe0: {  	[tilespmem:s22], [sflag:$0x1] =	stream.linear.gather [hbm4b:s7+s4], $0x80, $0x38;
	[tilespmem:$0x5200] =	vst v63  }
0xe1: {  	s7 =	sadd.s32 $0x60, s10  }
0xe2: {  	[tilespmem:s23], [sflag:$0x1] =	stream.linear.gather [hbm4b:s7+s4], $0x80, $0x38;
	[tilespmem:$0x5200] =	vst v63  }
0xe3: {  	s7 =	sadd.s32 $0x60, s8  }
0xe4: {  	[tilespmem:s24], [sflag:$0x1] =	stream.linear.gather [hbm4b:s7+s4], $0x80, $0x38;
	[tilespmem:$0x5200] =	vst v63  }
0xe5: {  	s10 =	sadd.s32 $0x70, s10  }
0xe6: {  	[tilespmem:s25], [sflag:$0x1] =	stream.linear.gather [hbm4b:s10+s4], $0x80, $0x38;
	[tilespmem:$0x5200] =	vst v63  }
0xe7: {  	s10 =	sadd.s32 $0x70, s8  }
0xe8: {  	[tilespmem:s26], [sflag:$0x1] =	stream.linear.gather [hbm4b:s10+s4], $0x80, $0x38;
	[tilespmem:$0x5200] =	vst v63  }
0xe9: {  	_ =	swait.ge [sflag:s28], $0x80  }
0xea: {  	[sflag:s28] =	ssyncset.done $0x0  }
0xeb: {  	[sflag:s28] =	ssyncadd.s32 $0xFFFFFF80  }
0xec: {  	_ =	swait.ge [sflag:s28], $0x80  }
0xed: {  	[sflag:s28] =	ssyncset.done $0x0  }
0xee: {  	[sflag:s28] =	ssyncadd.s32 $0xFFFFFF80  }
0xef: {  	_ =	swait.ge [sflag:s28], $0x80  }
0xf0: {  	[sflag:s28] =	ssyncset.done $0x0  }
0xf1: {  	[sflag:s28] =	ssyncadd.s32 $0xFFFFFF80  }
0xf2: {  	_ =	swait.ge [sflag:s28], $0x80  }
0xf3: {  	[sflag:s28] =	ssyncset.done $0x0  }
0xf4: {  	[sflag:s28] =	ssyncadd.s32 $0xFFFFFF80  }
0xf5: {  	_ =	swait.ge [sflag:s28], $0x80  }
0xf6: {  	[sflag:s28] =	ssyncset.done $0x0  }
0xf7: {  	[sflag:s28] =	ssyncadd.s32 $0xFFFFFF80  }
0xf8: {  	_ =	swait.ge [sflag:s28], $0x80  }
0xf9: {  	[sflag:s28] =	ssyncset.done $0x0  }
0xfa: {  	[sflag:s28] =	ssyncadd.s32 $0xFFFFFF80  }
0xfb: {  	_ =	swait.ge [sflag:s28], $0x80  }
0xfc: {  	[sflag:s28] =	ssyncset.done $0x0  }
0xfd: {  	[sflag:s28] =	ssyncadd.s32 $0xFFFFFF80  }
0xfe: {  	_ =	swait.ge [sflag:s28], $0x80  }
0xff: {  	[sflag:s28] =	ssyncset.done $0x0  }
0x100: {  	[sflag:s28] =	ssyncadd.s32 $0xFFFFFF80  }
0x101: {  	_ =	swait.ge [sflag:s28], $0x80  }
0x102: {  	[sflag:s28] =	ssyncset.done $0x0  }
0x103: {  	[sflag:s28] =	ssyncadd.s32 $0xFFFFFF80  }
0x104: {  	_ =	swait.ge [sflag:s28], $0x80  }
0x105: {  	[sflag:s28] =	ssyncset.done $0x0  }
0x106: {  	[sflag:s28] =	ssyncadd.s32 $0xFFFFFF80  }
0x107: {  	_ =	swait.ge [sflag:s28], $0x80  }
0x108: {  	[sflag:s28] =	ssyncset.done $0x0  }
0x109: {  	[sflag:s28] =	ssyncadd.s32 $0xFFFFFF80  }
0x10a: {  	_ =	swait.ge [sflag:s28], $0x80  }
0x10b: {  	[sflag:s28] =	ssyncset.done $0x0  }
0x10c: {  	[sflag:s28] =	ssyncadd.s32 $0xFFFFFF80  }
0x10d: {  	_ =	swait.ge [sflag:s28], $0x80  }
0x10e: {  	[sflag:s28] =	ssyncset.done $0x0  }
0x10f: {  	[sflag:s28] =	ssyncadd.s32 $0xFFFFFF80  }
0x110: {  	_ =	swait.ge [sflag:s28], $0x80  }
0x111: {  	[sflag:s28] =	ssyncset.done $0x0  }
0x112: {  	[sflag:s28] =	ssyncadd.s32 $0xFFFFFF80  }
0x113: {  	_ =	swait.ge [sflag:s28], $0x80  }
0x114: {  	[sflag:s28] =	ssyncset.done $0x0  }
0x115: {  	[sflag:s28] =	ssyncadd.s32 $0xFFFFFF80  }
0x116: {  	_ =	swait.ge [sflag:s28], $0x80  }
0x117: {  	[sflag:s28] =	ssyncset.done $0x0  }
0x118: {  	[sflag:s28] =	ssyncadd.s32 $0xFFFFFF80  }
0x119: {  	[spmem:s2] =	stream.indirect.scatter.add.f32 [tilespmem:s29], [sflag:$0x2], $0x1, s4, s13, $0xb8;
	[tilespmem:$0x5200] =	vst v63  }
0x11a: {  	_ = 	snop  }
0x11b: {  	[spmem:s3] =	stream.indirect.scatter.add.f32 [tilespmem:s29], [sflag:$0x2], $0x1, s12, s13, $0xb8;
	[tilespmem:$0x5200] =	vst v63  }
0x11c: {  	_ = 	snop  }
0x11d: {  	[spmem:s2] =	stream.indirect.scatter.add.f32 [tilespmem:s29], [sflag:$0x2], $0x1, s13, s13, $0xb8;
	[tilespmem:$0x5200] =	vst v63  }
0x11e: {  	_ = 	snop  }
0x11f: {  	[spmem:s3] =	stream.indirect.scatter.add.f32 [tilespmem:s29], [sflag:$0x2], $0x1, s14, s13, $0xb8;
	[tilespmem:$0x5200] =	vst v63  }
0x120: {  	_ = 	snop  }
0x121: {  	[spmem:s2] =	stream.indirect.scatter.add.f32 [tilespmem:s29], [sflag:$0x2], $0x1, s15, s13, $0xb8;
	[tilespmem:$0x5200] =	vst v63  }
0x122: {  	_ = 	snop  }
0x123: {  	[spmem:s3] =	stream.indirect.scatter.add.f32 [tilespmem:s29], [sflag:$0x2], $0x1, s16, s13, $0xb8;
	[tilespmem:$0x5200] =	vst v63  }
0x124: {  	_ = 	snop  }
0x125: {  	[spmem:s2] =	stream.indirect.scatter.add.f32 [tilespmem:s29], [sflag:$0x2], $0x1, s17, s13, $0xb8;
	[tilespmem:$0x5200] =	vst v63  }
0x126: {  	_ = 	snop  }
0x127: {  	[spmem:s3] =	stream.indirect.scatter.add.f32 [tilespmem:s29], [sflag:$0x2], $0x1, s18, s13, $0xb8;
	[tilespmem:$0x5200] =	vst v63  }
0x128: {  	_ = 	snop  }
0x129: {  	[spmem:s2] =	stream.indirect.scatter.add.f32 [tilespmem:s29], [sflag:$0x2], $0x1, s19, s13, $0xb8;
	[tilespmem:$0x5200] =	vst v63  }
0x12a: {  	_ = 	snop  }
0x12b: {  	[spmem:s3] =	stream.indirect.scatter.add.f32 [tilespmem:s29], [sflag:$0x2], $0x1, s20, s13, $0xb8;
	[tilespmem:$0x5200] =	vst v63  }
0x12c: {  	_ = 	snop  }
0x12d: {  	[spmem:s2] =	stream.indirect.scatter.add.f32 [tilespmem:s29], [sflag:$0x2], $0x1, s21, s13, $0xb8;
	[tilespmem:$0x5200] =	vst v63  }
0x12e: {  	_ = 	snop  }
0x12f: {  	[spmem:s3] =	stream.indirect.scatter.add.f32 [tilespmem:s29], [sflag:$0x2], $0x1, s22, s13, $0xb8;
	[tilespmem:$0x5200] =	vst v63  }
0x130: {  	_ = 	snop  }
0x131: {  	[spmem:s2] =	stream.indirect.scatter.add.f32 [tilespmem:s29], [sflag:$0x2], $0x1, s23, s13, $0xb8;
	[tilespmem:$0x5200] =	vst v63  }
0x132: {  	_ = 	snop  }
0x133: {  	[spmem:s3] =	stream.indirect.scatter.add.f32 [tilespmem:s29], [sflag:$0x2], $0x1, s24, s13, $0xb8;
	[tilespmem:$0x5200] =	vst v63  }
0x134: {  	_ = 	snop  }
0x135: {  	[spmem:s2] =	stream.indirect.scatter.add.f32 [tilespmem:s29], [sflag:$0x2], $0x1, s25, s13, $0xb8;
	[tilespmem:$0x5200] =	vst v63  }
0x136: {  	_ = 	snop  }
0x137: {  	[spmem:s3] =	stream.indirect.scatter.add.f32 [tilespmem:s29], [sflag:$0x2], $0x1, s26, s13, $0xb8;
	[tilespmem:$0x5200] =	vst v63  }
0x138: {  	_ =	swait.ge [sflag:s30], $0x80  }
0x139: {  	[sflag:s30] =	ssyncset.done $0x0  }
0x13a: {  	[sflag:s30] =	ssyncadd.s32 $0xFFFFFF80  }
0x13b: {  	_ =	swait.ge [sflag:s30], $0x80  }
0x13c: {  	[sflag:s30] =	ssyncset.done $0x0  }
0x13d: {  	[sflag:s30] =	ssyncadd.s32 $0xFFFFFF80  }
0x13e: {  	_ =	swait.ge [sflag:s30], $0x80  }
0x13f: {  	[sflag:s30] =	ssyncset.done $0x0  }
0x140: {  	[sflag:s30] =	ssyncadd.s32 $0xFFFFFF80  }
0x141: {  	_ =	swait.ge [sflag:s30], $0x80  }
0x142: {  	[sflag:s30] =	ssyncset.done $0x0  }
0x143: {  	[sflag:s30] =	ssyncadd.s32 $0xFFFFFF80  }
0x144: {  	_ =	swait.ge [sflag:s30], $0x80  }
0x145: {  	[sflag:s30] =	ssyncset.done $0x0  }
0x146: {  	[sflag:s30] =	ssyncadd.s32 $0xFFFFFF80  }
0x147: {  	_ =	swait.ge [sflag:s30], $0x80  }
0x148: {  	[sflag:s30] =	ssyncset.done $0x0  }
0x149: {  	[sflag:s30] =	ssyncadd.s32 $0xFFFFFF80  }
0x14a: {  	_ =	swait.ge [sflag:s30], $0x80  }
0x14b: {  	[sflag:s30] =	ssyncset.done $0x0  }
0x14c: {  	[sflag:s30] =	ssyncadd.s32 $0xFFFFFF80  }
0x14d: {  	_ =	swait.ge [sflag:s30], $0x80  }
0x14e: {  	[sflag:s30] =	ssyncset.done $0x0  }
0x14f: {  	[sflag:s30] =	ssyncadd.s32 $0xFFFFFF80  }
0x150: {  	_ =	swait.ge [sflag:s30], $0x80  }
0x151: {  	[sflag:s30] =	ssyncset.done $0x0  }
0x152: {  	[sflag:s30] =	ssyncadd.s32 $0xFFFFFF80  }
0x153: {  	_ =	swait.ge [sflag:s30], $0x80  }
0x154: {  	[sflag:s30] =	ssyncset.done $0x0  }
0x155: {  	[sflag:s30] =	ssyncadd.s32 $0xFFFFFF80  }
0x156: {  	_ =	swait.ge [sflag:s30], $0x80  }
0x157: {  	[sflag:s30] =	ssyncset.done $0x0  }
0x158: {  	[sflag:s30] =	ssyncadd.s32 $0xFFFFFF80  }
0x159: {  	_ =	swait.ge [sflag:s30], $0x80  }
0x15a: {  	[sflag:s30] =	ssyncset.done $0x0  }
0x15b: {  	[sflag:s30] =	ssyncadd.s32 $0xFFFFFF80  }
0x15c: {  	_ =	swait.ge [sflag:s30], $0x80  }
0x15d: {  	[sflag:s30] =	ssyncset.done $0x0  }
0x15e: {  	[sflag:s30] =	ssyncadd.s32 $0xFFFFFF80  }
0x15f: {  	_ =	swait.ge [sflag:s30], $0x80  }
0x160: {  	[sflag:s30] =	ssyncset.done $0x0  }
0x161: {  	p0 =	sne.s32 s0, $0x1800;
	[sflag:s30] =	ssyncadd.s32 $0xFFFFFF80  }
.Ltmp1:
0x162: {  	_ =	swait.ge [sflag:s30], $0x80;
	(pc) =	sbr.rel @p0 .LBB2_4-.Ltmp1, $4  }
0x163: {  	[sflag:s30] =	ssyncset.done $0x0  }
0x164: {  	[sflag:s30] =	ssyncadd.s32 $0xFFFFFF80  }
0x165: {  	_ =	swait.ge [sflag:s30], $0x80  }
0x166: {  	s0 =	sadd.s32 $0x80, s0;
	s10 =	rddreg [dreg:$0x4];
	[sflag:s30] =	ssyncset.done $0x0  }
0x167: {  	s0 =	rddreg [dreg:$0x5];
	[sflag:s30] =	ssyncadd.s32 $0xFFFFFF80;
	s7 =	sadd.s32 s1, s10  }
0x168: {  	[tilespmem:s4], [sflag:$0x1] =	stream.linear.gather [hbm4b:s7+s4], $0x80, $0x38;
	[tilespmem:$0x5200] =	vst v63  }
0x169: {  	s0 =	sadd.s32 s1, s0  }
0x16a: {  	[tilespmem:s12], [sflag:$0x1] =	stream.linear.gather [hbm4b:s0+s4], $0x80, $0x38;
	[tilespmem:$0x5200] =	vst v63  }
0x16b: {  	s10 =	sadd.s32 $0x10, s7  }
0x16c: {  	[tilespmem:s13], [sflag:$0x1] =	stream.linear.gather [hbm4b:s10+s4], $0x80, $0x38;
	[tilespmem:$0x5200] =	vst v63  }
0x16d: {  	s8 =	sadd.s32 $0x10, s0  }
0x16e: {  	[tilespmem:s14], [sflag:$0x1] =	stream.linear.gather [hbm4b:s8+s4], $0x80, $0x38;
	[tilespmem:$0x5200] =	vst v63  }
0x16f: {  	s10 =	sadd.s32 $0x20, s7  }
0x170: {  	[tilespmem:s15], [sflag:$0x1] =	stream.linear.gather [hbm4b:s10+s4], $0x80, $0x38;
	[tilespmem:$0x5200] =	vst v63  }
0x171: {  	s8 =	sadd.s32 $0x20, s0  }
0x172: {  	[tilespmem:s16], [sflag:$0x1] =	stream.linear.gather [hbm4b:s8+s4], $0x80, $0x38;
	[tilespmem:$0x5200] =	vst v63  }
0x173: {  	s10 =	sadd.s32 $0x30, s7  }
0x174: {  	[tilespmem:s17], [sflag:$0x1] =	stream.linear.gather [hbm4b:s10+s4], $0x80, $0x38;
	[tilespmem:$0x5200] =	vst v63  }
0x175: {  	s8 =	sadd.s32 $0x30, s0  }
0x176: {  	[tilespmem:s18], [sflag:$0x1] =	stream.linear.gather [hbm4b:s8+s4], $0x80, $0x38;
	[tilespmem:$0x5200] =	vst v63  }
0x177: {  	s10 =	sadd.s32 $0x40, s7  }
0x178: {  	[tilespmem:s19], [sflag:$0x1] =	stream.linear.gather [hbm4b:s10+s4], $0x80, $0x38;
	[tilespmem:$0x5200] =	vst v63  }
0x179: {  	s8 =	sadd.s32 $0x40, s0  }
0x17a: {  	[tilespmem:s20], [sflag:$0x1] =	stream.linear.gather [hbm4b:s8+s4], $0x80, $0x38;
	[tilespmem:$0x5200] =	vst v63  }
0x17b: {  	s10 =	sadd.s32 $0x50, s7  }
0x17c: {  	[tilespmem:s21], [sflag:$0x1] =	stream.linear.gather [hbm4b:s10+s4], $0x80, $0x38;
	[tilespmem:$0x5200] =	vst v63  }
0x17d: {  	s8 =	sadd.s32 $0x50, s0  }
0x17e: {  	[tilespmem:s22], [sflag:$0x1] =	stream.linear.gather [hbm4b:s8+s4], $0x80, $0x38;
	[tilespmem:$0x5200] =	vst v63  }
0x17f: {  	s10 =	sadd.s32 $0x60, s7  }
0x180: {  	[tilespmem:s23], [sflag:$0x1] =	stream.linear.gather [hbm4b:s10+s4], $0x80, $0x38;
	[tilespmem:$0x5200] =	vst v63  }
0x181: {  	s8 =	sadd.s32 $0x60, s0  }
0x182: {  	[tilespmem:s24], [sflag:$0x1] =	stream.linear.gather [hbm4b:s8+s4], $0x80, $0x38;
	[tilespmem:$0x5200] =	vst v63  }
0x183: {  	s10 =	sadd.s32 $0x70, s7  }
0x184: {  	[tilespmem:s25], [sflag:$0x1] =	stream.linear.gather [hbm4b:s10+s4], $0x80, $0x38;
	[tilespmem:$0x5200] =	vst v63  }
0x185: {  	s0 =	sadd.s32 $0x70, s0  }
0x186: {  	[tilespmem:s26], [sflag:$0x1] =	stream.linear.gather [hbm4b:s0+s4], $0x80, $0x38;
	[tilespmem:$0x5200] =	vst v63  }
0x187: {  	_ =	swait.ge [sflag:s28], $0x80  }
0x188: {  	[sflag:s28] =	ssyncset.done $0x0  }
0x189: {  	[sflag:s28] =	ssyncadd.s32 $0xFFFFFF80  }
0x18a: {  	_ =	swait.ge [sflag:s28], $0x80  }
0x18b: {  	[sflag:s28] =	ssyncset.done $0x0  }
0x18c: {  	[sflag:s28] =	ssyncadd.s32 $0xFFFFFF80  }
0x18d: {  	_ =	swait.ge [sflag:s28], $0x80  }
0x18e: {  	[sflag:s28] =	ssyncset.done $0x0  }
0x18f: {  	[sflag:s28] =	ssyncadd.s32 $0xFFFFFF80  }
0x190: {  	_ =	swait.ge [sflag:s28], $0x80  }
0x191: {  	[sflag:s28] =	ssyncset.done $0x0  }
0x192: {  	[sflag:s28] =	ssyncadd.s32 $0xFFFFFF80  }
0x193: {  	_ =	swait.ge [sflag:s28], $0x80  }
0x194: {  	[sflag:s28] =	ssyncset.done $0x0  }
0x195: {  	[sflag:s28] =	ssyncadd.s32 $0xFFFFFF80  }
0x196: {  	_ =	swait.ge [sflag:s28], $0x80  }
0x197: {  	[sflag:s28] =	ssyncset.done $0x0  }
0x198: {  	[sflag:s28] =	ssyncadd.s32 $0xFFFFFF80  }
0x199: {  	_ =	swait.ge [sflag:s28], $0x80  }
0x19a: {  	[sflag:s28] =	ssyncset.done $0x0  }
0x19b: {  	[sflag:s28] =	ssyncadd.s32 $0xFFFFFF80  }
0x19c: {  	_ =	swait.ge [sflag:s28], $0x80  }
0x19d: {  	[sflag:s28] =	ssyncset.done $0x0  }
0x19e: {  	[sflag:s28] =	ssyncadd.s32 $0xFFFFFF80  }
0x19f: {  	_ =	swait.ge [sflag:s28], $0x80  }
0x1a0: {  	[sflag:s28] =	ssyncset.done $0x0  }
0x1a1: {  	[sflag:s28] =	ssyncadd.s32 $0xFFFFFF80  }
0x1a2: {  	_ =	swait.ge [sflag:s28], $0x80  }
0x1a3: {  	[sflag:s28] =	ssyncset.done $0x0  }
0x1a4: {  	[sflag:s28] =	ssyncadd.s32 $0xFFFFFF80  }
0x1a5: {  	_ =	swait.ge [sflag:s28], $0x80  }
0x1a6: {  	[sflag:s28] =	ssyncset.done $0x0  }
0x1a7: {  	[sflag:s28] =	ssyncadd.s32 $0xFFFFFF80  }
0x1a8: {  	_ =	swait.ge [sflag:s28], $0x80  }
0x1a9: {  	[sflag:s28] =	ssyncset.done $0x0  }
0x1aa: {  	[sflag:s28] =	ssyncadd.s32 $0xFFFFFF80  }
0x1ab: {  	_ =	swait.ge [sflag:s28], $0x80  }
0x1ac: {  	[sflag:s28] =	ssyncset.done $0x0  }
0x1ad: {  	[sflag:s28] =	ssyncadd.s32 $0xFFFFFF80  }
0x1ae: {  	_ =	swait.ge [sflag:s28], $0x80  }
0x1af: {  	[sflag:s28] =	ssyncset.done $0x0  }
0x1b0: {  	[sflag:s28] =	ssyncadd.s32 $0xFFFFFF80  }
0x1b1: {  	_ =	swait.ge [sflag:s28], $0x80  }
0x1b2: {  	[sflag:s28] =	ssyncset.done $0x0  }
0x1b3: {  	[sflag:s28] =	ssyncadd.s32 $0xFFFFFF80  }
0x1b4: {  	_ =	swait.ge [sflag:s28], $0x80  }
0x1b5: {  	[sflag:s28] =	ssyncset.done $0x0  }
0x1b6: {  	[sflag:s28] =	ssyncadd.s32 $0xFFFFFF80  }
0x1b7: {  	[spmem:s2] =	stream.indirect.scatter.add.f32 [tilespmem:s29], [sflag:$0x2], $0x1, s4, s13, $0xb8;
	[tilespmem:$0x5200] =	vst v63  }
0x1b8: {  	_ = 	snop  }
0x1b9: {  	[spmem:s3] =	stream.indirect.scatter.add.f32 [tilespmem:s29], [sflag:$0x2], $0x1, s12, s13, $0xb8;
	[tilespmem:$0x5200] =	vst v63  }
0x1ba: {  	_ = 	snop  }
0x1bb: {  	[spmem:s2] =	stream.indirect.scatter.add.f32 [tilespmem:s29], [sflag:$0x2], $0x1, s13, s13, $0xb8;
	[tilespmem:$0x5200] =	vst v63  }
0x1bc: {  	_ = 	snop  }
0x1bd: {  	[spmem:s3] =	stream.indirect.scatter.add.f32 [tilespmem:s29], [sflag:$0x2], $0x1, s14, s13, $0xb8;
	[tilespmem:$0x5200] =	vst v63  }
0x1be: {  	_ = 	snop  }
0x1bf: {  	[spmem:s2] =	stream.indirect.scatter.add.f32 [tilespmem:s29], [sflag:$0x2], $0x1, s15, s13, $0xb8;
	[tilespmem:$0x5200] =	vst v63  }
0x1c0: {  	_ = 	snop  }
0x1c1: {  	[spmem:s3] =	stream.indirect.scatter.add.f32 [tilespmem:s29], [sflag:$0x2], $0x1, s16, s13, $0xb8;
	[tilespmem:$0x5200] =	vst v63  }
0x1c2: {  	_ = 	snop  }
0x1c3: {  	[spmem:s2] =	stream.indirect.scatter.add.f32 [tilespmem:s29], [sflag:$0x2], $0x1, s17, s13, $0xb8;
	[tilespmem:$0x5200] =	vst v63  }
0x1c4: {  	_ = 	snop  }
0x1c5: {  	[spmem:s3] =	stream.indirect.scatter.add.f32 [tilespmem:s29], [sflag:$0x2], $0x1, s18, s13, $0xb8;
	[tilespmem:$0x5200] =	vst v63  }
0x1c6: {  	_ = 	snop  }
0x1c7: {  	[spmem:s2] =	stream.indirect.scatter.add.f32 [tilespmem:s29], [sflag:$0x2], $0x1, s19, s13, $0xb8;
	[tilespmem:$0x5200] =	vst v63  }
0x1c8: {  	_ = 	snop  }
0x1c9: {  	[spmem:s3] =	stream.indirect.scatter.add.f32 [tilespmem:s29], [sflag:$0x2], $0x1, s20, s13, $0xb8;
	[tilespmem:$0x5200] =	vst v63  }
0x1ca: {  	_ = 	snop  }
0x1cb: {  	[spmem:s2] =	stream.indirect.scatter.add.f32 [tilespmem:s29], [sflag:$0x2], $0x1, s21, s13, $0xb8;
	[tilespmem:$0x5200] =	vst v63  }
0x1cc: {  	_ = 	snop  }
0x1cd: {  	[spmem:s3] =	stream.indirect.scatter.add.f32 [tilespmem:s29], [sflag:$0x2], $0x1, s22, s13, $0xb8;
	[tilespmem:$0x5200] =	vst v63  }
0x1ce: {  	_ = 	snop  }
0x1cf: {  	[spmem:s2] =	stream.indirect.scatter.add.f32 [tilespmem:s29], [sflag:$0x2], $0x1, s23, s13, $0xb8;
	[tilespmem:$0x5200] =	vst v63  }
0x1d0: {  	_ = 	snop  }
0x1d1: {  	[spmem:s3] =	stream.indirect.scatter.add.f32 [tilespmem:s29], [sflag:$0x2], $0x1, s24, s13, $0xb8;
	[tilespmem:$0x5200] =	vst v63  }
0x1d2: {  	_ = 	snop  }
0x1d3: {  	[spmem:s2] =	stream.indirect.scatter.add.f32 [tilespmem:s29], [sflag:$0x2], $0x1, s25, s13, $0xb8;
	[tilespmem:$0x5200] =	vst v63  }
0x1d4: {  	_ = 	snop  }
0x1d5: {  	[spmem:s3] =	stream.indirect.scatter.add.f32 [tilespmem:s29], [sflag:$0x2], $0x1, s26, s13, $0xb8;
	[tilespmem:$0x5200] =	vst v63  }
0x1d6: {  	_ =	swait.ge [sflag:s30], $0x80  }
0x1d7: {  	[sflag:s30] =	ssyncset.done $0x0  }
0x1d8: {  	[sflag:s30] =	ssyncadd.s32 $0xFFFFFF80  }
0x1d9: {  	_ =	swait.ge [sflag:s30], $0x80  }
0x1da: {  	[sflag:s30] =	ssyncset.done $0x0  }
0x1db: {  	[sflag:s30] =	ssyncadd.s32 $0xFFFFFF80  }
0x1dc: {  	_ =	swait.ge [sflag:s30], $0x80  }
0x1dd: {  	[sflag:s30] =	ssyncset.done $0x0  }
0x1de: {  	[sflag:s30] =	ssyncadd.s32 $0xFFFFFF80  }
0x1df: {  	_ =	swait.ge [sflag:s30], $0x80  }
0x1e0: {  	[sflag:s30] =	ssyncset.done $0x0  }
0x1e1: {  	[sflag:s30] =	ssyncadd.s32 $0xFFFFFF80  }
0x1e2: {  	_ =	swait.ge [sflag:s30], $0x80  }
0x1e3: {  	[sflag:s30] =	ssyncset.done $0x0  }
0x1e4: {  	[sflag:s30] =	ssyncadd.s32 $0xFFFFFF80  }
0x1e5: {  	_ =	swait.ge [sflag:s30], $0x80  }
0x1e6: {  	[sflag:s30] =	ssyncset.done $0x0  }
0x1e7: {  	[sflag:s30] =	ssyncadd.s32 $0xFFFFFF80  }
0x1e8: {  	_ =	swait.ge [sflag:s30], $0x80  }
0x1e9: {  	[sflag:s30] =	ssyncset.done $0x0  }
0x1ea: {  	[sflag:s30] =	ssyncadd.s32 $0xFFFFFF80  }
0x1eb: {  	_ =	swait.ge [sflag:s30], $0x80  }
0x1ec: {  	[sflag:s30] =	ssyncset.done $0x0  }
0x1ed: {  	[sflag:s30] =	ssyncadd.s32 $0xFFFFFF80  }
0x1ee: {  	_ =	swait.ge [sflag:s30], $0x80  }
0x1ef: {  	[sflag:s30] =	ssyncset.done $0x0  }
0x1f0: {  	[sflag:s30] =	ssyncadd.s32 $0xFFFFFF80  }
0x1f1: {  	_ =	swait.ge [sflag:s30], $0x80  }
0x1f2: {  	[sflag:s30] =	ssyncset.done $0x0  }
0x1f3: {  	[sflag:s30] =	ssyncadd.s32 $0xFFFFFF80  }
0x1f4: {  	_ =	swait.ge [sflag:s30], $0x80  }
0x1f5: {  	[sflag:s30] =	ssyncset.done $0x0  }
0x1f6: {  	[sflag:s30] =	ssyncadd.s32 $0xFFFFFF80  }
0x1f7: {  	_ =	swait.ge [sflag:s30], $0x80  }
0x1f8: {  	[sflag:s30] =	ssyncset.done $0x0  }
0x1f9: {  	[sflag:s30] =	ssyncadd.s32 $0xFFFFFF80  }
0x1fa: {  	_ =	swait.ge [sflag:s30], $0x80  }
0x1fb: {  	[sflag:s30] =	ssyncset.done $0x0  }
0x1fc: {  	[sflag:s30] =	ssyncadd.s32 $0xFFFFFF80  }
0x1fd: {  	_ =	swait.ge [sflag:s30], $0x80  }
0x1fe: {  	[sflag:s30] =	ssyncset.done $0x0  }
0x1ff: {  	[sflag:s30] =	ssyncadd.s32 $0xFFFFFF80  }
0x200: {  	_ =	swait.ge [sflag:s30], $0x80  }
0x201: {  	[sflag:s30] =	ssyncset.done $0x0  }
0x202: {  	[sflag:s30] =	ssyncadd.s32 $0xFFFFFF80  }
0x203: {  	_ =	swait.ge [sflag:s30], $0x80  }
0x204: {  	[sflag:s30] =	ssyncset.done $0x0  }
0x205: {  	s7 =	stileid.u32;
	[sflag:s30] =	ssyncadd.s32 $0xFFFFFF80  }
0x206: {  	s0 =	sshll.u32 s7, $0x6;
	[bflag:$0x0] =	sbarrier.arrive $0xFFFF  }
0x207: {  	s8 =	sshrl.u32 s5, $0x3;
	s0 =	sor.u32 $0x1C03, s0;
	s10 =	rddreg [dreg:$0x6]  }
0x208: {  	[hbm:s10], [sflag:s0] =	dma.local [spmem:s8], $0x310  }
0x209: {  	s31 =	sadd.s32 $0x1, s31;
	_ =	swait.ge [sflag:s11], $0x310  }
0x20a: {  	p0 =	sne.s32 s31, s9;
	s8 =	sshrl.u32 s6, $0x3;
	[sflag:s11] =	ssyncset.done $0x0  }
.Ltmp2:
0x20b: {  	s10 =	rddreg [dreg:$0x7];
	[sflag:s11] =	ssyncadd.s32 $0xFFFFFCF0;
	(pc) =	sbr.rel @p0 .LBB2_1-.Ltmp2, $4  }
0x20c: {  	[hbm:s10], [sflag:s0] =	dma.local [spmem:s8], $0x310  }
0x20d: {  	_ =	swait.ge [sflag:s11], $0x310  }
0x20e: {  	[sflag:s11] =	ssyncset.done $0x0  }
0x20f: {  	[sflag:s11] =	ssyncadd.s32 $0xFFFFFCF0  }
0x210: {  	_ =	sfence.sel $0x180000  }
0x211: {  	[bflag:$0x0] =	sbarrier.arrive $0xFFFF  }
0x212: {  	_ =	strace $0x90000047  }
0x213: {  	s0 =	stileid.u32;
	[bflag:$0x2] =	sbarrier.arrive $0xFFFF  }
0x214: {  	p0 =	sne.s32 s0, $0x0;
	s0 =	rddreg [dreg:$0x3]  }
0x215: {  	s0 =	sadd.s32 @!p0 $0x100000, s0  }
0x216: {  	[sflag:s0] =	ssyncadd.tile.s32 @!p0 $0x1;
	_ =	shalt  }
.Lfunc_end2:
_tile_overlayer_lowered:
.L_overlay_start_2:
0x217: {  	(tag) =	ssettag $0x2  }
0x218: {  	s0 =	rddreg [dreg:$0x0];
	s2 =	stileid.u32  }
0x219: {  	s1 =	rddreg [dreg:$0x1];
	p0 =	sne.s32 s2, $0x0  }
0x21a: {  	s3 =	rddreg [dreg:$0x2];
	[bflag:$0x3] =	sbarrier.arrive $0xFFFF;
	s2 =	simm.s32 @!p0 $0x1C03  }
0x21b: {  	[timem:s3], [sflag:s2] =	dma.local @!p0 [hbm:s0], s1  }
0x21c: {  	s0 =	simm.s32 @!p0 $0x3  }
0x21d: {  	_ =	swait.ge @!p0 [sflag:s0], s1  }
0x21e: {  	s1 =	ssub.s32 @!p0 $0x0, s1;
	[sflag:s0] =	ssyncset.done @!p0 $0x0  }
0x21f: {  	[sflag:s0] =	ssyncadd.s32 @!p0 s1  }
0x220: {  	[bflag:$0x3] =	sbarrier.arrive $0xFFFF  }
0x221: {  	_ =	shalt  }

// kernel: kernel.9.cloned.1.call-start
scs
__scs_entry_jumppad:
0x0: {  	(pc) =	sbr.rel $0x88, $3  }
0x1: {  	(tag) =	ssettag $0x0;
	lr =	simm.s32 $0x1  }
0x2: {  	[smem:$0x3F9B] =	sst lr;
	_ =	strace $0xD0000000  }
0x3: {  	_ = 	snop  }
0x4: {  	_ = 	snop  }
0x5: {  	_ = 	snop  }
0x6: {  	_ = 	snop  }
0x7: {  	_ = 	snop  }
__scs_overlays_trampoline_lowered:
0x8: {  	[smem:$0x3FAA] =	sst s0  }
0x9: {  	[smem:$0x3FAB] =	sst s1  }
0xa: {  	[smem:$0x3FAC] =	sst s2  }
0xb: {  	[smem:$0x3FAD] =	sst s3  }
0xc: {  	[smem:$0x3FAE] =	sst s4  }
0xd: {  	[smem:$0x3FAF] =	sst s5  }
0xe: {  	[smem:$0x3FB0] =	sst s6  }
0xf: {  	[smem:$0x3FB1] =	sst s7  }
0x10: {  	[smem:$0x3FB2] =	sst s8  }
0x11: {  	[smem:$0x3FB3] =	sst s9;
	s0 =	simm.s32 @!p0 $0x0  }
0x12: {  	s1 =	sld [smem:$0x3F99];
	s0 =	simm.s32 @p0 $0x1  }
0x13: {  	[smem:$0x3FB4] =	sst s0;
	s0 =	simm.s32 @!p1 $0x0  }
0x14: {  	s2 =	sld [smem:$0x3F98];
	s0 =	simm.s32 @p1 $0x1  }
0x15: {  	[smem:$0x3FB5] =	sst s0;
	s0 =	simm.s32 @!p2 $0x0  }
0x16: {  	s3 =	sld [smem:$0x3FDB];
	s0 =	simm.s32 @p2 $0x1  }
0x17: {  	s4 =	simm.s32 $0x1BF5;
	[smem:$0x3FB7] =	sst s0  }
0x18: {  	s0 =	sld [smem:$0x3F9A];
	_ =	swait.ge [sflag:s4], $0x0  }
0x19: {  	s7 =	sld [smem:$0x3F9B]  }
0x1a: {  	s8 =	sadd.s32 $0xFFFFE003, lr  }
0x1b: {  	s9 =	sadd.s32 $0xFFFFFEF7, lr;
	s5 =	simm.s32 $0xFFFFFFFF;
	p2 =	slt.u32 s8, $0xFFFFF086  }
0x1c: {  	p1 =	slt.u32 s9, $0xF7A;
	s5 =	simm.s32 @!p2 $0x0  }
0x1d: {  	s5 =	simm.s32 @p1 $0x1;
	p0 =	seq.s32 s7, s2  }
0x1e: {  	s7 =	smul.u32 @!p0 $0xF7A, s2;
	p2 =	seq.s32 @!p0 s5, $0x0  }
0x1f: {  	s9 =	smul.u32 $0xF7A, s1;
	s8 =	simm.s32 @!p0 $0x1BF5;
	p2 =	por !p2, p0  }
0x20: {  	[sflag:s8] =	ssyncset.s32 @!p0 $0xFFFFF086;
	s6 =	sadd.s32 @!p0 s3, s7;
	s7 =	simm.s32 @!p0 $0x108  }
0x21: {  	s3 =	sadd.s32 s3, s9;
	s6 =	sadd.s32 @!p0 $0x88, s6;
	s7 =	simm.s32 @p2 $0x1082  }
0x22: {  	[simem:s7], [sflag:s8] =	dma.local @!p0 [hbm:s6], $0xF7A  }
0x23: {  	s9 =	sor.u32 $0xD0000000, s2;
	s6 =	simm.s32 $0x108;
	_ =	swait.ge @!p0 [sflag:s8], $0x0  }
0x24: {  	s3 =	sadd.s32 $0x88, s3;
	s6 =	simm.s32 @!p1 $0x1082;
	[sflag:s4] =	ssyncset.s32 $0xFFFFF086  }
0x25: {  	[simem:s6], [sflag:s4] =	dma.local [hbm:s3], $0xF7A  }
0x26: {  	[smem:$0x3F9B] =	sst s1;
	(tag) =	ssettag s2;
	_ =	strace s9  }
0x27: {  	s1 =	sld [smem:$0x3FAB]  }
0x28: {  	s2 =	sld [smem:$0x3FAC]  }
0x29: {  	s4 =	sld [smem:$0x3FAE]  }
0x2a: {  	p0 =	seq.s32 s5, $0x0;
	s5 =	sld [smem:$0x3FAF]  }
0x2b: {  	s6 =	sld [smem:$0x3FB0]  }
0x2c: {  	s7 =	sld [smem:$0x3FB1]  }
0x2d: {  	s3 =	simm.s32 $0x108;
	s8 =	sld [smem:$0x3FB2]  }
0x2e: {  	s3 =	simm.s32 @!p0 $0x1082;
	s9 =	sld [smem:$0x3FB3]  }
0x2f: {  	lr =	sadd.s32 s0, s3;
	s0 =	sld [smem:$0x3FAA]  }
0x30: {  	s3 =	sld [smem:$0x3FAD]  }
0x31: {  	[smem:$0x3FB6] =	sst s10  }
0x32: {  	s10 =	sld [smem:$0x3FB4];
	_ =	sdelay $0x3  }
0x33: {  	p0 =	seq.s32 s10, $0x1;
	s10 =	sld [smem:$0x3FB6];
	_ =	sdelay $0x3  }
0x34: {  	[smem:$0x3FB6] =	sst s10  }
0x35: {  	s10 =	sld [smem:$0x3FB5];
	_ =	sdelay $0x3  }
0x36: {  	p1 =	seq.s32 s10, $0x1;
	s10 =	sld [smem:$0x3FB6];
	_ =	sdelay $0x3  }
0x37: {  	[smem:$0x3FB6] =	sst s10  }
0x38: {  	s10 =	sld [smem:$0x3FB7]  }
0x39: {  	_ = 	snop;
	(pc) =	sbr.ind lr, $3  }
0x3a: {  	_ = 	snop  }
0x3b: {  	_ = 	snop  }
0x3c: {  	p2 =	seq.s32 s10, $0x1;
	s10 =	sld [smem:$0x3FB6]  }
0x3d: {  	_ =	shalt  }
0x3e: {  	_ =	shalt  }
0x3f: {  	_ =	shalt  }
0x40: {  	_ =	shalt  }
0x41: {  	_ =	shalt  }
0x42: {  	_ =	shalt  }
0x43: {  	_ =	shalt  }
0x44: {  	_ =	shalt  }
0x45: {  	_ =	shalt  }
0x46: {  	_ =	shalt  }
0x47: {  	_ =	shalt  }
0x48: {  	_ =	shalt  }
0x49: {  	_ =	shalt  }
0x4a: {  	_ =	shalt  }
0x4b: {  	_ =	shalt  }
0x4c: {  	_ =	shalt  }
0x4d: {  	_ =	shalt  }
0x4e: {  	_ =	shalt  }
0x4f: {  	_ =	shalt  }
0x50: {  	_ =	shalt  }
0x51: {  	_ =	shalt  }
0x52: {  	_ =	shalt  }
0x53: {  	_ =	shalt  }
0x54: {  	_ =	shalt  }
0x55: {  	_ =	shalt  }
0x56: {  	_ =	shalt  }
0x57: {  	_ =	shalt  }
0x58: {  	_ =	shalt  }
0x59: {  	_ =	shalt  }
0x5a: {  	_ =	shalt  }
0x5b: {  	_ =	shalt  }
0x5c: {  	_ =	shalt  }
0x5d: {  	_ =	shalt  }
0x5e: {  	_ =	shalt  }
0x5f: {  	_ =	shalt  }
0x60: {  	_ =	shalt  }
0x61: {  	_ =	shalt  }
0x62: {  	_ =	shalt  }
0x63: {  	_ =	shalt  }
0x64: {  	_ =	shalt  }
0x65: {  	_ =	shalt  }
0x66: {  	_ =	shalt  }
0x67: {  	_ =	shalt  }
0x68: {  	_ =	shalt  }
0x69: {  	_ =	shalt  }
0x6a: {  	_ =	shalt  }
0x6b: {  	_ =	shalt  }
0x6c: {  	_ =	shalt  }
0x6d: {  	_ =	shalt  }
0x6e: {  	_ =	shalt  }
0x6f: {  	_ =	shalt  }
0x70: {  	_ =	shalt  }
0x71: {  	_ =	shalt  }
0x72: {  	_ =	shalt  }
0x73: {  	_ =	shalt  }
0x74: {  	_ =	shalt  }
0x75: {  	_ =	shalt  }
0x76: {  	_ =	shalt  }
0x77: {  	_ =	shalt  }
0x78: {  	_ =	shalt  }
0x79: {  	_ =	shalt  }
0x7a: {  	_ =	shalt  }
0x7b: {  	_ =	shalt  }
0x7c: {  	_ =	shalt  }
0x7d: {  	_ =	shalt  }
0x7e: {  	_ =	shalt  }
0x7f: {  	_ =	shalt  }
0x80: {  	_ =	shalt  }
0x81: {  	_ =	shalt  }
0x82: {  	_ =	shalt  }
0x83: {  	_ =	shalt  }
0x84: {  	_ =	shalt  }
0x85: {  	_ =	shalt  }
0x86: {  	_ =	shalt  }
0x87: {  	_ =	shalt  }
.Lfunc_end0:
.L_simem_size_0:
called_computation.1_lowered:
.L_overlay_start_0:
0x88: {  	s2 =	sld [smem:$0x3FD9]  }
0x89: {  	s3 =	sld [smem:$0x3FFE];
	_ =	sdelay $0x1  }
0x8a: {  	s1 =	srdreg.scid  }
0x8b: {  	s0 =	sand.u32 $0x1, s1  }
0x8c: {  	s16 =	sshll.u32 s0, $0xA;
	s2 =	sadd.s32 s3, s2  }
0x8d: {  	s2 =	sadd.s32 s2, s16  }
0x8e: {  	[smem:$0x3FC2] =	sst s2  }
0x8f: {  	_ = 	snop  }
0x90: {  	(tm) =	ssettm $0x1  }
0x91: {  	s17 =	sld [smem:$0x3FFB];
	_ =	sdelay $0x3  }
0x92: {  	_ =	strace s17  }
0x93: {  	s2 =	sld [smem:$0x3FFC];
	_ =	sdelay $0x3  }
0x94: {  	_ =	strace s2  }
0x95: {  	s2 =	sld [smem:$0x3FFD];
	_ =	sdelay $0x3  }
0x96: {  	_ =	strace s2  }
0x97: {  	_ =	strace $0x8FFFFFFF  }
0x98: {  	s18 =	sld [smem:$0x3FDB];
	_ =	sdelay $0x1  }
0x99: {  	s19 =	simm.s32 $_scs_section_size  }
0x9a: {  	s4 =	simm.s32 $_size__tile_overlayer_lowered;
	s5 =	simm.s32 $_tile_overlayer_lowered  }
0x9b: {  	s22 =	simm.s32 $0x1BFF;
	s21 =	sshll.u32 s5, $0x1;
	s2 =	sadd.s32 s19, s18  }
0x9c: {  	s6 =	simm.s32 $0x0;
	s20 =	sshll.u32 s4, $0x1;
	s4 =	sadd.s32 s21, s2  }
0x9d: {  	[timem:s6], [sflag:s22] =	dma.local [hbm:s4], s20  }
0x9e: {  	_ =	swait.ge [sflag:s22], s20  }
0x9f: {  	s3 =	ssub.s32 $0x0, s20;
	[sflag:s22] =	ssyncset.done $0x0  }
0xa0: {  	[sflag:s22] =	ssyncadd.s32 s3;
	_ =	sdelay $0x1  }
0xa1: {  	s23 =	simm.s32 $0x1B8B  }
0xa2: {  	_ =	swait.ge [sflag:s23], $0x1  }
0xa3: {  	[sflag:s23] =	ssyncset.done $0x0  }
0xa4: {  	s25 =	simm.s32 $0x1B8E;
	s24 =	sld [smem:$0x3FFE];
	[sflag:s23] =	ssyncadd.s32 $0xFFFFFFFF  }
0xa5: {  	s26 =	simm.s32 $execute0_lowered;
	[smem:$0x3FD2] =	sst s25  }
0xa6: {  	s4 =	sshll.u32 s26, $0x1;
	_ =	strace $0x80000049;
	[dreg:$0x1] =	wrdreg $0xFFFFFFFF  }
0xa7: {  	s28 =	simm.s32 $_size_execute0_lowered;
	s2 =	sadd.s32 s2, s4;
	[dreg:$0x0] =	wrdreg $0x0  }
0xa8: {  	s4 =	sshll.u32 s28, $0x1;
	[dreg:$0x2] =	wrdreg s2  }
0xa9: {  	[dreg:$0x3] =	wrdreg s4  }
0xaa: {  	[dreg:$0x4] =	wrdreg $0xC0  }
0xab: {  	_ =	task [dreg:s6], $0x5FFFF  }
0xac: {  	[dreg:$0x1] =	wrdreg $0xFFFFFFFF  }
0xad: {  	[dreg:$0x0] =	wrdreg $0x60  }
0xae: {  	[dreg:$0x2] =	wrdreg s24  }
0xaf: {  	[dreg:$0x3] =	wrdreg $0x59800  }
0xb0: {  	[dreg:$0x4] =	wrdreg $0x72000  }
0xb1: {  	[dreg:$0x5] =	wrdreg $0x28800  }
0xb2: {  	[dreg:$0x6] =	wrdreg $0x41000  }
0xb3: {  	[dreg:$0x7] =	wrdreg $0x9  }
0xb4: {  	_ =	task.clear_ibuf [dreg:s6], $0x8FFFF;
	_ =	strace $0x90000049  }
0xb5: {  	s29 =	simm.s32 $0x9;
	_ =	strace $0x8000004B  }
0xb6: {  	_ =	swait.ge [sflag:s29], $0x1  }
0xb7: {  	[sflag:s29] =	ssyncadd.s32 $0xFFFFFFFF  }
0xb8: {  	_ =	strace $0x9000004B  }
0xb9: {  	_ =	sfence  }
0xba: {  	s30 =	sld [smem:$0x0];
	_ =	sdelay $0x2  }
0xbb: {  	s31 =	sshll.u32 s1, $0xD;
	s1 =	sshrl.u32 s1, $0x2  }
0xbc: {  	s3 =	sand.u32 $0x4000, s31;
	s1 =	sadd.s32 s1, s30  }
0xbd: {  	s0 =	sor.u32 s3, s0;
	s1 =	sshll.u32 s1, $0x11  }
0xbe: {  	s0 =	sor.u32 s1, s0  }
0xbf: {  	s0 =	sadd.s32 $0x8F2B, s0  }
0xc0: {  	[sflag:s0] =	ssyncadd.remote.s32 $0x1  }
0xc1: {  	_ =	sfence.sel $0xFFFF  }
0xc2: {  	[dreg:$0x0] =	wrdreg $0xFFFFFFFF;
	(pc) =	sbr.abs _section_cstart, $3  }
0xc3: {  	[dreg:$0x1] =	wrdreg $0xFFFFFFFF  }
0xc4: {  	_ =	task.clear_ibuf [dreg:s6], $0x2FFFF;
	_ =	strace $0x9FFFFFFF  }
0xc5: {  	(tm) =	ssettm $0x7FFFFFFF  }
tec
execute0_lowered:
.L_overlay_start_1:
0x0: {  	(tag) =	ssettag $0x1  }
0x1: {  	s1 =	rddreg [dreg:$0x0]  }
0x2: {  	s0 =	rddreg [dreg:$0x1]  }
0x3: {  	s2 =	rddreg [dreg:$0x2]  }
0x4: {  	s3 =	srdreg.scid;
	s4 =	rddreg [dreg:$0x3]  }
0x5: {  	s6 =	stileid.u32;
	s5 =	rddreg [dreg:$0x4];
	s17 =	simm.s32 $0x1000  }
0x6: {  	s28 =	simm.s32 $0x280;
	s29 =	simm.s32 $0x680;
	s30 =	simm.s32 $0x300  }
0x7: {  	s31 =	simm.s32 $0x700;
	s16 =	simm.s32 $0x2;
	s8 =	smul.u32 $0xC400, s6  }
0x8: {  	s12 =	simm.s32 $0x3;
	s3 =	sand.u32 $0x1, s3;
	s9 =	smul.u32 $0x1880, s6  }
0x9: {  	s11 =	simm.s32 $0x0;
	s6 =	simm.s32 $0x0;
	s7 =	smul.u32 $0xC4000, s3  }
0xa: {  	s18 =	smul.u32 $0x18800, s3;
	[smem:$0x7FF] =	sst s6;
	s3 =	ssub.s32 $0x2, s3  }
0xb: {  	_ =	strace $0x8000004A;
	s10 =	sshrl.u32 s9, $0x3;
	s19 =	sshrl.u32 s3, $0x1  }
0xc: {  	s21 =	sadd.s32 s9, s0;
	s23 =	sadd.s32 s9, s2;
	s13 =	sadd.s32 s9, s5  }
0xd: {  	s7 =	sadd.s32 s8, s7;
	s8 =	sadd.s32 s9, s18;
	[dreg:$0x9] =	wrdreg s21  }
0xe: {  	s10 =	sadd.s32 s10, s1;
	s3 =	ssub.s32 s3, s19;
	[dreg:$0xb] =	wrdreg s23  }
0xf: {  	s18 =	simm.s32 $0x400;
	s19 =	simm.s32 $0x80;
	s21 =	simm.s32 $0x100  }
0x10: {  	[dreg:$0xd] =	wrdreg s13;
	s7 =	sshrl.u32 s7, $0x3;
	s20 =	sadd.s32 $0x66000, s10  }
0x11: {  	s8 =	sshrl.u32 s8, $0x3;
	s22 =	sadd.s32 $0x62E00, s10;
	[dreg:$0x8] =	wrdreg s20  }
0x12: {  	s10 =	sadd.s32 s9, s4;
	s3 =	smax.u32 s3, $0x1;
	[dreg:$0xa] =	wrdreg s22  }
0x13: {  	s7 =	sadd.s32 s7, s1;
	s1 =	sadd.s32 s8, s1;
	[dreg:$0x10] =	wrdreg s3  }
0x14: {  	s9 =	simm.s32 $0x4;
	[dreg:$0xc] =	wrdreg s10;
	s24 =	sadd.s32 $0x69200, s1  }
0x15: {  	s20 =	simm.s32 $0x480;
	s1 =	sadd.s32 $0x6F400, s1;
	[dreg:$0xe] =	wrdreg s24  }
0x16: {  	s22 =	simm.s32 $0x500;
	s25 =	sadd.s32 $0xE00, s7;
	[dreg:$0xf] =	wrdreg s1  }
0x17: {  	s3 =	simm.s32 $0x380;
	s26 =	sadd.s32 $0x31E00, s7;
	[dreg:$0x6] =	wrdreg s25  }
0x18: {  	s7 =	simm.s32 $0x1;
	[dreg:$0x7] =	wrdreg s26;
	s24 =	simm.s32 $0x580  }
0x19: {  	v0 =	vimm.f32 $0.0e+00;
	s25 =	simm.s32 $0x200;
	s26 =	simm.s32 $0x600;
	s1 =	simm.s32 $0x780  }
.LBB2_1:
0x1a: {  	[dreg:$0x11] =	wrdreg s11  }
0x1b: {  	s8 =	rddreg [dreg:$0x8]  }
0x1c: {  	[tilespmem:s17], [sflag:$0x4] =	stream.linear.gather [hbm4b:s8+s6], $0x1880, $0x38;
	[tilespmem:$0x8A80] =	vst v63  }
0x1d: {  	_ =	swait.ge [sflag:s9], $0x1880  }
0x1e: {  	[sflag:s9] =	ssyncset.done $0x0  }
0x1f: {  	s14 =	rddreg [dreg:$0x9];
	[sflag:s9] =	ssyncadd.s32 $0xFFFFE780  }
0x20: {  	[spmem:s14] =	stream.linear.scatter [tilespmem:s17], [sflag:$0x4], $0x1880, $0x38;
	[tilespmem:$0x8A80] =	vst v63  }
0x21: {  	_ =	swait.ge [sflag:s9], $0x1880  }
0x22: {  	[sflag:s9] =	ssyncset.done $0x0  }
0x23: {  	s15 =	rddreg [dreg:$0xa];
	[sflag:s9] =	ssyncadd.s32 $0xFFFFE780  }
0x24: {  	[tilespmem:s17], [sflag:$0x4] =	stream.linear.gather [hbm4b:s15+s6], $0x1880, $0x38;
	[tilespmem:$0x8A80] =	vst v63  }
0x25: {  	_ =	swait.ge [sflag:s9], $0x1880  }
0x26: {  	[sflag:s9] =	ssyncset.done $0x0  }
0x27: {  	s23 =	rddreg [dreg:$0xb];
	[sflag:s9] =	ssyncadd.s32 $0xFFFFE780  }
0x28: {  	[spmem:s23] =	stream.linear.scatter [tilespmem:s17], [sflag:$0x4], $0x1880, $0x38;
	[tilespmem:$0x8A80] =	vst v63  }
0x29: {  	_ =	swait.ge [sflag:s9], $0x1880  }
0x2a: {  	[sflag:s9] =	ssyncset.done $0x0  }
0x2b: {  	s8 =	simm.s32 $0x40;
	[sflag:s9] =	ssyncadd.s32 $0xFFFFE780;
	s9 =	simm.s32 $0x0  }
.LBB2_2:
0x2c: {  	p0 =	sne.s32 s8, $0x61C0;
	[tilespmem:s9+$0x1000] =	vst v0;
	s9 =	smov.u32 s8;
	s8 =	sadd.s32 $0x40, s8  }
.Ltmp0:
0x2d: {  	(pc) =	sbr.rel @p0 .LBB2_2-.Ltmp0, $2  }
0x2e: {  	_ =	sdelay $0x2  }
0x2f: {  	s9 =	sshra.s32 s9, $0x2  }
0x30: {  	[tilespmem:s9+$0x1000] =	vst v0;
	s8 =	simm.s32 $0x4  }
0x31: {  	[spmem:s10] =	stream.linear.scatter [tilespmem:s17], [sflag:$0x4], $0x1880, $0x38;
	[tilespmem:$0x8A80] =	vst v63  }
0x32: {  	_ =	swait.ge [sflag:s8], $0x1880  }
0x33: {  	[sflag:s8] =	ssyncset.done $0x0  }
0x34: {  	[sflag:s8] =	ssyncadd.s32 $0xFFFFE780  }
0x35: {  	[spmem:s13] =	stream.linear.scatter [tilespmem:s17], [sflag:$0x4], $0x1880, $0x38;
	[tilespmem:$0x8A80] =	vst v63  }
0x36: {  	_ =	swait.ge [sflag:s8], $0x1880  }
0x37: {  	[sflag:s8] =	ssyncset.done $0x0  }
0x38: {  	[sflag:s8] =	ssyncadd.s32 $0xFFFFE780  }
0x39: {  	[bflag:$0x0] =	sbarrier.arrive $0xFFFF  }
0x3a: {  	s13 =	rddreg [dreg:$0x6]  }
0x3b: {  	s14 =	rddreg [dreg:$0x7];
	s8 =	sadd.s32 $0x0, s13  }
0x3c: {  	[tilespmem:s6], [sflag:$0x1] =	stream.linear.gather [hbm4b:s8+s6], $0x80, $0x38;
	[tilespmem:$0x8A80] =	vst v63  }
0x3d: {  	s9 =	sadd.s32 $0x0, s14  }
0x3e: {  	[tilespmem:s18], [sflag:$0x1] =	stream.linear.gather [hbm4b:s9+s6], $0x80, $0x38;
	[tilespmem:$0x8A80] =	vst v63  }
0x3f: {  	s15 =	sadd.s32 $0x10, s8  }
0x40: {  	[tilespmem:s19], [sflag:$0x1] =	stream.linear.gather [hbm4b:s15+s6], $0x80, $0x38;
	[tilespmem:$0x8A80] =	vst v63  }
0x41: {  	s23 =	sadd.s32 $0x10, s9  }
0x42: {  	[tilespmem:s20], [sflag:$0x1] =	stream.linear.gather [hbm4b:s23+s6], $0x80, $0x38;
	[tilespmem:$0x8A80] =	vst v63  }
0x43: {  	s10 =	sadd.s32 $0x20, s8  }
0x44: {  	[tilespmem:s21], [sflag:$0x1] =	stream.linear.gather [hbm4b:s10+s6], $0x80, $0x38;
	[tilespmem:$0x8A80] =	vst v63  }
0x45: {  	s11 =	sadd.s32 $0x20, s9  }
0x46: {  	[tilespmem:s22], [sflag:$0x1] =	stream.linear.gather [hbm4b:s11+s6], $0x80, $0x38;
	[tilespmem:$0x8A80] =	vst v63  }
0x47: {  	s13 =	sadd.s32 $0x30, s8;
	s23 =	simm.s32 $0x180  }
0x48: {  	[tilespmem:s23], [sflag:$0x1] =	stream.linear.gather [hbm4b:s13+s6], $0x80, $0x38;
	[tilespmem:$0x8A80] =	vst v63  }
0x49: {  	s14 =	sadd.s32 $0x30, s9  }
0x4a: {  	[tilespmem:s24], [sflag:$0x1] =	stream.linear.gather [hbm4b:s14+s6], $0x80, $0x38;
	[tilespmem:$0x8A80] =	vst v63  }
0x4b: {  	s15 =	sadd.s32 $0x40, s8  }
0x4c: {  	[tilespmem:s25], [sflag:$0x1] =	stream.linear.gather [hbm4b:s15+s6], $0x80, $0x38;
	[tilespmem:$0x8A80] =	vst v63  }
0x4d: {  	s10 =	sadd.s32 $0x40, s9  }
0x4e: {  	[tilespmem:s26], [sflag:$0x1] =	stream.linear.gather [hbm4b:s10+s6], $0x80, $0x38;
	[tilespmem:$0x8A80] =	vst v63  }
0x4f: {  	s11 =	sadd.s32 $0x50, s8  }
0x50: {  	[tilespmem:s28], [sflag:$0x1] =	stream.linear.gather [hbm4b:s11+s6], $0x80, $0x38;
	[tilespmem:$0x8A80] =	vst v63  }
0x51: {  	s13 =	sadd.s32 $0x50, s9  }
0x52: {  	[tilespmem:s29], [sflag:$0x1] =	stream.linear.gather [hbm4b:s13+s6], $0x80, $0x38;
	[tilespmem:$0x8A80] =	vst v63  }
0x53: {  	s14 =	sadd.s32 $0x60, s8  }
0x54: {  	[tilespmem:s30], [sflag:$0x1] =	stream.linear.gather [hbm4b:s14+s6], $0x80, $0x38;
	[tilespmem:$0x8A80] =	vst v63  }
0x55: {  	s15 =	sadd.s32 $0x60, s9  }
0x56: {  	[tilespmem:s31], [sflag:$0x1] =	stream.linear.gather [hbm4b:s15+s6], $0x80, $0x38;
	[tilespmem:$0x8A80] =	vst v63  }
0x57: {  	s8 =	sadd.s32 $0x70, s8  }
0x58: {  	[tilespmem:s3], [sflag:$0x1] =	stream.linear.gather [hbm4b:s8+s6], $0x80, $0x38;
	[tilespmem:$0x8A80] =	vst v63  }
0x59: {  	s17 =	sadd.s32 $0x70, s9  }
0x5a: {  	[tilespmem:s1], [sflag:$0x1] =	stream.linear.gather [hbm4b:s17+s6], $0x80, $0x38;
	[tilespmem:$0x8A80] =	vst v63  }
0x5b: {  	_ =	swait.ge [sflag:s7], $0x80  }
0x5c: {  	[sflag:s7] =	ssyncset.done $0x0  }
0x5d: {  	[sflag:s7] =	ssyncadd.s32 $0xFFFFFF80  }
0x5e: {  	_ =	swait.ge [sflag:s7], $0x80  }
0x5f: {  	[sflag:s7] =	ssyncset.done $0x0  }
0x60: {  	[sflag:s7] =	ssyncadd.s32 $0xFFFFFF80  }
0x61: {  	_ =	swait.ge [sflag:s7], $0x80  }
0x62: {  	[sflag:s7] =	ssyncset.done $0x0  }
0x63: {  	[sflag:s7] =	ssyncadd.s32 $0xFFFFFF80  }
0x64: {  	_ =	swait.ge [sflag:s7], $0x80  }
0x65: {  	[sflag:s7] =	ssyncset.done $0x0  }
0x66: {  	[sflag:s7] =	ssyncadd.s32 $0xFFFFFF80  }
0x67: {  	_ =	swait.ge [sflag:s7], $0x80  }
0x68: {  	[sflag:s7] =	ssyncset.done $0x0  }
0x69: {  	[sflag:s7] =	ssyncadd.s32 $0xFFFFFF80  }
0x6a: {  	_ =	swait.ge [sflag:s7], $0x80  }
0x6b: {  	[sflag:s7] =	ssyncset.done $0x0  }
0x6c: {  	[sflag:s7] =	ssyncadd.s32 $0xFFFFFF80  }
0x6d: {  	_ =	swait.ge [sflag:s7], $0x80  }
0x6e: {  	[sflag:s7] =	ssyncset.done $0x0  }
0x6f: {  	[sflag:s7] =	ssyncadd.s32 $0xFFFFFF80  }
0x70: {  	_ =	swait.ge [sflag:s7], $0x80  }
0x71: {  	[sflag:s7] =	ssyncset.done $0x0  }
0x72: {  	[sflag:s7] =	ssyncadd.s32 $0xFFFFFF80  }
0x73: {  	_ =	swait.ge [sflag:s7], $0x80  }
0x74: {  	[sflag:s7] =	ssyncset.done $0x0  }
0x75: {  	[sflag:s7] =	ssyncadd.s32 $0xFFFFFF80  }
0x76: {  	_ =	swait.ge [sflag:s7], $0x80  }
0x77: {  	[sflag:s7] =	ssyncset.done $0x0  }
0x78: {  	[sflag:s7] =	ssyncadd.s32 $0xFFFFFF80  }
0x79: {  	_ =	swait.ge [sflag:s7], $0x80  }
0x7a: {  	[sflag:s7] =	ssyncset.done $0x0  }
0x7b: {  	[sflag:s7] =	ssyncadd.s32 $0xFFFFFF80  }
0x7c: {  	_ =	swait.ge [sflag:s7], $0x80  }
0x7d: {  	[sflag:s7] =	ssyncset.done $0x0  }
0x7e: {  	[sflag:s7] =	ssyncadd.s32 $0xFFFFFF80  }
0x7f: {  	_ =	swait.ge [sflag:s7], $0x80  }
0x80: {  	[sflag:s7] =	ssyncset.done $0x0  }
0x81: {  	[sflag:s7] =	ssyncadd.s32 $0xFFFFFF80  }
0x82: {  	_ =	swait.ge [sflag:s7], $0x80  }
0x83: {  	[sflag:s7] =	ssyncset.done $0x0  }
0x84: {  	[sflag:s7] =	ssyncadd.s32 $0xFFFFFF80  }
0x85: {  	_ =	swait.ge [sflag:s7], $0x80  }
0x86: {  	[sflag:s7] =	ssyncset.done $0x0  }
0x87: {  	[sflag:s7] =	ssyncadd.s32 $0xFFFFFF80  }
0x88: {  	_ =	swait.ge [sflag:s7], $0x80  }
0x89: {  	[sflag:s7] =	ssyncset.done $0x0  }
0x8a: {  	s8 =	simm.s32 $0x800;
	[sflag:s7] =	ssyncadd.s32 $0xFFFFFF80  }
0x8b: {  	[tilespmem:s8], [sflag:$0x2] =	stream.indirect.gather [spmem:s0], $0x1, s6, s19, $0xb8;
	[tilespmem:$0x8A80] =	vst v63  }
0x8c: {  	s14 =	simm.s32 $0x880  }
0x8d: {  	[tilespmem:s14], [sflag:$0x2] =	stream.indirect.gather [spmem:s0], $0x1, s19, s19, $0xb8;
	[tilespmem:$0x8A80] =	vst v63  }
0x8e: {  	s15 =	simm.s32 $0x900  }
0x8f: {  	[tilespmem:s15], [sflag:$0x2] =	stream.indirect.gather [spmem:s0], $0x1, s21, s19, $0xb8;
	[tilespmem:$0x8A80] =	vst v63  }
0x90: {  	s13 =	simm.s32 $0x980  }
0x91: {  	[tilespmem:s13], [sflag:$0x2] =	stream.indirect.gather [spmem:s0], $0x1, s23, s19, $0xb8;
	[tilespmem:$0x8A80] =	vst v63  }
0x92: {  	s9 =	simm.s32 $0xA00  }
0x93: {  	[tilespmem:s9], [sflag:$0x2] =	stream.indirect.gather [spmem:s0], $0x1, s25, s19, $0xb8;
	[tilespmem:$0x8A80] =	vst v63  }
0x94: {  	s10 =	simm.s32 $0xA80  }
0x95: {  	[tilespmem:s10], [sflag:$0x2] =	stream.indirect.gather [spmem:s0], $0x1, s28, s19, $0xb8;
	[tilespmem:$0x8A80] =	vst v63  }
0x96: {  	s11 =	simm.s32 $0xB00  }
0x97: {  	[tilespmem:s11], [sflag:$0x2] =	stream.indirect.gather [spmem:s0], $0x1, s30, s19, $0xb8;
	[tilespmem:$0x8A80] =	vst v63  }
0x98: {  	s17 =	simm.s32 $0xB80  }
0x99: {  	[tilespmem:s17], [sflag:$0x2] =	stream.indirect.gather [spmem:s0], $0x1, s3, s19, $0xb8;
	[tilespmem:$0x8A80] =	vst v63  }
0x9a: {  	_ =	swait.ge [sflag:s16], $0x80  }
0x9b: {  	[sflag:s16] =	ssyncset.done $0x0  }
0x9c: {  	[sflag:s16] =	ssyncadd.s32 $0xFFFFFF80  }
0x9d: {  	_ =	swait.ge [sflag:s16], $0x80  }
0x9e: {  	[sflag:s16] =	ssyncset.done $0x0  }
0x9f: {  	[sflag:s16] =	ssyncadd.s32 $0xFFFFFF80  }
0xa0: {  	_ =	swait.ge [sflag:s16], $0x80  }
0xa1: {  	[sflag:s16] =	ssyncset.done $0x0  }
0xa2: {  	[sflag:s16] =	ssyncadd.s32 $0xFFFFFF80  }
0xa3: {  	_ =	swait.ge [sflag:s16], $0x80  }
0xa4: {  	[sflag:s16] =	ssyncset.done $0x0  }
0xa5: {  	[sflag:s16] =	ssyncadd.s32 $0xFFFFFF80  }
0xa6: {  	_ =	swait.ge [sflag:s16], $0x80  }
0xa7: {  	[sflag:s16] =	ssyncset.done $0x0  }
0xa8: {  	[sflag:s16] =	ssyncadd.s32 $0xFFFFFF80  }
0xa9: {  	_ =	swait.ge [sflag:s16], $0x80  }
0xaa: {  	[sflag:s16] =	ssyncset.done $0x0  }
0xab: {  	[sflag:s16] =	ssyncadd.s32 $0xFFFFFF80  }
0xac: {  	_ =	swait.ge [sflag:s16], $0x80  }
0xad: {  	[sflag:s16] =	ssyncset.done $0x0  }
0xae: {  	[sflag:s16] =	ssyncadd.s32 $0xFFFFFF80  }
0xaf: {  	_ =	swait.ge [sflag:s16], $0x80  }
0xb0: {  	[sflag:s16] =	ssyncset.done $0x0  }
0xb1: {  	[sflag:s16] =	ssyncadd.s32 $0xFFFFFF80  }
0xb2: {  	[spmem:s4] =	stream.indirect.scatter.add.f32 [tilespmem:s8], [sflag:$0x3], $0x1, s18, s19, $0xb8;
	[tilespmem:$0x8A80] =	vst v63  }
0xb3: {  	_ = 	snop  }
0xb4: {  	[spmem:s4] =	stream.indirect.scatter.add.f32 [tilespmem:s14], [sflag:$0x3], $0x1, s20, s19, $0xb8;
	[tilespmem:$0x8A80] =	vst v63  }
0xb5: {  	_ = 	snop  }
0xb6: {  	[spmem:s4] =	stream.indirect.scatter.add.f32 [tilespmem:s15], [sflag:$0x3], $0x1, s22, s19, $0xb8;
	[tilespmem:$0x8A80] =	vst v63  }
0xb7: {  	_ = 	snop  }
0xb8: {  	[spmem:s4] =	stream.indirect.scatter.add.f32 [tilespmem:s13], [sflag:$0x3], $0x1, s24, s19, $0xb8;
	[tilespmem:$0x8A80] =	vst v63  }
0xb9: {  	_ = 	snop  }
0xba: {  	[spmem:s4] =	stream.indirect.scatter.add.f32 [tilespmem:s9], [sflag:$0x3], $0x1, s26, s19, $0xb8;
	[tilespmem:$0x8A80] =	vst v63  }
0xbb: {  	_ = 	snop  }
0xbc: {  	[spmem:s4] =	stream.indirect.scatter.add.f32 [tilespmem:s10], [sflag:$0x3], $0x1, s29, s19, $0xb8;
	[tilespmem:$0x8A80] =	vst v63  }
0xbd: {  	_ = 	snop  }
0xbe: {  	[spmem:s4] =	stream.indirect.scatter.add.f32 [tilespmem:s11], [sflag:$0x3], $0x1, s31, s19, $0xb8;
	[tilespmem:$0x8A80] =	vst v63  }
0xbf: {  	_ = 	snop  }
0xc0: {  	[spmem:s4] =	stream.indirect.scatter.add.f32 [tilespmem:s17], [sflag:$0x3], $0x1, s1, s19, $0xb8;
	[tilespmem:$0x8A80] =	vst v63  }
0xc1: {  	s8 =	simm.s32 $0xC00  }
0xc2: {  	[tilespmem:s8], [sflag:$0x2] =	stream.indirect.gather [spmem:s2], $0x1, s18, s19, $0xb8;
	[tilespmem:$0x8A80] =	vst v63  }
0xc3: {  	s9 =	simm.s32 $0xC80  }
0xc4: {  	[tilespmem:s9], [sflag:$0x2] =	stream.indirect.gather [spmem:s2], $0x1, s20, s19, $0xb8;
	[tilespmem:$0x8A80] =	vst v63  }
0xc5: {  	s10 =	simm.s32 $0xD00  }
0xc6: {  	[tilespmem:s10], [sflag:$0x2] =	stream.indirect.gather [spmem:s2], $0x1, s22, s19, $0xb8;
	[tilespmem:$0x8A80] =	vst v63  }
0xc7: {  	s11 =	simm.s32 $0xD80  }
0xc8: {  	[tilespmem:s11], [sflag:$0x2] =	stream.indirect.gather [spmem:s2], $0x1, s24, s19, $0xb8;
	[tilespmem:$0x8A80] =	vst v63  }
0xc9: {  	s13 =	simm.s32 $0xE00  }
0xca: {  	[tilespmem:s13], [sflag:$0x2] =	stream.indirect.gather [spmem:s2], $0x1, s26, s19, $0xb8;
	[tilespmem:$0x8A80] =	vst v63  }
0xcb: {  	s14 =	simm.s32 $0xE80  }
0xcc: {  	[tilespmem:s14], [sflag:$0x2] =	stream.indirect.gather [spmem:s2], $0x1, s29, s19, $0xb8;
	[tilespmem:$0x8A80] =	vst v63  }
0xcd: {  	s15 =	simm.s32 $0xF00  }
0xce: {  	[tilespmem:s15], [sflag:$0x2] =	stream.indirect.gather [spmem:s2], $0x1, s31, s19, $0xb8;
	[tilespmem:$0x8A80] =	vst v63  }
0xcf: {  	s17 =	simm.s32 $0xF80  }
0xd0: {  	[tilespmem:s17], [sflag:$0x2] =	stream.indirect.gather [spmem:s2], $0x1, s1, s19, $0xb8;
	[tilespmem:$0x8A80] =	vst v63  }
0xd1: {  	_ =	swait.ge [sflag:s16], $0x80  }
0xd2: {  	[sflag:s16] =	ssyncset.done $0x0  }
0xd3: {  	[sflag:s16] =	ssyncadd.s32 $0xFFFFFF80  }
0xd4: {  	_ =	swait.ge [sflag:s16], $0x80  }
0xd5: {  	[sflag:s16] =	ssyncset.done $0x0  }
0xd6: {  	[sflag:s16] =	ssyncadd.s32 $0xFFFFFF80  }
0xd7: {  	_ =	swait.ge [sflag:s16], $0x80  }
0xd8: {  	[sflag:s16] =	ssyncset.done $0x0  }
0xd9: {  	[sflag:s16] =	ssyncadd.s32 $0xFFFFFF80  }
0xda: {  	_ =	swait.ge [sflag:s16], $0x80  }
0xdb: {  	[sflag:s16] =	ssyncset.done $0x0  }
0xdc: {  	[sflag:s16] =	ssyncadd.s32 $0xFFFFFF80  }
0xdd: {  	_ =	swait.ge [sflag:s16], $0x80  }
0xde: {  	[sflag:s16] =	ssyncset.done $0x0  }
0xdf: {  	[sflag:s16] =	ssyncadd.s32 $0xFFFFFF80  }
0xe0: {  	_ =	swait.ge [sflag:s16], $0x80  }
0xe1: {  	[sflag:s16] =	ssyncset.done $0x0  }
0xe2: {  	[sflag:s16] =	ssyncadd.s32 $0xFFFFFF80  }
0xe3: {  	_ =	swait.ge [sflag:s16], $0x80  }
0xe4: {  	[sflag:s16] =	ssyncset.done $0x0  }
0xe5: {  	[sflag:s16] =	ssyncadd.s32 $0xFFFFFF80  }
0xe6: {  	_ =	swait.ge [sflag:s16], $0x80  }
0xe7: {  	[sflag:s16] =	ssyncset.done $0x0  }
0xe8: {  	[sflag:s16] =	ssyncadd.s32 $0xFFFFFF80  }
0xe9: {  	[spmem:s5] =	stream.indirect.scatter.add.f32 [tilespmem:s8], [sflag:$0x3], $0x1, s6, s19, $0xb8;
	[tilespmem:$0x8A80] =	vst v63  }
0xea: {  	_ = 	snop  }
0xeb: {  	[spmem:s5] =	stream.indirect.scatter.add.f32 [tilespmem:s9], [sflag:$0x3], $0x1, s19, s19, $0xb8;
	[tilespmem:$0x8A80] =	vst v63  }
0xec: {  	_ = 	snop  }
0xed: {  	[spmem:s5] =	stream.indirect.scatter.add.f32 [tilespmem:s10], [sflag:$0x3], $0x1, s21, s19, $0xb8;
	[tilespmem:$0x8A80] =	vst v63  }
0xee: {  	_ = 	snop  }
0xef: {  	[spmem:s5] =	stream.indirect.scatter.add.f32 [tilespmem:s11], [sflag:$0x3], $0x1, s23, s19, $0xb8;
	[tilespmem:$0x8A80] =	vst v63  }
0xf0: {  	_ = 	snop  }
0xf1: {  	[spmem:s5] =	stream.indirect.scatter.add.f32 [tilespmem:s13], [sflag:$0x3], $0x1, s25, s19, $0xb8;
	[tilespmem:$0x8A80] =	vst v63  }
0xf2: {  	_ = 	snop  }
0xf3: {  	[spmem:s5] =	stream.indirect.scatter.add.f32 [tilespmem:s14], [sflag:$0x3], $0x1, s28, s19, $0xb8;
	[tilespmem:$0x8A80] =	vst v63  }
0xf4: {  	_ = 	snop  }
0xf5: {  	[spmem:s5] =	stream.indirect.scatter.add.f32 [tilespmem:s15], [sflag:$0x3], $0x1, s30, s19, $0xb8;
	[tilespmem:$0x8A80] =	vst v63  }
0xf6: {  	_ = 	snop  }
0xf7: {  	[spmem:s5] =	stream.indirect.scatter.add.f32 [tilespmem:s17], [sflag:$0x3], $0x1, s3, s19, $0xb8;
	[tilespmem:$0x8A80] =	vst v63  }
0xf8: {  	_ =	swait.ge [sflag:s12], $0x80  }
0xf9: {  	[sflag:s12] =	ssyncset.done $0x0  }
0xfa: {  	[sflag:s12] =	ssyncadd.s32 $0xFFFFFF80  }
0xfb: {  	_ =	swait.ge [sflag:s12], $0x80  }
0xfc: {  	[sflag:s12] =	ssyncset.done $0x0  }
0xfd: {  	[sflag:s12] =	ssyncadd.s32 $0xFFFFFF80  }
0xfe: {  	_ =	swait.ge [sflag:s12], $0x80  }
0xff: {  	[sflag:s12] =	ssyncset.done $0x0  }
0x100: {  	[sflag:s12] =	ssyncadd.s32 $0xFFFFFF80  }
0x101: {  	_ =	swait.ge [sflag:s12], $0x80  }
0x102: {  	[sflag:s12] =	ssyncset.done $0x0  }
0x103: {  	[sflag:s12] =	ssyncadd.s32 $0xFFFFFF80  }
0x104: {  	_ =	swait.ge [sflag:s12], $0x80  }
0x105: {  	[sflag:s12] =	ssyncset.done $0x0  }
0x106: {  	[sflag:s12] =	ssyncadd.s32 $0xFFFFFF80  }
0x107: {  	_ =	swait.ge [sflag:s12], $0x80  }
0x108: {  	[sflag:s12] =	ssyncset.done $0x0  }
0x109: {  	[sflag:s12] =	ssyncadd.s32 $0xFFFFFF80  }
0x10a: {  	_ =	swait.ge [sflag:s12], $0x80  }
0x10b: {  	[sflag:s12] =	ssyncset.done $0x0  }
0x10c: {  	[sflag:s12] =	ssyncadd.s32 $0xFFFFFF80  }
0x10d: {  	_ =	swait.ge [sflag:s12], $0x80  }
0x10e: {  	[sflag:s12] =	ssyncset.done $0x0  }
0x10f: {  	[sflag:s12] =	ssyncadd.s32 $0xFFFFFF80  }
0x110: {  	_ =	swait.ge [sflag:s12], $0x80  }
0x111: {  	[sflag:s12] =	ssyncset.done $0x0  }
0x112: {  	[sflag:s12] =	ssyncadd.s32 $0xFFFFFF80  }
0x113: {  	_ =	swait.ge [sflag:s12], $0x80  }
0x114: {  	[sflag:s12] =	ssyncset.done $0x0  }
0x115: {  	[sflag:s12] =	ssyncadd.s32 $0xFFFFFF80  }
0x116: {  	_ =	swait.ge [sflag:s12], $0x80  }
0x117: {  	[sflag:s12] =	ssyncset.done $0x0  }
0x118: {  	[sflag:s12] =	ssyncadd.s32 $0xFFFFFF80  }
0x119: {  	_ =	swait.ge [sflag:s12], $0x80  }
0x11a: {  	[sflag:s12] =	ssyncset.done $0x0  }
0x11b: {  	[sflag:s12] =	ssyncadd.s32 $0xFFFFFF80  }
0x11c: {  	_ =	swait.ge [sflag:s12], $0x80  }
0x11d: {  	[sflag:s12] =	ssyncset.done $0x0  }
0x11e: {  	[sflag:s12] =	ssyncadd.s32 $0xFFFFFF80  }
0x11f: {  	_ =	swait.ge [sflag:s12], $0x80  }
0x120: {  	[sflag:s12] =	ssyncset.done $0x0  }
0x121: {  	[sflag:s12] =	ssyncadd.s32 $0xFFFFFF80  }
0x122: {  	_ =	swait.ge [sflag:s12], $0x80  }
0x123: {  	[sflag:s12] =	ssyncset.done $0x0  }
0x124: {  	[sflag:s12] =	ssyncadd.s32 $0xFFFFFF80  }
0x125: {  	s8 =	simm.s32 $0x100;
	s11 =	simm.s32 $0x180;
	_ =	swait.ge [sflag:s12], $0x80  }
0x126: {  	s17 =	simm.s32 $0x80;
	s9 =	rddreg [dreg:$0x6];
	[sflag:s12] =	ssyncset.done $0x0  }
.LBB2_4:
0x127: {  	[sflag:s12] =	ssyncadd.s32 $0xFFFFFF80;
	s13 =	rddreg [dreg:$0x7];
	s9 =	sadd.s32 s17, s9  }
0x128: {  	[tilespmem:s6], [sflag:$0x1] =	stream.linear.gather [hbm4b:s9+s6], $0x80, $0x38;
	[tilespmem:$0x8A80] =	vst v63  }
0x129: {  	s13 =	sadd.s32 s17, s13  }
0x12a: {  	[tilespmem:s18], [sflag:$0x1] =	stream.linear.gather [hbm4b:s13+s6], $0x80, $0x38;
	[tilespmem:$0x8A80] =	vst v63  }
0x12b: {  	s23 =	sadd.s32 $0x10, s9  }
0x12c: {  	[tilespmem:s19], [sflag:$0x1] =	stream.linear.gather [hbm4b:s23+s6], $0x80, $0x38;
	[tilespmem:$0x8A80] =	vst v63  }
0x12d: {  	s14 =	sadd.s32 $0x10, s13  }
0x12e: {  	[tilespmem:s20], [sflag:$0x1] =	stream.linear.gather [hbm4b:s14+s6], $0x80, $0x38;
	[tilespmem:$0x8A80] =	vst v63  }
0x12f: {  	s15 =	sadd.s32 $0x20, s9  }
0x130: {  	[tilespmem:s21], [sflag:$0x1] =	stream.linear.gather [hbm4b:s15+s6], $0x80, $0x38;
	[tilespmem:$0x8A80] =	vst v63  }
0x131: {  	s18 =	sadd.s32 $0x20, s13  }
0x132: {  	[tilespmem:s22], [sflag:$0x1] =	stream.linear.gather [hbm4b:s18+s6], $0x80, $0x38;
	[tilespmem:$0x8A80] =	vst v63  }
0x133: {  	s20 =	sadd.s32 $0x30, s9  }
0x134: {  	[tilespmem:s11], [sflag:$0x1] =	stream.linear.gather [hbm4b:s20+s6], $0x80, $0x38;
	[tilespmem:$0x8A80] =	vst v63  }
0x135: {  	s23 =	sadd.s32 $0x30, s13  }
0x136: {  	[tilespmem:s24], [sflag:$0x1] =	stream.linear.gather [hbm4b:s23+s6], $0x80, $0x38;
	[tilespmem:$0x8A80] =	vst v63  }
0x137: {  	s14 =	sadd.s32 $0x40, s9  }
0x138: {  	[tilespmem:s25], [sflag:$0x1] =	stream.linear.gather [hbm4b:s14+s6], $0x80, $0x38;
	[tilespmem:$0x8A80] =	vst v63  }
0x139: {  	s15 =	sadd.s32 $0x40, s13  }
0x13a: {  	[tilespmem:s26], [sflag:$0x1] =	stream.linear.gather [hbm4b:s15+s6], $0x80, $0x38;
	[tilespmem:$0x8A80] =	vst v63  }
0x13b: {  	s18 =	sadd.s32 $0x50, s9  }
0x13c: {  	[tilespmem:s28], [sflag:$0x1] =	stream.linear.gather [hbm4b:s18+s6], $0x80, $0x38;
	[tilespmem:$0x8A80] =	vst v63  }
0x13d: {  	s20 =	sadd.s32 $0x50, s13  }
0x13e: {  	[tilespmem:s29], [sflag:$0x1] =	stream.linear.gather [hbm4b:s20+s6], $0x80, $0x38;
	[tilespmem:$0x8A80] =	vst v63  }
0x13f: {  	s23 =	sadd.s32 $0x60, s9  }
0x140: {  	[tilespmem:s30], [sflag:$0x1] =	stream.linear.gather [hbm4b:s23+s6], $0x80, $0x38;
	[tilespmem:$0x8A80] =	vst v63  }
0x141: {  	s14 =	sadd.s32 $0x60, s13  }
0x142: {  	[tilespmem:s31], [sflag:$0x1] =	stream.linear.gather [hbm4b:s14+s6], $0x80, $0x38;
	[tilespmem:$0x8A80] =	vst v63  }
0x143: {  	s9 =	sadd.s32 $0x70, s9  }
0x144: {  	[tilespmem:s3], [sflag:$0x1] =	stream.linear.gather [hbm4b:s9+s6], $0x80, $0x38;
	[tilespmem:$0x8A80] =	vst v63  }
0x145: {  	s15 =	sadd.s32 $0x70, s13  }
0x146: {  	[tilespmem:s1], [sflag:$0x1] =	stream.linear.gather [hbm4b:s15+s6], $0x80, $0x38;
	[tilespmem:$0x8A80] =	vst v63  }
0x147: {  	_ =	swait.ge [sflag:s7], $0x80  }
0x148: {  	[sflag:s7] =	ssyncset.done $0x0  }
0x149: {  	[sflag:s7] =	ssyncadd.s32 $0xFFFFFF80  }
0x14a: {  	_ =	swait.ge [sflag:s7], $0x80  }
0x14b: {  	[sflag:s7] =	ssyncset.done $0x0  }
0x14c: {  	[sflag:s7] =	ssyncadd.s32 $0xFFFFFF80  }
0x14d: {  	_ =	swait.ge [sflag:s7], $0x80  }
0x14e: {  	[sflag:s7] =	ssyncset.done $0x0  }
0x14f: {  	[sflag:s7] =	ssyncadd.s32 $0xFFFFFF80  }
0x150: {  	_ =	swait.ge [sflag:s7], $0x80  }
0x151: {  	[sflag:s7] =	ssyncset.done $0x0  }
0x152: {  	[sflag:s7] =	ssyncadd.s32 $0xFFFFFF80  }
0x153: {  	_ =	swait.ge [sflag:s7], $0x80  }
0x154: {  	[sflag:s7] =	ssyncset.done $0x0  }
0x155: {  	[sflag:s7] =	ssyncadd.s32 $0xFFFFFF80  }
0x156: {  	_ =	swait.ge [sflag:s7], $0x80  }
0x157: {  	[sflag:s7] =	ssyncset.done $0x0  }
0x158: {  	[sflag:s7] =	ssyncadd.s32 $0xFFFFFF80  }
0x159: {  	_ =	swait.ge [sflag:s7], $0x80  }
0x15a: {  	[sflag:s7] =	ssyncset.done $0x0  }
0x15b: {  	[sflag:s7] =	ssyncadd.s32 $0xFFFFFF80  }
0x15c: {  	_ =	swait.ge [sflag:s7], $0x80  }
0x15d: {  	[sflag:s7] =	ssyncset.done $0x0  }
0x15e: {  	[sflag:s7] =	ssyncadd.s32 $0xFFFFFF80  }
0x15f: {  	_ =	swait.ge [sflag:s7], $0x80  }
0x160: {  	[sflag:s7] =	ssyncset.done $0x0  }
0x161: {  	[sflag:s7] =	ssyncadd.s32 $0xFFFFFF80  }
0x162: {  	_ =	swait.ge [sflag:s7], $0x80  }
0x163: {  	[sflag:s7] =	ssyncset.done $0x0  }
0x164: {  	[sflag:s7] =	ssyncadd.s32 $0xFFFFFF80  }
0x165: {  	_ =	swait.ge [sflag:s7], $0x80  }
0x166: {  	[sflag:s7] =	ssyncset.done $0x0  }
0x167: {  	[sflag:s7] =	ssyncadd.s32 $0xFFFFFF80  }
0x168: {  	_ =	swait.ge [sflag:s7], $0x80  }
0x169: {  	[sflag:s7] =	ssyncset.done $0x0  }
0x16a: {  	[sflag:s7] =	ssyncadd.s32 $0xFFFFFF80  }
0x16b: {  	_ =	swait.ge [sflag:s7], $0x80  }
0x16c: {  	[sflag:s7] =	ssyncset.done $0x0  }
0x16d: {  	[sflag:s7] =	ssyncadd.s32 $0xFFFFFF80  }
0x16e: {  	_ =	swait.ge [sflag:s7], $0x80  }
0x16f: {  	[sflag:s7] =	ssyncset.done $0x0  }
0x170: {  	[sflag:s7] =	ssyncadd.s32 $0xFFFFFF80  }
0x171: {  	_ =	swait.ge [sflag:s7], $0x80  }
0x172: {  	[sflag:s7] =	ssyncset.done $0x0  }
0x173: {  	[sflag:s7] =	ssyncadd.s32 $0xFFFFFF80  }
0x174: {  	_ =	swait.ge [sflag:s7], $0x80  }
0x175: {  	[sflag:s7] =	ssyncset.done $0x0  }
0x176: {  	s13 =	simm.s32 $0x800;
	[sflag:s7] =	ssyncadd.s32 $0xFFFFFF80  }
0x177: {  	[tilespmem:s13], [sflag:$0x2] =	stream.indirect.gather [spmem:s0], $0x1, s6, s19, $0xb8;
	[tilespmem:$0x8A80] =	vst v63  }
0x178: {  	s15 =	simm.s32 $0x880  }
0x179: {  	[tilespmem:s15], [sflag:$0x2] =	stream.indirect.gather [spmem:s0], $0x1, s19, s19, $0xb8;
	[tilespmem:$0x8A80] =	vst v63  }
0x17a: {  	s9 =	simm.s32 $0x900  }
0x17b: {  	[tilespmem:s9], [sflag:$0x2] =	stream.indirect.gather [spmem:s0], $0x1, s21, s19, $0xb8;
	[tilespmem:$0x8A80] =	vst v63  }
0x17c: {  	s10 =	smov.u32 s8;
	s14 =	simm.s32 $0x980  }
0x17d: {  	[tilespmem:s14], [sflag:$0x2] =	stream.indirect.gather [spmem:s0], $0x1, s11, s19, $0xb8;
	[tilespmem:$0x8A80] =	vst v63  }
0x17e: {  	s17 =	smov.u32 s10;
	s10 =	simm.s32 $0xA00  }
0x17f: {  	[tilespmem:s10], [sflag:$0x2] =	stream.indirect.gather [spmem:s0], $0x1, s25, s19, $0xb8;
	[tilespmem:$0x8A80] =	vst v63  }
0x180: {  	s11 =	simm.s32 $0xA80  }
0x181: {  	[tilespmem:s11], [sflag:$0x2] =	stream.indirect.gather [spmem:s0], $0x1, s28, s19, $0xb8;
	[tilespmem:$0x8A80] =	vst v63  }
0x182: {  	s21 =	simm.s32 $0xB00  }
0x183: {  	[tilespmem:s21], [sflag:$0x2] =	stream.indirect.gather [spmem:s0], $0x1, s30, s19, $0xb8;
	[tilespmem:$0x8A80] =	vst v63  }
0x184: {  	s23 =	simm.s32 $0xB80  }
0x185: {  	[tilespmem:s23], [sflag:$0x2] =	stream.indirect.gather [spmem:s0], $0x1, s3, s19, $0xb8;
	[tilespmem:$0x8A80] =	vst v63  }
0x186: {  	_ =	swait.ge [sflag:s16], $0x80  }
0x187: {  	[sflag:s16] =	ssyncset.done $0x0  }
0x188: {  	[sflag:s16] =	ssyncadd.s32 $0xFFFFFF80  }
0x189: {  	_ =	swait.ge [sflag:s16], $0x80  }
0x18a: {  	[sflag:s16] =	ssyncset.done $0x0  }
0x18b: {  	[sflag:s16] =	ssyncadd.s32 $0xFFFFFF80  }
0x18c: {  	_ =	swait.ge [sflag:s16], $0x80  }
0x18d: {  	[sflag:s16] =	ssyncset.done $0x0  }
0x18e: {  	[sflag:s16] =	ssyncadd.s32 $0xFFFFFF80  }
0x18f: {  	_ =	swait.ge [sflag:s16], $0x80  }
0x190: {  	[sflag:s16] =	ssyncset.done $0x0  }
0x191: {  	[sflag:s16] =	ssyncadd.s32 $0xFFFFFF80  }
0x192: {  	_ =	swait.ge [sflag:s16], $0x80  }
0x193: {  	[sflag:s16] =	ssyncset.done $0x0  }
0x194: {  	[sflag:s16] =	ssyncadd.s32 $0xFFFFFF80  }
0x195: {  	_ =	swait.ge [sflag:s16], $0x80  }
0x196: {  	[sflag:s16] =	ssyncset.done $0x0  }
0x197: {  	[sflag:s16] =	ssyncadd.s32 $0xFFFFFF80  }
0x198: {  	_ =	swait.ge [sflag:s16], $0x80  }
0x199: {  	[sflag:s16] =	ssyncset.done $0x0  }
0x19a: {  	[sflag:s16] =	ssyncadd.s32 $0xFFFFFF80  }
0x19b: {  	_ =	swait.ge [sflag:s16], $0x80  }
0x19c: {  	[sflag:s16] =	ssyncset.done $0x0  }
0x19d: {  	s18 =	simm.s32 $0x400;
	[sflag:s16] =	ssyncadd.s32 $0xFFFFFF80  }
0x19e: {  	[spmem:s4] =	stream.indirect.scatter.add.f32 [tilespmem:s13], [sflag:$0x3], $0x1, s18, s19, $0xb8;
	[tilespmem:$0x8A80] =	vst v63  }
0x19f: {  	s20 =	simm.s32 $0x480  }
0x1a0: {  	[spmem:s4] =	stream.indirect.scatter.add.f32 [tilespmem:s15], [sflag:$0x3], $0x1, s20, s19, $0xb8;
	[tilespmem:$0x8A80] =	vst v63  }
0x1a1: {  	_ = 	snop  }
0x1a2: {  	[spmem:s4] =	stream.indirect.scatter.add.f32 [tilespmem:s9], [sflag:$0x3], $0x1, s22, s19, $0xb8;
	[tilespmem:$0x8A80] =	vst v63  }
0x1a3: {  	_ = 	snop  }
0x1a4: {  	[spmem:s4] =	stream.indirect.scatter.add.f32 [tilespmem:s14], [sflag:$0x3], $0x1, s24, s19, $0xb8;
	[tilespmem:$0x8A80] =	vst v63  }
0x1a5: {  	_ = 	snop  }
0x1a6: {  	[spmem:s4] =	stream.indirect.scatter.add.f32 [tilespmem:s10], [sflag:$0x3], $0x1, s26, s19, $0xb8;
	[tilespmem:$0x8A80] =	vst v63  }
0x1a7: {  	_ = 	snop  }
0x1a8: {  	[spmem:s4] =	stream.indirect.scatter.add.f32 [tilespmem:s11], [sflag:$0x3], $0x1, s29, s19, $0xb8;
	[tilespmem:$0x8A80] =	vst v63  }
0x1a9: {  	_ = 	snop  }
0x1aa: {  	[spmem:s4] =	stream.indirect.scatter.add.f32 [tilespmem:s21], [sflag:$0x3], $0x1, s31, s19, $0xb8;
	[tilespmem:$0x8A80] =	vst v63  }
0x1ab: {  	_ = 	snop  }
0x1ac: {  	[spmem:s4] =	stream.indirect.scatter.add.f32 [tilespmem:s23], [sflag:$0x3], $0x1, s1, s19, $0xb8;
	[tilespmem:$0x8A80] =	vst v63  }
0x1ad: {  	s18 =	simm.s32 $0x400;
	s9 =	simm.s32 $0xC00  }
0x1ae: {  	[tilespmem:s9], [sflag:$0x2] =	stream.indirect.gather [spmem:s2], $0x1, s18, s19, $0xb8;
	[tilespmem:$0x8A80] =	vst v63  }
0x1af: {  	s10 =	simm.s32 $0xC80  }
0x1b0: {  	[tilespmem:s10], [sflag:$0x2] =	stream.indirect.gather [spmem:s2], $0x1, s20, s19, $0xb8;
	[tilespmem:$0x8A80] =	vst v63  }
0x1b1: {  	s11 =	simm.s32 $0xD00  }
0x1b2: {  	[tilespmem:s11], [sflag:$0x2] =	stream.indirect.gather [spmem:s2], $0x1, s22, s19, $0xb8;
	[tilespmem:$0x8A80] =	vst v63  }
0x1b3: {  	s14 =	simm.s32 $0xD80  }
0x1b4: {  	[tilespmem:s14], [sflag:$0x2] =	stream.indirect.gather [spmem:s2], $0x1, s24, s19, $0xb8;
	[tilespmem:$0x8A80] =	vst v63  }
0x1b5: {  	s15 =	simm.s32 $0xE00  }
0x1b6: {  	[tilespmem:s15], [sflag:$0x2] =	stream.indirect.gather [spmem:s2], $0x1, s26, s19, $0xb8;
	[tilespmem:$0x8A80] =	vst v63  }
0x1b7: {  	s22 =	simm.s32 $0xE80  }
0x1b8: {  	[tilespmem:s22], [sflag:$0x2] =	stream.indirect.gather [spmem:s2], $0x1, s29, s19, $0xb8;
	[tilespmem:$0x8A80] =	vst v63  }
0x1b9: {  	s23 =	simm.s32 $0xF00  }
0x1ba: {  	[tilespmem:s23], [sflag:$0x2] =	stream.indirect.gather [spmem:s2], $0x1, s31, s19, $0xb8;
	[tilespmem:$0x8A80] =	vst v63  }
0x1bb: {  	s24 =	simm.s32 $0xF80  }
0x1bc: {  	[tilespmem:s24], [sflag:$0x2] =	stream.indirect.gather [spmem:s2], $0x1, s1, s19, $0xb8;
	[tilespmem:$0x8A80] =	vst v63  }
0x1bd: {  	_ =	swait.ge [sflag:s16], $0x80  }
0x1be: {  	[sflag:s16] =	ssyncset.done $0x0  }
0x1bf: {  	[sflag:s16] =	ssyncadd.s32 $0xFFFFFF80  }
0x1c0: {  	_ =	swait.ge [sflag:s16], $0x80  }
0x1c1: {  	[sflag:s16] =	ssyncset.done $0x0  }
0x1c2: {  	[sflag:s16] =	ssyncadd.s32 $0xFFFFFF80  }
0x1c3: {  	_ =	swait.ge [sflag:s16], $0x80  }
0x1c4: {  	[sflag:s16] =	ssyncset.done $0x0  }
0x1c5: {  	[sflag:s16] =	ssyncadd.s32 $0xFFFFFF80  }
0x1c6: {  	_ =	swait.ge [sflag:s16], $0x80  }
0x1c7: {  	[sflag:s16] =	ssyncset.done $0x0  }
0x1c8: {  	[sflag:s16] =	ssyncadd.s32 $0xFFFFFF80  }
0x1c9: {  	_ =	swait.ge [sflag:s16], $0x80  }
0x1ca: {  	[sflag:s16] =	ssyncset.done $0x0  }
0x1cb: {  	[sflag:s16] =	ssyncadd.s32 $0xFFFFFF80  }
0x1cc: {  	_ =	swait.ge [sflag:s16], $0x80  }
0x1cd: {  	[sflag:s16] =	ssyncset.done $0x0  }
0x1ce: {  	[sflag:s16] =	ssyncadd.s32 $0xFFFFFF80  }
0x1cf: {  	_ =	swait.ge [sflag:s16], $0x80  }
0x1d0: {  	[sflag:s16] =	ssyncset.done $0x0  }
0x1d1: {  	[sflag:s16] =	ssyncadd.s32 $0xFFFFFF80  }
0x1d2: {  	_ =	swait.ge [sflag:s16], $0x80  }
0x1d3: {  	[sflag:s16] =	ssyncset.done $0x0  }
0x1d4: {  	[sflag:s16] =	ssyncadd.s32 $0xFFFFFF80  }
0x1d5: {  	[spmem:s5] =	stream.indirect.scatter.add.f32 [tilespmem:s9], [sflag:$0x3], $0x1, s6, s19, $0xb8;
	[tilespmem:$0x8A80] =	vst v63  }
0x1d6: {  	_ = 	snop  }
0x1d7: {  	[spmem:s5] =	stream.indirect.scatter.add.f32 [tilespmem:s10], [sflag:$0x3], $0x1, s19, s19, $0xb8;
	[tilespmem:$0x8A80] =	vst v63  }
0x1d8: {  	s21 =	simm.s32 $0x100  }
0x1d9: {  	[spmem:s5] =	stream.indirect.scatter.add.f32 [tilespmem:s11], [sflag:$0x3], $0x1, s21, s19, $0xb8;
	[tilespmem:$0x8A80] =	vst v63  }
0x1da: {  	s11 =	simm.s32 $0x180  }
0x1db: {  	[spmem:s5] =	stream.indirect.scatter.add.f32 [tilespmem:s14], [sflag:$0x3], $0x1, s11, s19, $0xb8;
	[tilespmem:$0x8A80] =	vst v63  }
0x1dc: {  	_ = 	snop  }
0x1dd: {  	[spmem:s5] =	stream.indirect.scatter.add.f32 [tilespmem:s15], [sflag:$0x3], $0x1, s25, s19, $0xb8;
	[tilespmem:$0x8A80] =	vst v63  }
0x1de: {  	_ = 	snop  }
0x1df: {  	[spmem:s5] =	stream.indirect.scatter.add.f32 [tilespmem:s22], [sflag:$0x3], $0x1, s28, s19, $0xb8;
	[tilespmem:$0x8A80] =	vst v63  }
0x1e0: {  	_ = 	snop  }
0x1e1: {  	[spmem:s5] =	stream.indirect.scatter.add.f32 [tilespmem:s23], [sflag:$0x3], $0x1, s30, s19, $0xb8;
	[tilespmem:$0x8A80] =	vst v63  }
0x1e2: {  	_ = 	snop  }
0x1e3: {  	[spmem:s5] =	stream.indirect.scatter.add.f32 [tilespmem:s24], [sflag:$0x3], $0x1, s3, s19, $0xb8;
	[tilespmem:$0x8A80] =	vst v63  }
0x1e4: {  	_ =	swait.ge [sflag:s12], $0x80  }
0x1e5: {  	[sflag:s12] =	ssyncset.done $0x0  }
0x1e6: {  	[sflag:s12] =	ssyncadd.s32 $0xFFFFFF80  }
0x1e7: {  	_ =	swait.ge [sflag:s12], $0x80  }
0x1e8: {  	[sflag:s12] =	ssyncset.done $0x0  }
0x1e9: {  	[sflag:s12] =	ssyncadd.s32 $0xFFFFFF80  }
0x1ea: {  	_ =	swait.ge [sflag:s12], $0x80  }
0x1eb: {  	[sflag:s12] =	ssyncset.done $0x0  }
0x1ec: {  	[sflag:s12] =	ssyncadd.s32 $0xFFFFFF80  }
0x1ed: {  	_ =	swait.ge [sflag:s12], $0x80  }
0x1ee: {  	[sflag:s12] =	ssyncset.done $0x0  }
0x1ef: {  	[sflag:s12] =	ssyncadd.s32 $0xFFFFFF80  }
0x1f0: {  	_ =	swait.ge [sflag:s12], $0x80  }
0x1f1: {  	[sflag:s12] =	ssyncset.done $0x0  }
0x1f2: {  	[sflag:s12] =	ssyncadd.s32 $0xFFFFFF80  }
0x1f3: {  	_ =	swait.ge [sflag:s12], $0x80  }
0x1f4: {  	[sflag:s12] =	ssyncset.done $0x0  }
0x1f5: {  	[sflag:s12] =	ssyncadd.s32 $0xFFFFFF80  }
0x1f6: {  	_ =	swait.ge [sflag:s12], $0x80  }
0x1f7: {  	[sflag:s12] =	ssyncset.done $0x0  }
0x1f8: {  	[sflag:s12] =	ssyncadd.s32 $0xFFFFFF80  }
0x1f9: {  	_ =	swait.ge [sflag:s12], $0x80  }
0x1fa: {  	[sflag:s12] =	ssyncset.done $0x0  }
0x1fb: {  	[sflag:s12] =	ssyncadd.s32 $0xFFFFFF80  }
0x1fc: {  	_ =	swait.ge [sflag:s12], $0x80  }
0x1fd: {  	[sflag:s12] =	ssyncset.done $0x0  }
0x1fe: {  	[sflag:s12] =	ssyncadd.s32 $0xFFFFFF80  }
0x1ff: {  	_ =	swait.ge [sflag:s12], $0x80  }
0x200: {  	[sflag:s12] =	ssyncset.done $0x0  }
0x201: {  	[sflag:s12] =	ssyncadd.s32 $0xFFFFFF80  }
0x202: {  	_ =	swait.ge [sflag:s12], $0x80  }
0x203: {  	[sflag:s12] =	ssyncset.done $0x0  }
0x204: {  	[sflag:s12] =	ssyncadd.s32 $0xFFFFFF80  }
0x205: {  	_ =	swait.ge [sflag:s12], $0x80  }
0x206: {  	[sflag:s12] =	ssyncset.done $0x0  }
0x207: {  	[sflag:s12] =	ssyncadd.s32 $0xFFFFFF80  }
0x208: {  	_ =	swait.ge [sflag:s12], $0x80  }
0x209: {  	[sflag:s12] =	ssyncset.done $0x0  }
0x20a: {  	[sflag:s12] =	ssyncadd.s32 $0xFFFFFF80  }
0x20b: {  	_ =	swait.ge [sflag:s12], $0x80  }
0x20c: {  	[sflag:s12] =	ssyncset.done $0x0  }
0x20d: {  	p0 =	sne.s32 s8, $0x1800;
	[sflag:s12] =	ssyncadd.s32 $0xFFFFFF80  }
.Ltmp1:
0x20e: {  	_ =	swait.ge [sflag:s12], $0x80;
	(pc) =	sbr.rel @p0 .LBB2_4-.Ltmp1, $4  }
0x20f: {  	[sflag:s12] =	ssyncset.done $0x0  }
0x210: {  	[sflag:s12] =	ssyncadd.s32 $0xFFFFFF80  }
0x211: {  	s8 =	sadd.s32 $0x80, s8;
	s22 =	simm.s32 $0x500;
	_ =	swait.ge [sflag:s12], $0x80  }
0x212: {  	s24 =	simm.s32 $0x580;
	s9 =	rddreg [dreg:$0x6];
	[sflag:s12] =	ssyncset.done $0x0  }
0x213: {  	s8 =	rddreg [dreg:$0x7];
	[sflag:s12] =	ssyncadd.s32 $0xFFFFFF80;
	s9 =	sadd.s32 s17, s9  }
0x214: {  	[tilespmem:s6], [sflag:$0x1] =	stream.linear.gather [hbm4b:s9+s6], $0x80, $0x38;
	[tilespmem:$0x8A80] =	vst v63  }
0x215: {  	s8 =	sadd.s32 s17, s8  }
0x216: {  	[tilespmem:s18], [sflag:$0x1] =	stream.linear.gather [hbm4b:s8+s6], $0x80, $0x38;
	[tilespmem:$0x8A80] =	vst v63  }
0x217: {  	s10 =	sadd.s32 $0x10, s9  }
0x218: {  	[tilespmem:s19], [sflag:$0x1] =	stream.linear.gather [hbm4b:s10+s6], $0x80, $0x38;
	[tilespmem:$0x8A80] =	vst v63  }
0x219: {  	s14 =	sadd.s32 $0x10, s8  }
0x21a: {  	[tilespmem:s20], [sflag:$0x1] =	stream.linear.gather [hbm4b:s14+s6], $0x80, $0x38;
	[tilespmem:$0x8A80] =	vst v63  }
0x21b: {  	s15 =	sadd.s32 $0x20, s9  }
0x21c: {  	[tilespmem:s21], [sflag:$0x1] =	stream.linear.gather [hbm4b:s15+s6], $0x80, $0x38;
	[tilespmem:$0x8A80] =	vst v63  }
0x21d: {  	s17 =	sadd.s32 $0x20, s8  }
0x21e: {  	[tilespmem:s22], [sflag:$0x1] =	stream.linear.gather [hbm4b:s17+s6], $0x80, $0x38;
	[tilespmem:$0x8A80] =	vst v63  }
0x21f: {  	s23 =	sadd.s32 $0x30, s9  }
0x220: {  	[tilespmem:s11], [sflag:$0x1] =	stream.linear.gather [hbm4b:s23+s6], $0x80, $0x38;
	[tilespmem:$0x8A80] =	vst v63  }
0x221: {  	s14 =	sadd.s32 $0x30, s8  }
0x222: {  	[tilespmem:s24], [sflag:$0x1] =	stream.linear.gather [hbm4b:s14+s6], $0x80, $0x38;
	[tilespmem:$0x8A80] =	vst v63  }
0x223: {  	s15 =	sadd.s32 $0x40, s9  }
0x224: {  	[tilespmem:s25], [sflag:$0x1] =	stream.linear.gather [hbm4b:s15+s6], $0x80, $0x38;
	[tilespmem:$0x8A80] =	vst v63  }
0x225: {  	s17 =	sadd.s32 $0x40, s8  }
0x226: {  	[tilespmem:s26], [sflag:$0x1] =	stream.linear.gather [hbm4b:s17+s6], $0x80, $0x38;
	[tilespmem:$0x8A80] =	vst v63  }
0x227: {  	s23 =	sadd.s32 $0x50, s9  }
0x228: {  	[tilespmem:s28], [sflag:$0x1] =	stream.linear.gather [hbm4b:s23+s6], $0x80, $0x38;
	[tilespmem:$0x8A80] =	vst v63  }
0x229: {  	s11 =	sadd.s32 $0x50, s8  }
0x22a: {  	[tilespmem:s29], [sflag:$0x1] =	stream.linear.gather [hbm4b:s11+s6], $0x80, $0x38;
	[tilespmem:$0x8A80] =	vst v63  }
0x22b: {  	s14 =	sadd.s32 $0x60, s9  }
0x22c: {  	[tilespmem:s30], [sflag:$0x1] =	stream.linear.gather [hbm4b:s14+s6], $0x80, $0x38;
	[tilespmem:$0x8A80] =	vst v63  }
0x22d: {  	s15 =	sadd.s32 $0x60, s8  }
0x22e: {  	[tilespmem:s31], [sflag:$0x1] =	stream.linear.gather [hbm4b:s15+s6], $0x80, $0x38;
	[tilespmem:$0x8A80] =	vst v63  }
0x22f: {  	s9 =	sadd.s32 $0x70, s9  }
0x230: {  	[tilespmem:s3], [sflag:$0x1] =	stream.linear.gather [hbm4b:s9+s6], $0x80, $0x38;
	[tilespmem:$0x8A80] =	vst v63  }
0x231: {  	s8 =	sadd.s32 $0x70, s8  }
0x232: {  	[tilespmem:s1], [sflag:$0x1] =	stream.linear.gather [hbm4b:s8+s6], $0x80, $0x38;
	[tilespmem:$0x8A80] =	vst v63  }
0x233: {  	_ =	swait.ge [sflag:s7], $0x80  }
0x234: {  	[sflag:s7] =	ssyncset.done $0x0  }
0x235: {  	[sflag:s7] =	ssyncadd.s32 $0xFFFFFF80  }
0x236: {  	_ =	swait.ge [sflag:s7], $0x80  }
0x237: {  	[sflag:s7] =	ssyncset.done $0x0  }
0x238: {  	[sflag:s7] =	ssyncadd.s32 $0xFFFFFF80  }
0x239: {  	_ =	swait.ge [sflag:s7], $0x80  }
0x23a: {  	[sflag:s7] =	ssyncset.done $0x0  }
0x23b: {  	[sflag:s7] =	ssyncadd.s32 $0xFFFFFF80  }
0x23c: {  	_ =	swait.ge [sflag:s7], $0x80  }
0x23d: {  	[sflag:s7] =	ssyncset.done $0x0  }
0x23e: {  	[sflag:s7] =	ssyncadd.s32 $0xFFFFFF80  }
0x23f: {  	_ =	swait.ge [sflag:s7], $0x80  }
0x240: {  	[sflag:s7] =	ssyncset.done $0x0  }
0x241: {  	[sflag:s7] =	ssyncadd.s32 $0xFFFFFF80  }
0x242: {  	_ =	swait.ge [sflag:s7], $0x80  }
0x243: {  	[sflag:s7] =	ssyncset.done $0x0  }
0x244: {  	[sflag:s7] =	ssyncadd.s32 $0xFFFFFF80  }
0x245: {  	_ =	swait.ge [sflag:s7], $0x80  }
0x246: {  	[sflag:s7] =	ssyncset.done $0x0  }
0x247: {  	[sflag:s7] =	ssyncadd.s32 $0xFFFFFF80  }
0x248: {  	_ =	swait.ge [sflag:s7], $0x80  }
0x249: {  	[sflag:s7] =	ssyncset.done $0x0  }
0x24a: {  	[sflag:s7] =	ssyncadd.s32 $0xFFFFFF80  }
0x24b: {  	_ =	swait.ge [sflag:s7], $0x80  }
0x24c: {  	[sflag:s7] =	ssyncset.done $0x0  }
0x24d: {  	[sflag:s7] =	ssyncadd.s32 $0xFFFFFF80  }
0x24e: {  	_ =	swait.ge [sflag:s7], $0x80  }
0x24f: {  	[sflag:s7] =	ssyncset.done $0x0  }
0x250: {  	[sflag:s7] =	ssyncadd.s32 $0xFFFFFF80  }
0x251: {  	_ =	swait.ge [sflag:s7], $0x80  }
0x252: {  	[sflag:s7] =	ssyncset.done $0x0  }
0x253: {  	[sflag:s7] =	ssyncadd.s32 $0xFFFFFF80  }
0x254: {  	_ =	swait.ge [sflag:s7], $0x80  }
0x255: {  	[sflag:s7] =	ssyncset.done $0x0  }
0x256: {  	[sflag:s7] =	ssyncadd.s32 $0xFFFFFF80  }
0x257: {  	_ =	swait.ge [sflag:s7], $0x80  }
0x258: {  	[sflag:s7] =	ssyncset.done $0x0  }
0x259: {  	[sflag:s7] =	ssyncadd.s32 $0xFFFFFF80  }
0x25a: {  	_ =	swait.ge [sflag:s7], $0x80  }
0x25b: {  	[sflag:s7] =	ssyncset.done $0x0  }
0x25c: {  	[sflag:s7] =	ssyncadd.s32 $0xFFFFFF80  }
0x25d: {  	_ =	swait.ge [sflag:s7], $0x80  }
0x25e: {  	[sflag:s7] =	ssyncset.done $0x0  }
0x25f: {  	[sflag:s7] =	ssyncadd.s32 $0xFFFFFF80  }
0x260: {  	_ =	swait.ge [sflag:s7], $0x80  }
0x261: {  	[sflag:s7] =	ssyncset.done $0x0  }
0x262: {  	[sflag:s7] =	ssyncadd.s32 $0xFFFFFF80  }
0x263: {  	[tilespmem:s13], [sflag:$0x2] =	stream.indirect.gather [spmem:s0], $0x1, s6, s19, $0xb8;
	[tilespmem:$0x8A80] =	vst v63  }
0x264: {  	s14 =	simm.s32 $0x880  }
0x265: {  	[tilespmem:s14], [sflag:$0x2] =	stream.indirect.gather [spmem:s0], $0x1, s19, s19, $0xb8;
	[tilespmem:$0x8A80] =	vst v63  }
0x266: {  	s15 =	simm.s32 $0x900  }
0x267: {  	[tilespmem:s15], [sflag:$0x2] =	stream.indirect.gather [spmem:s0], $0x1, s21, s19, $0xb8;
	[tilespmem:$0x8A80] =	vst v63  }
0x268: {  	s23 =	simm.s32 $0x180;
	s11 =	simm.s32 $0x980  }
0x269: {  	[tilespmem:s11], [sflag:$0x2] =	stream.indirect.gather [spmem:s0], $0x1, s23, s19, $0xb8;
	[tilespmem:$0x8A80] =	vst v63  }
0x26a: {  	s8 =	simm.s32 $0xA00  }
0x26b: {  	[tilespmem:s8], [sflag:$0x2] =	stream.indirect.gather [spmem:s0], $0x1, s25, s19, $0xb8;
	[tilespmem:$0x8A80] =	vst v63  }
0x26c: {  	s9 =	simm.s32 $0xA80  }
0x26d: {  	[tilespmem:s9], [sflag:$0x2] =	stream.indirect.gather [spmem:s0], $0x1, s28, s19, $0xb8;
	[tilespmem:$0x8A80] =	vst v63  }
0x26e: {  	s10 =	simm.s32 $0xB00  }
0x26f: {  	[tilespmem:s10], [sflag:$0x2] =	stream.indirect.gather [spmem:s0], $0x1, s30, s19, $0xb8;
	[tilespmem:$0x8A80] =	vst v63  }
0x270: {  	s17 =	simm.s32 $0xB80  }
0x271: {  	[tilespmem:s17], [sflag:$0x2] =	stream.indirect.gather [spmem:s0], $0x1, s3, s19, $0xb8;
	[tilespmem:$0x8A80] =	vst v63  }
0x272: {  	_ =	swait.ge [sflag:s16], $0x80  }
0x273: {  	[sflag:s16] =	ssyncset.done $0x0  }
0x274: {  	[sflag:s16] =	ssyncadd.s32 $0xFFFFFF80  }
0x275: {  	_ =	swait.ge [sflag:s16], $0x80  }
0x276: {  	[sflag:s16] =	ssyncset.done $0x0  }
0x277: {  	[sflag:s16] =	ssyncadd.s32 $0xFFFFFF80  }
0x278: {  	_ =	swait.ge [sflag:s16], $0x80  }
0x279: {  	[sflag:s16] =	ssyncset.done $0x0  }
0x27a: {  	[sflag:s16] =	ssyncadd.s32 $0xFFFFFF80  }
0x27b: {  	_ =	swait.ge [sflag:s16], $0x80  }
0x27c: {  	[sflag:s16] =	ssyncset.done $0x0  }
0x27d: {  	[sflag:s16] =	ssyncadd.s32 $0xFFFFFF80  }
0x27e: {  	_ =	swait.ge [sflag:s16], $0x80  }
0x27f: {  	[sflag:s16] =	ssyncset.done $0x0  }
0x280: {  	[sflag:s16] =	ssyncadd.s32 $0xFFFFFF80  }
0x281: {  	_ =	swait.ge [sflag:s16], $0x80  }
0x282: {  	[sflag:s16] =	ssyncset.done $0x0  }
0x283: {  	[sflag:s16] =	ssyncadd.s32 $0xFFFFFF80  }
0x284: {  	_ =	swait.ge [sflag:s16], $0x80  }
0x285: {  	[sflag:s16] =	ssyncset.done $0x0  }
0x286: {  	[sflag:s16] =	ssyncadd.s32 $0xFFFFFF80  }
0x287: {  	_ =	swait.ge [sflag:s16], $0x80  }
0x288: {  	[sflag:s16] =	ssyncset.done $0x0  }
0x289: {  	[sflag:s16] =	ssyncadd.s32 $0xFFFFFF80  }
0x28a: {  	[spmem:s4] =	stream.indirect.scatter.add.f32 [tilespmem:s13], [sflag:$0x3], $0x1, s18, s19, $0xb8;
	[tilespmem:$0x8A80] =	vst v63  }
0x28b: {  	_ = 	snop  }
0x28c: {  	[spmem:s4] =	stream.indirect.scatter.add.f32 [tilespmem:s14], [sflag:$0x3], $0x1, s20, s19, $0xb8;
	[tilespmem:$0x8A80] =	vst v63  }
0x28d: {  	_ = 	snop  }
0x28e: {  	[spmem:s4] =	stream.indirect.scatter.add.f32 [tilespmem:s15], [sflag:$0x3], $0x1, s22, s19, $0xb8;
	[tilespmem:$0x8A80] =	vst v63  }
0x28f: {  	_ = 	snop  }
0x290: {  	[spmem:s4] =	stream.indirect.scatter.add.f32 [tilespmem:s11], [sflag:$0x3], $0x1, s24, s19, $0xb8;
	[tilespmem:$0x8A80] =	vst v63  }
0x291: {  	_ = 	snop  }
0x292: {  	[spmem:s4] =	stream.indirect.scatter.add.f32 [tilespmem:s8], [sflag:$0x3], $0x1, s26, s19, $0xb8;
	[tilespmem:$0x8A80] =	vst v63  }
0x293: {  	_ = 	snop  }
0x294: {  	[spmem:s4] =	stream.indirect.scatter.add.f32 [tilespmem:s9], [sflag:$0x3], $0x1, s29, s19, $0xb8;
	[tilespmem:$0x8A80] =	vst v63  }
0x295: {  	_ = 	snop  }
0x296: {  	[spmem:s4] =	stream.indirect.scatter.add.f32 [tilespmem:s10], [sflag:$0x3], $0x1, s31, s19, $0xb8;
	[tilespmem:$0x8A80] =	vst v63  }
0x297: {  	_ = 	snop  }
0x298: {  	[spmem:s4] =	stream.indirect.scatter.add.f32 [tilespmem:s17], [sflag:$0x3], $0x1, s1, s19, $0xb8;
	[tilespmem:$0x8A80] =	vst v63  }
0x299: {  	s8 =	simm.s32 $0xC00  }
0x29a: {  	[tilespmem:s8], [sflag:$0x2] =	stream.indirect.gather [spmem:s2], $0x1, s18, s19, $0xb8;
	[tilespmem:$0x8A80] =	vst v63  }
0x29b: {  	s9 =	simm.s32 $0xC80  }
0x29c: {  	[tilespmem:s9], [sflag:$0x2] =	stream.indirect.gather [spmem:s2], $0x1, s20, s19, $0xb8;
	[tilespmem:$0x8A80] =	vst v63  }
0x29d: {  	s10 =	simm.s32 $0xD00  }
0x29e: {  	[tilespmem:s10], [sflag:$0x2] =	stream.indirect.gather [spmem:s2], $0x1, s22, s19, $0xb8;
	[tilespmem:$0x8A80] =	vst v63  }
0x29f: {  	s11 =	simm.s32 $0xD80  }
0x2a0: {  	[tilespmem:s11], [sflag:$0x2] =	stream.indirect.gather [spmem:s2], $0x1, s24, s19, $0xb8;
	[tilespmem:$0x8A80] =	vst v63  }
0x2a1: {  	s13 =	simm.s32 $0xE00  }
0x2a2: {  	[tilespmem:s13], [sflag:$0x2] =	stream.indirect.gather [spmem:s2], $0x1, s26, s19, $0xb8;
	[tilespmem:$0x8A80] =	vst v63  }
0x2a3: {  	s14 =	simm.s32 $0xE80  }
0x2a4: {  	[tilespmem:s14], [sflag:$0x2] =	stream.indirect.gather [spmem:s2], $0x1, s29, s19, $0xb8;
	[tilespmem:$0x8A80] =	vst v63  }
0x2a5: {  	s15 =	simm.s32 $0xF00  }
0x2a6: {  	[tilespmem:s15], [sflag:$0x2] =	stream.indirect.gather [spmem:s2], $0x1, s31, s19, $0xb8;
	[tilespmem:$0x8A80] =	vst v63  }
0x2a7: {  	s17 =	simm.s32 $0xF80  }
0x2a8: {  	[tilespmem:s17], [sflag:$0x2] =	stream.indirect.gather [spmem:s2], $0x1, s1, s19, $0xb8;
	[tilespmem:$0x8A80] =	vst v63  }
0x2a9: {  	_ =	swait.ge [sflag:s16], $0x80  }
0x2aa: {  	[sflag:s16] =	ssyncset.done $0x0  }
0x2ab: {  	[sflag:s16] =	ssyncadd.s32 $0xFFFFFF80  }
0x2ac: {  	_ =	swait.ge [sflag:s16], $0x80  }
0x2ad: {  	[sflag:s16] =	ssyncset.done $0x0  }
0x2ae: {  	[sflag:s16] =	ssyncadd.s32 $0xFFFFFF80  }
0x2af: {  	_ =	swait.ge [sflag:s16], $0x80  }
0x2b0: {  	[sflag:s16] =	ssyncset.done $0x0  }
0x2b1: {  	[sflag:s16] =	ssyncadd.s32 $0xFFFFFF80  }
0x2b2: {  	_ =	swait.ge [sflag:s16], $0x80  }
0x2b3: {  	[sflag:s16] =	ssyncset.done $0x0  }
0x2b4: {  	[sflag:s16] =	ssyncadd.s32 $0xFFFFFF80  }
0x2b5: {  	_ =	swait.ge [sflag:s16], $0x80  }
0x2b6: {  	[sflag:s16] =	ssyncset.done $0x0  }
0x2b7: {  	[sflag:s16] =	ssyncadd.s32 $0xFFFFFF80  }
0x2b8: {  	_ =	swait.ge [sflag:s16], $0x80  }
0x2b9: {  	[sflag:s16] =	ssyncset.done $0x0  }
0x2ba: {  	[sflag:s16] =	ssyncadd.s32 $0xFFFFFF80  }
0x2bb: {  	_ =	swait.ge [sflag:s16], $0x80  }
0x2bc: {  	[sflag:s16] =	ssyncset.done $0x0  }
0x2bd: {  	[sflag:s16] =	ssyncadd.s32 $0xFFFFFF80  }
0x2be: {  	_ =	swait.ge [sflag:s16], $0x80  }
0x2bf: {  	[sflag:s16] =	ssyncset.done $0x0  }
0x2c0: {  	[sflag:s16] =	ssyncadd.s32 $0xFFFFFF80  }
0x2c1: {  	[spmem:s5] =	stream.indirect.scatter.add.f32 [tilespmem:s8], [sflag:$0x3], $0x1, s6, s19, $0xb8;
	[tilespmem:$0x8A80] =	vst v63  }
0x2c2: {  	_ = 	snop  }
0x2c3: {  	[spmem:s5] =	stream.indirect.scatter.add.f32 [tilespmem:s9], [sflag:$0x3], $0x1, s19, s19, $0xb8;
	[tilespmem:$0x8A80] =	vst v63  }
0x2c4: {  	_ = 	snop  }
0x2c5: {  	[spmem:s5] =	stream.indirect.scatter.add.f32 [tilespmem:s10], [sflag:$0x3], $0x1, s21, s19, $0xb8;
	[tilespmem:$0x8A80] =	vst v63  }
0x2c6: {  	_ = 	snop  }
0x2c7: {  	[spmem:s5] =	stream.indirect.scatter.add.f32 [tilespmem:s11], [sflag:$0x3], $0x1, s23, s19, $0xb8;
	[tilespmem:$0x8A80] =	vst v63  }
0x2c8: {  	_ = 	snop  }
0x2c9: {  	[spmem:s5] =	stream.indirect.scatter.add.f32 [tilespmem:s13], [sflag:$0x3], $0x1, s25, s19, $0xb8;
	[tilespmem:$0x8A80] =	vst v63  }
0x2ca: {  	_ = 	snop  }
0x2cb: {  	[spmem:s5] =	stream.indirect.scatter.add.f32 [tilespmem:s14], [sflag:$0x3], $0x1, s28, s19, $0xb8;
	[tilespmem:$0x8A80] =	vst v63  }
0x2cc: {  	_ = 	snop  }
0x2cd: {  	[spmem:s5] =	stream.indirect.scatter.add.f32 [tilespmem:s15], [sflag:$0x3], $0x1, s30, s19, $0xb8;
	[tilespmem:$0x8A80] =	vst v63  }
0x2ce: {  	_ = 	snop  }
0x2cf: {  	[spmem:s5] =	stream.indirect.scatter.add.f32 [tilespmem:s17], [sflag:$0x3], $0x1, s3, s19, $0xb8;
	[tilespmem:$0x8A80] =	vst v63  }
0x2d0: {  	_ =	swait.ge [sflag:s12], $0x80  }
0x2d1: {  	[sflag:s12] =	ssyncset.done $0x0  }
0x2d2: {  	[sflag:s12] =	ssyncadd.s32 $0xFFFFFF80  }
0x2d3: {  	_ =	swait.ge [sflag:s12], $0x80  }
0x2d4: {  	[sflag:s12] =	ssyncset.done $0x0  }
0x2d5: {  	[sflag:s12] =	ssyncadd.s32 $0xFFFFFF80  }
0x2d6: {  	_ =	swait.ge [sflag:s12], $0x80  }
0x2d7: {  	[sflag:s12] =	ssyncset.done $0x0  }
0x2d8: {  	[sflag:s12] =	ssyncadd.s32 $0xFFFFFF80  }
0x2d9: {  	_ =	swait.ge [sflag:s12], $0x80  }
0x2da: {  	[sflag:s12] =	ssyncset.done $0x0  }
0x2db: {  	[sflag:s12] =	ssyncadd.s32 $0xFFFFFF80  }
0x2dc: {  	_ =	swait.ge [sflag:s12], $0x80  }
0x2dd: {  	[sflag:s12] =	ssyncset.done $0x0  }
0x2de: {  	[sflag:s12] =	ssyncadd.s32 $0xFFFFFF80  }
0x2df: {  	_ =	swait.ge [sflag:s12], $0x80  }
0x2e0: {  	[sflag:s12] =	ssyncset.done $0x0  }
0x2e1: {  	[sflag:s12] =	ssyncadd.s32 $0xFFFFFF80  }
0x2e2: {  	_ =	swait.ge [sflag:s12], $0x80  }
0x2e3: {  	[sflag:s12] =	ssyncset.done $0x0  }
0x2e4: {  	[sflag:s12] =	ssyncadd.s32 $0xFFFFFF80  }
0x2e5: {  	_ =	swait.ge [sflag:s12], $0x80  }
0x2e6: {  	[sflag:s12] =	ssyncset.done $0x0  }
0x2e7: {  	[sflag:s12] =	ssyncadd.s32 $0xFFFFFF80  }
0x2e8: {  	_ =	swait.ge [sflag:s12], $0x80  }
0x2e9: {  	[sflag:s12] =	ssyncset.done $0x0  }
0x2ea: {  	[sflag:s12] =	ssyncadd.s32 $0xFFFFFF80  }
0x2eb: {  	_ =	swait.ge [sflag:s12], $0x80  }
0x2ec: {  	[sflag:s12] =	ssyncset.done $0x0  }
0x2ed: {  	[sflag:s12] =	ssyncadd.s32 $0xFFFFFF80  }
0x2ee: {  	_ =	swait.ge [sflag:s12], $0x80  }
0x2ef: {  	[sflag:s12] =	ssyncset.done $0x0  }
0x2f0: {  	[sflag:s12] =	ssyncadd.s32 $0xFFFFFF80  }
0x2f1: {  	_ =	swait.ge [sflag:s12], $0x80  }
0x2f2: {  	[sflag:s12] =	ssyncset.done $0x0  }
0x2f3: {  	[sflag:s12] =	ssyncadd.s32 $0xFFFFFF80  }
0x2f4: {  	_ =	swait.ge [sflag:s12], $0x80  }
0x2f5: {  	[sflag:s12] =	ssyncset.done $0x0  }
0x2f6: {  	[sflag:s12] =	ssyncadd.s32 $0xFFFFFF80  }
0x2f7: {  	_ =	swait.ge [sflag:s12], $0x80  }
0x2f8: {  	[sflag:s12] =	ssyncset.done $0x0  }
0x2f9: {  	[sflag:s12] =	ssyncadd.s32 $0xFFFFFF80  }
0x2fa: {  	_ =	swait.ge [sflag:s12], $0x80  }
0x2fb: {  	[sflag:s12] =	ssyncset.done $0x0  }
0x2fc: {  	[sflag:s12] =	ssyncadd.s32 $0xFFFFFF80  }
0x2fd: {  	_ =	swait.ge [sflag:s12], $0x80  }
0x2fe: {  	[sflag:s12] =	ssyncset.done $0x0  }
0x2ff: {  	[sflag:s12] =	ssyncadd.s32 $0xFFFFFF80  }
0x300: {  	s17 =	stileid.u32;
	[bflag:$0x0] =	sbarrier.arrive $0xFFFF  }
0x301: {  	s13 =	simm.s32 $0x4;
	s8 =	sshll.u32 s17, $0x6;
	s10 =	rddreg [dreg:$0xc]  }
0x302: {  	s8 =	sor.u32 $0x1C04, s8;
	s11 =	rddreg [dreg:$0xe];
	s23 =	sshrl.u32 s10, $0x3  }
0x303: {  	[hbm:s11], [sflag:s8] =	dma.local [spmem:s23], $0x310  }
0x304: {  	_ =	swait.ge [sflag:s13], $0x310  }
0x305: {  	[sflag:s13] =	ssyncset.done $0x0  }
0x306: {  	[sflag:s13] =	ssyncadd.s32 $0xFFFFFCF0;
	s13 =	rddreg [dreg:$0xd]  }
0x307: {  	s9 =	simm.s32 $0x4;
	s15 =	rddreg [dreg:$0xf];
	s14 =	sshrl.u32 s13, $0x3  }
0x308: {  	[hbm:s15], [sflag:s8] =	dma.local [spmem:s14], $0x310  }
0x309: {  	_ =	swait.ge [sflag:s9], $0x310  }
0x30a: {  	s17 =	rddreg [dreg:$0x11]  }
0x30b: {  	s23 =	rddreg [dreg:$0x10];
	s11 =	sadd.s32 $0x1, s17  }
0x30c: {  	p0 =	sne.s32 s11, s23  }
.Ltmp2:
0x30d: {  	_ = 	snop;
	(pc) =	sbr.rel @p0 .LBB2_1-.Ltmp2, $3  }
0x30e: {  	_ =	sdelay $0x1  }
0x30f: {  	[sflag:s9] =	ssyncset.done $0x0  }
0x310: {  	[sflag:s9] =	ssyncadd.s32 $0xFFFFFCF0;
	s17 =	simm.s32 $0x1000  }
0x311: {  	_ =	sfence.sel $0x180000  }
0x312: {  	[bflag:$0x0] =	sbarrier.arrive $0xFFFF  }
0x313: {  	_ =	strace $0x9000004A  }
0x314: {  	s0 =	stileid.u32;
	[bflag:$0x2] =	sbarrier.arrive $0xFFFF  }
0x315: {  	p0 =	sne.s32 s0, $0x0;
	s0 =	rddreg [dreg:$0x5]  }
0x316: {  	s0 =	sadd.s32 @!p0 $0x100000, s0  }
0x317: {  	[sflag:s0] =	ssyncadd.tile.s32 @!p0 $0x1;
	_ =	shalt  }
.Lfunc_end2:
_tile_overlayer_lowered:
.L_overlay_start_2:
0x318: {  	(tag) =	ssettag $0x2  }
0x319: {  	s0 =	rddreg [dreg:$0x0];
	s2 =	stileid.u32  }
0x31a: {  	s1 =	rddreg [dreg:$0x1];
	p0 =	sne.s32 s2, $0x0  }
0x31b: {  	s3 =	rddreg [dreg:$0x2];
	[bflag:$0x3] =	sbarrier.arrive $0xFFFF;
	s2 =	simm.s32 @!p0 $0x1C04  }
0x31c: {  	[timem:s3], [sflag:s2] =	dma.local @!p0 [hbm:s0], s1  }
0x31d: {  	s0 =	simm.s32 @!p0 $0x4  }
0x31e: {  	_ =	swait.ge @!p0 [sflag:s0], s1  }
0x31f: {  	s1 =	ssub.s32 @!p0 $0x0, s1;
	[sflag:s0] =	ssyncset.done @!p0 $0x0  }
0x320: {  	[sflag:s0] =	ssyncadd.s32 @!p0 s1  }
0x321: {  	[bflag:$0x3] =	sbarrier.arrive $0xFFFF  }
0x322: {  	_ =	shalt  }

</sc_bundles>
